<compile_context>
chip_gen: v7x
topology: tpu7x:2x2x1
jax: 0.10.2.dev20260603
libtpu: 0.0.44.dev20260713+nightly
codegen_flags: <defaults>
</compile_context>

<pallas_src>
import dataclasses
import functools

import jax
import jax.numpy as jnp
from jax import lax
from jax.experimental import pallas as pl
from jax.experimental.pallas import tpu as pltpu
from jax.experimental.pallas import tpu_sc as plsc

_B = 16384
_D = 64
_V = 100000
_NC = 2
_NS = 16
_L = 16
_NW = _NC * _NS
_FPW = _D // _NW
_BCHUNK = 4096
_NBCH = _B // _BCHUNK


def _sc_compiler_params():
    cp = pltpu.CompilerParams(
        disable_bounds_checks=True,
        disable_semaphore_checks=True,
    )
    if "needs_layout_passes" in pltpu.CompilerParams.__dataclass_fields__:
        cp = dataclasses.replace(cp, needs_layout_passes=False)
    return cp


def _make_gather_kernel():
    mesh = plsc.VectorSubcoreMesh(
        core_axis_name="c", subcore_axis_name="s",
        num_cores=_NC, num_subcores=_NS,
    )

    @functools.partial(
        pl.kernel,
        out_type=jax.ShapeDtypeStruct((_D, _B), jnp.float32),
        mesh=mesh,
        scratch_types=[
            pltpu.VMEM((_V,), jnp.float32),
            pltpu.VMEM((_B,), jnp.int32),
            pltpu.VMEM((_BCHUNK,), jnp.float32),
            pltpu.VMEM((_BCHUNK,), jnp.float32),
            pltpu.SemaphoreType.DMA,
            pltpu.SemaphoreType.DMA,
            pltpu.SemaphoreType.DMA,
        ],
        compiler_params=_sc_compiler_params(),
    )
    def gather_kernel(ct_hbm, lab_hbm, out_hbm, row_v, lab_v, o0_v, o1_v,
                      rsem, lsem, osem):
        o_bufs = (o0_v, o1_v)
        wid = lax.axis_index("s") * _NC + lax.axis_index("c")
        rcp = pltpu.async_copy(ct_hbm.at[wid * _FPW], row_v, rsem)
        lcp = pltpu.async_copy(lab_hbm, lab_v, lsem)
        ocps = [None, None]
        for t in range(_FPW):
            f = wid * _FPW + t
            rcp.wait()
            if t == 0:
                lcp.wait()
            for k in range(_NBCH):
                buf = k % 2
                if ocps[buf] is not None:
                    ocps[buf].wait()

                @pl.loop(0, _BCHUNK, step=16 * _L)
                def _(j):
                    idxs = [lab_v[pl.ds(k * _BCHUNK + j + u * _L, _L)]
                            for u in range(16)]
                    gs = [plsc.load_gather(row_v, [idxs[u]])
                          for u in range(16)]
                    for u in range(16):
                        o_bufs[buf][pl.ds(j + u * _L, _L)] = gs[u]

                if t + 1 == _FPW and k + 1 == _NBCH:
                    pass
                elif k + 1 == _NBCH:
                    rcp = pltpu.async_copy(ct_hbm.at[f + 1], row_v, rsem)
                ocps[buf] = pltpu.async_copy(
                    o_bufs[buf],
                    out_hbm.at[f, pl.ds(k * _BCHUNK, _BCHUNK)],
                    osem)
        for cp in ocps:
            if cp is not None:
                cp.wait()

    return gather_kernel


_GATHER = _make_gather_kernel()

_BC = 8192


def _loss_body(xt_ref, g_ref, o_ref):
    i = pl.program_id(0)
    d = xt_ref[...] - g_ref[...]
    s = jnp.sum(d * d, axis=0, keepdims=True)
    s = jnp.minimum(jnp.maximum(s, 1e-12), 1e12)
    part = jnp.sum(s) * (1.0 / _B)

    @pl.when(i == 0)
    def _():
        o_ref[...] = jnp.zeros((1, 128), jnp.float32)

    o_ref[...] += jnp.full((1, 128), part, jnp.float32)


_LOSS = pl.pallas_call(
    _loss_body,
    out_shape=jax.ShapeDtypeStruct((1, 128), jnp.float32),
    grid=(_B // _BC,),
    in_specs=[
        pl.BlockSpec((_D, _BC), lambda i: (0, i)),
        pl.BlockSpec((_D, _BC), lambda i: (0, i)),
    ],
    out_specs=pl.BlockSpec((1, 128), lambda i: (0, 0)),
)


def kernel(x, labels, centers):
    xt = x.T
    ct = centers.T
    lab = labels.astype(jnp.int32)
    g = _GATHER(ct, lab)
    return _LOSS(xt, g)[0, 0]

# --- scband reference (transcript-rebuilt; emitter-appended) ---
"""Pipeline reference for scband-center-loss-62680752718119 (READ-ONLY COPY).

The authoritative reference and input builder live on the scoring server;
editing this copy changes nothing except your own understanding.
"""

import jax, jax.numpy as jnp
import numpy as np

NUM_CLASS = 100000
NUM_FEATURE = 64
BATCH = 16384


def setup_inputs(seed: int = 0) -> dict:
    key = jax.random.key(seed)
    k1, k2, k3 = jax.random.split(key, 3)
    x = jax.random.normal(k1, (BATCH, NUM_FEATURE), dtype=jnp.float32)
    labels = jax.random.randint(k2, (BATCH,), 0, NUM_CLASS, dtype=jnp.int64)
    centers = jax.random.normal(k3, (NUM_CLASS, NUM_FEATURE), dtype=jnp.float32)
    return {"x": x, "labels": labels, "centers": centers}


def reference(x, labels, centers):
    # center = self.centers[labels]  -> gather rows from the centers table
    center = jnp.take(centers, labels, axis=0)
    # dist = (x - center).pow(2).sum(dim=-1)
    dist = jnp.sum((x - center) ** 2, axis=-1)
    # loss = torch.clamp(dist, min=1e-12, max=1e12).mean(dim=-1)
    loss = jnp.mean(jnp.clip(dist, 1e-12, 1000000000000.0), axis=-1)
    return loss

if __name__ == "__main__":
    import jax
    _d = setup_inputs()
    print(jax.jit(kernel)(*tuple(_d.values())))

</pallas_src>

<mosaic_0001>
#map = affine_map<(d0, d1) -> (0, 0)>
#map1 = affine_map<(d0, d1) -> (0)>
module attributes {stable_mosaic.version = 14 : i64} {
  func.func @gather_kernel(%arg0: i32, %arg1: i32, %arg2: memref<64x100000xf32, #tpu.memory_space<hbm>>, %arg3: memref<16384xi32, #tpu.memory_space<hbm>>, %arg4: memref<64x16384xf32, #tpu.memory_space<hbm>>, %arg5: memref<100000xf32, #tpu.memory_space<vmem>>, %arg6: memref<16384xi32, #tpu.memory_space<vmem>>, %arg7: memref<4096xf32, #tpu.memory_space<vmem>>, %arg8: memref<4096xf32, #tpu.memory_space<vmem>>, %arg9: memref<!tpu.dma_semaphore, #tpu.memory_space<semaphore_mem>>, %arg10: memref<!tpu.dma_semaphore, #tpu.memory_space<semaphore_mem>>, %arg11: memref<!tpu.dma_semaphore, #tpu.memory_space<semaphore_mem>>) attributes {dimension_semantics = [#tpu.dimension_semantics<core_parallel>, #tpu.dimension_semantics<subcore_parallel>], iteration_bounds = array<i64: 2, 16>, scalar_prefetch = 0 : i64, scratch_operands = 7 : i64, tpu.core_type = #tpu.core_type<sc_vector_subcore>, window_params = [{transform_indices = #map}, {transform_indices = #map1}, {transform_indices = #map}]} {
    %mul3A = arith.constant 2 : i32
    %mul3A_0 = arith.muli %arg1, %mul3A : i32
    %add3A = arith.addi %mul3A_0, %arg0 : i32
    %mul3A_1 = arith.constant 2 : i32
    %mul3A_2 = arith.muli %add3A, %mul3A_1 : i32
    %dma_start3A = arith.constant 0 : i32
    %dma_start3A_3 = tpu.memref_slice %arg2[%mul3A_2, %dma_start3A] : memref<64x100000xf32, #tpu.memory_space<hbm>> -> memref<1x100000xf32, #tpu.memory_space<hbm>>
    %dma_start3A_4 = tpu.memref_squeeze %dma_start3A_3 : memref<1x100000xf32, #tpu.memory_space<hbm>> -> memref<100000xf32, #tpu.memory_space<hbm>>
    %dma_start3A_5 = arith.constant 0 : i32
    %dma_start3A_6 = tpu.memref_slice %arg2[%mul3A_2, %dma_start3A_5] : memref<64x100000xf32, #tpu.memory_space<hbm>> -> memref<1x100000xf32, #tpu.memory_space<hbm>>
    %dma_start3A_7 = tpu.memref_squeeze %dma_start3A_6 : memref<1x100000xf32, #tpu.memory_space<hbm>> -> memref<100000xf32, #tpu.memory_space<hbm>>
    tpu.enqueue_dma source(%dma_start3A_7 : memref<100000xf32, #tpu.memory_space<hbm>>) target(%arg5 : memref<100000xf32, #tpu.memory_space<vmem>>) target_semaphore(%arg9 : memref<!tpu.dma_semaphore, #tpu.memory_space<semaphore_mem>>)
    tpu.enqueue_dma source(%arg3 : memref<16384xi32, #tpu.memory_space<hbm>>) target(%arg6 : memref<16384xi32, #tpu.memory_space<vmem>>) target_semaphore(%arg10 : memref<!tpu.dma_semaphore, #tpu.memory_space<semaphore_mem>>)
    %mul3A_8 = arith.constant 2 : i32
    %mul3A_9 = arith.muli %add3A, %mul3A_8 : i32
    %add3A_10 = arith.constant 0 : i32
    %add3A_11 = arith.addi %mul3A_9, %add3A_10 : i32
    %dma_wait3A = arith.constant 0 : i32
    %dma_wait3A_12 = tpu.memref_slice %arg2[%mul3A_2, %dma_wait3A] : memref<64x100000xf32, #tpu.memory_space<hbm>> -> memref<1x100000xf32, #tpu.memory_space<hbm>>
    %dma_wait3A_13 = tpu.memref_squeeze %dma_wait3A_12 : memref<1x100000xf32, #tpu.memory_space<hbm>> -> memref<100000xf32, #tpu.memory_space<hbm>>
    %dma_wait3A_14 = arith.constant 0 : i32
    %dma_wait3A_15 = tpu.memref_slice %arg2[%mul3A_2, %dma_wait3A_14] : memref<64x100000xf32, #tpu.memory_space<hbm>> -> memref<1x100000xf32, #tpu.memory_space<hbm>>
    %dma_wait3A_16 = tpu.memref_squeeze %dma_wait3A_15 : memref<1x100000xf32, #tpu.memory_space<hbm>> -> memref<100000xf32, #tpu.memory_space<hbm>>
    tpu.wait_dma2 semaphore(%arg9 : memref<!tpu.dma_semaphore, #tpu.memory_space<semaphore_mem>>) src(%dma_wait3A_16 : memref<100000xf32, #tpu.memory_space<hbm>>) dst(%arg5 : memref<100000xf32, #tpu.memory_space<vmem>>)
    tpu.wait_dma2 semaphore(%arg10 : memref<!tpu.dma_semaphore, #tpu.memory_space<semaphore_mem>>) src(%arg3 : memref<16384xi32, #tpu.memory_space<hbm>>) dst(%arg6 : memref<16384xi32, #tpu.memory_space<vmem>>)
    %scan3A = arith.constant 0 : i32
    %scan3A_17 = arith.constant 16 : i32
    %scan3A_18 = arith.addi %scan3A, %scan3A_17 : i32
    %scan3A_19 = arith.constant 1 : i32
    scf.for %scan3A_170 = %scan3A to %scan3A_18 step %scan3A_19  : i32 {
      %mul3A_171 = arith.constant 256 : i32
      %mul3A_172 = arith.muli %scan3A_170, %mul3A_171 : i32
      %add3A_173 = arith.constant 0 : i32
      %add3A_174 = arith.addi %add3A_173, %mul3A_172 : i32
      %add3A_175 = arith.constant 0 : i32
      %add3A_176 = arith.addi %add3A_175, %add3A_174 : i32
      %add3A_177 = arith.constant 0 : i32
      %add3A_178 = arith.addi %add3A_176, %add3A_177 : i32
      %get3A = arith.index_cast %add3A_178 : i32 to index
      %get3A_179 = tpu.vector_load %arg6[%get3A] {strides = array<i32>} : memref<16384xi32, #tpu.memory_space<vmem>>, vector<16xi32>,
      %add3A_180 = arith.constant 0 : i32
      %add3A_181 = arith.addi %add3A_180, %add3A_174 : i32
      %add3A_182 = arith.constant 16 : i32
      %add3A_183 = arith.addi %add3A_181, %add3A_182 : i32
      %get3A_184 = arith.index_cast %add3A_183 : i32 to index
      %get3A_185 = tpu.vector_load %arg6[%get3A_184] {strides = array<i32>} : memref<16384xi32, #tpu.memory_space<vmem>>, vector<16xi32>,
      %add3A_186 = arith.constant 0 : i32
      %add3A_187 = arith.addi %add3A_186, %add3A_174 : i32
      %add3A_188 = arith.constant 32 : i32
      %add3A_189 = arith.addi %add3A_187, %add3A_188 : i32
      %get3A_190 = arith.index_cast %add3A_189 : i32 to index
      %get3A_191 = tpu.vector_load %arg6[%get3A_190] {strides = array<i32>} : memref<16384xi32, #tpu.memory_space<vmem>>, vector<16xi32>,
      %add3A_192 = arith.constant 0 : i32
      %add3A_193 = arith.addi %add3A_192, %add3A_174 : i32
      %add3A_194 = arith.constant 48 : i32
      %add3A_195 = arith.addi %add3A_193, %add3A_194 : i32
      %get3A_196 = arith.index_cast %add3A_195 : i32 to index
      %get3A_197 = tpu.vector_load %arg6[%get3A_196] {strides = array<i32>} : memref<16384xi32, #tpu.memory_space<vmem>>, vector<16xi32>,
      %add3A_198 = arith.constant 0 : i32
      %add3A_199 = arith.addi %add3A_198, %add3A_174 : i32
      %add3A_200 = arith.constant 64 : i32
      %add3A_201 = arith.addi %add3A_199, %add3A_200 : i32
      %get3A_202 = arith.index_cast %add3A_201 : i32 to index
      %get3A_203 = tpu.vector_load %arg6[%get3A_202] {strides = array<i32>} : memref<16384xi32, #tpu.memory_space<vmem>>, vector<16xi32>,
      %add3A_204 = arith.constant 0 : i32
      %add3A_205 = arith.addi %add3A_204, %add3A_174 : i32
      %add3A_206 = arith.constant 80 : i32
      %add3A_207 = arith.addi %add3A_205, %add3A_206 : i32
      %get3A_208 = arith.index_cast %add3A_207 : i32 to index
      %get3A_209 = tpu.vector_load %arg6[%get3A_208] {strides = array<i32>} : memref<16384xi32, #tpu.memory_space<vmem>>, vector<16xi32>,
      %add3A_210 = arith.constant 0 : i32
      %add3A_211 = arith.addi %add3A_210, %add3A_174 : i32
      %add3A_212 = arith.constant 96 : i32
      %add3A_213 = arith.addi %add3A_211, %add3A_212 : i32
      %get3A_214 = arith.index_cast %add3A_213 : i32 to index
      %get3A_215 = tpu.vector_load %arg6[%get3A_214] {strides = array<i32>} : memref<16384xi32, #tpu.memory_space<vmem>>, vector<16xi32>,
      %add3A_216 = arith.constant 0 : i32
      %add3A_217 = arith.addi %add3A_216, %add3A_174 : i32
      %add3A_218 = arith.constant 112 : i32
      %add3A_219 = arith.addi %add3A_217, %add3A_218 : i32
      %get3A_220 = arith.index_cast %add3A_219 : i32 to index
      %get3A_221 = tpu.vector_load %arg6[%get3A_220] {strides = array<i32>} : memref<16384xi32, #tpu.memory_space<vmem>>, vector<16xi32>,
      %add3A_222 = arith.constant 0 : i32
      %add3A_223 = arith.addi %add3A_222, %add3A_174 : i32
      %add3A_224 = arith.constant 128 : i32
      %add3A_225 = arith.addi %add3A_223, %add3A_224 : i32
      %get3A_226 = arith.index_cast %add3A_225 : i32 to index
      %get3A_227 = tpu.vector_load %arg6[%get3A_226] {strides = array<i32>} : memref<16384xi32, #tpu.memory_space<vmem>>, vector<16xi32>,
      %add3A_228 = arith.constant 0 : i32
      %add3A_229 = arith.addi %add3A_228, %add3A_174 : i32
      %add3A_230 = arith.constant 144 : i32
      %add3A_231 = arith.addi %add3A_229, %add3A_230 : i32
      %get3A_232 = arith.index_cast %add3A_231 : i32 to index
      %get3A_233 = tpu.vector_load %arg6[%get3A_232] {strides = array<i32>} : memref<16384xi32, #tpu.memory_space<vmem>>, vector<16xi32>,
      %add3A_234 = arith.constant 0 : i32
      %add3A_235 = arith.addi %add3A_234, %add3A_174 : i32
      %add3A_236 = arith.constant 160 : i32
      %add3A_237 = arith.addi %add3A_235, %add3A_236 : i32
      %get3A_238 = arith.index_cast %add3A_237 : i32 to index
      %get3A_239 = tpu.vector_load %arg6[%get3A_238] {strides = array<i32>} : memref<16384xi32, #tpu.memory_space<vmem>>, vector<16xi32>,
      %add3A_240 = arith.constant 0 : i32
      %add3A_241 = arith.addi %add3A_240, %add3A_174 : i32
      %add3A_242 = arith.constant 176 : i32
      %add3A_243 = arith.addi %add3A_241, %add3A_242 : i32
      %get3A_244 = arith.index_cast %add3A_243 : i32 to index
      %get3A_245 = tpu.vector_load %arg6[%get3A_244] {strides = array<i32>} : memref<16384xi32, #tpu.memory_space<vmem>>, vector<16xi32>,
      %add3A_246 = arith.constant 0 : i32
      %add3A_247 = arith.addi %add3A_246, %add3A_174 : i32
      %add3A_248 = arith.constant 192 : i32
      %add3A_249 = arith.addi %add3A_247, %add3A_248 : i32
      %get3A_250 = arith.index_cast %add3A_249 : i32 to index
      %get3A_251 = tpu.vector_load %arg6[%get3A_250] {strides = array<i32>} : memref<16384xi32, #tpu.memory_space<vmem>>, vector<16xi32>,
      %add3A_252 = arith.constant 0 : i32
      %add3A_253 = arith.addi %add3A_252, %add3A_174 : i32
      %add3A_254 = arith.constant 208 : i32
      %add3A_255 = arith.addi %add3A_253, %add3A_254 : i32
      %get3A_256 = arith.index_cast %add3A_255 : i32 to index
      %get3A_257 = tpu.vector_load %arg6[%get3A_256] {strides = array<i32>} : memref<16384xi32, #tpu.memory_space<vmem>>, vector<16xi32>,
      %add3A_258 = arith.constant 0 : i32
      %add3A_259 = arith.addi %add3A_258, %add3A_174 : i32
      %add3A_260 = arith.constant 224 : i32
      %add3A_261 = arith.addi %add3A_259, %add3A_260 : i32
      %get3A_262 = arith.index_cast %add3A_261 : i32 to index
      %get3A_263 = tpu.vector_load %arg6[%get3A_262] {strides = array<i32>} : memref<16384xi32, #tpu.memory_space<vmem>>, vector<16xi32>,
      %add3A_264 = arith.constant 0 : i32
      %add3A_265 = arith.addi %add3A_264, %add3A_174 : i32
      %add3A_266 = arith.constant 240 : i32
      %add3A_267 = arith.addi %add3A_265, %add3A_266 : i32
      %get3A_268 = arith.index_cast %add3A_267 : i32 to index
      %get3A_269 = tpu.vector_load %arg6[%get3A_268] {strides = array<i32>} : memref<16384xi32, #tpu.memory_space<vmem>>, vector<16xi32>,
      %gather3A = tpu.vector_load_idx %arg5[%get3A_179] : memref<100000xf32, #tpu.memory_space<vmem>>[vector<16xi32>], vector<16xf32>,
      %gather3A_270 = tpu.vector_load_idx %arg5[%get3A_185] : memref<100000xf32, #tpu.memory_space<vmem>>[vector<16xi32>], vector<16xf32>,
      %gather3A_271 = tpu.vector_load_idx %arg5[%get3A_191] : memref<100000xf32, #tpu.memory_space<vmem>>[vector<16xi32>], vector<16xf32>,
      %gather3A_272 = tpu.vector_load_idx %arg5[%get3A_197] : memref<100000xf32, #tpu.memory_space<vmem>>[vector<16xi32>], vector<16xf32>,
      %gather3A_273 = tpu.vector_load_idx %arg5[%get3A_203] : memref<100000xf32, #tpu.memory_space<vmem>>[vector<16xi32>], vector<16xf32>,
      %gather3A_274 = tpu.vector_load_idx %arg5[%get3A_209] : memref<100000xf32, #tpu.memory_space<vmem>>[vector<16xi32>], vector<16xf32>,
      %gather3A_275 = tpu.vector_load_idx %arg5[%get3A_215] : memref<100000xf32, #tpu.memory_space<vmem>>[vector<16xi32>], vector<16xf32>,
      %gather3A_276 = tpu.vector_load_idx %arg5[%get3A_221] : memref<100000xf32, #tpu.memory_space<vmem>>[vector<16xi32>], vector<16xf32>,
      %gather3A_277 = tpu.vector_load_idx %arg5[%get3A_227] : memref<100000xf32, #tpu.memory_space<vmem>>[vector<16xi32>], vector<16xf32>,
      %gather3A_278 = tpu.vector_load_idx %arg5[%get3A_233] : memref<100000xf32, #tpu.memory_space<vmem>>[vector<16xi32>], vector<16xf32>,
      %gather3A_279 = tpu.vector_load_idx %arg5[%get3A_239] : memref<100000xf32, #tpu.memory_space<vmem>>[vector<16xi32>], vector<16xf32>,
      %gather3A_280 = tpu.vector_load_idx %arg5[%get3A_245] : memref<100000xf32, #tpu.memory_space<vmem>>[vector<16xi32>], vector<16xf32>,
      %gather3A_281 = tpu.vector_load_idx %arg5[%get3A_251] : memref<100000xf32, #tpu.memory_space<vmem>>[vector<16xi32>], vector<16xf32>,
      %gather3A_282 = tpu.vector_load_idx %arg5[%get3A_257] : memref<100000xf32, #tpu.memory_space<vmem>>[vector<16xi32>], vector<16xf32>,
      %gather3A_283 = tpu.vector_load_idx %arg5[%get3A_263] : memref<100000xf32, #tpu.memory_space<vmem>>[vector<16xi32>], vector<16xf32>,
      %gather3A_284 = tpu.vector_load_idx %arg5[%get3A_269] : memref<100000xf32, #tpu.memory_space<vmem>>[vector<16xi32>], vector<16xf32>,
      %add3A_285 = arith.constant 0 : i32
      %add3A_286 = arith.addi %add3A_174, %add3A_285 : i32
      %swap3A = arith.index_cast %add3A_286 : i32 to index
      %swap3A_287 = tpu.vector_load %arg7[%swap3A] {strides = array<i32>} : memref<4096xf32, #tpu.memory_space<vmem>>, vector<16xf32>,
      tpu.vector_store %arg7[%swap3A], %gather3A {strides = array<i32>} : memref<4096xf32, #tpu.memory_space<vmem>>, vector<16xf32>,
      %add3A_288 = arith.constant 16 : i32
      %add3A_289 = arith.addi %add3A_174, %add3A_288 : i32
      %swap3A_290 = arith.index_cast %add3A_289 : i32 to index
      %swap3A_291 = tpu.vector_load %arg7[%swap3A_290] {strides = array<i32>} : memref<4096xf32, #tpu.memory_space<vmem>>, vector<16xf32>,
      tpu.vector_store %arg7[%swap3A_290], %gather3A_270 {strides = array<i32>} : memref<4096xf32, #tpu.memory_space<vmem>>, vector<16xf32>,
      %add3A_292 = arith.constant 32 : i32
      %add3A_293 = arith.addi %add3A_174, %add3A_292 : i32
      %swap3A_294 = arith.index_cast %add3A_293 : i32 to index
      %swap3A_295 = tpu.vector_load %arg7[%swap3A_294] {strides = array<i32>} : memref<4096xf32, #tpu.memory_space<vmem>>, vector<16xf32>,
      tpu.vector_store %arg7[%swap3A_294], %gather3A_271 {strides = array<i32>} : memref<4096xf32, #tpu.memory_space<vmem>>, vector<16xf32>,
      %add3A_296 = arith.constant 48 : i32
      %add3A_297 = arith.addi %add3A_174, %add3A_296 : i32
      %swap3A_298 = arith.index_cast %add3A_297 : i32 to index
      %swap3A_299 = tpu.vector_load %arg7[%swap3A_298] {strides = array<i32>} : memref<4096xf32, #tpu.memory_space<vmem>>, vector<16xf32>,
      tpu.vector_store %arg7[%swap3A_298], %gather3A_272 {strides = array<i32>} : memref<4096xf32, #tpu.memory_space<vmem>>, vector<16xf32>,
      %add3A_300 = arith.constant 64 : i32
      %add3A_301 = arith.addi %add3A_174, %add3A_300 : i32
      %swap3A_302 = arith.index_cast %add3A_301 : i32 to index
      %swap3A_303 = tpu.vector_load %arg7[%swap3A_302] {strides = array<i32>} : memref<4096xf32, #tpu.memory_space<vmem>>, vector<16xf32>,
      tpu.vector_store %arg7[%swap3A_302], %gather3A_273 {strides = array<i32>} : memref<4096xf32, #tpu.memory_space<vmem>>, vector<16xf32>,
      %add3A_304 = arith.constant 80 : i32
      %add3A_305 = arith.addi %add3A_174, %add3A_304 : i32
      %swap3A_306 = arith.index_cast %add3A_305 : i32 to index
      %swap3A_307 = tpu.vector_load %arg7[%swap3A_306] {strides = array<i32>} : memref<4096xf32, #tpu.memory_space<vmem>>, vector<16xf32>,
      tpu.vector_store %arg7[%swap3A_306], %gather3A_274 {strides = array<i32>} : memref<4096xf32, #tpu.memory_space<vmem>>, vector<16xf32>,
      %add3A_308 = arith.constant 96 : i32
      %add3A_309 = arith.addi %add3A_174, %add3A_308 : i32
      %swap3A_310 = arith.index_cast %add3A_309 : i32 to index
      %swap3A_311 = tpu.vector_load %arg7[%swap3A_310] {strides = array<i32>} : memref<4096xf32, #tpu.memory_space<vmem>>, vector<16xf32>,
      tpu.vector_store %arg7[%swap3A_310], %gather3A_275 {strides = array<i32>} : memref<4096xf32, #tpu.memory_space<vmem>>, vector<16xf32>,
      %add3A_312 = arith.constant 112 : i32
      %add3A_313 = arith.addi %add3A_174, %add3A_312 : i32
      %swap3A_314 = arith.index_cast %add3A_313 : i32 to index
      %swap3A_315 = tpu.vector_load %arg7[%swap3A_314] {strides = array<i32>} : memref<4096xf32, #tpu.memory_space<vmem>>, vector<16xf32>,
      tpu.vector_store %arg7[%swap3A_314], %gather3A_276 {strides = array<i32>} : memref<4096xf32, #tpu.memory_space<vmem>>, vector<16xf32>,
      %add3A_316 = arith.constant 128 : i32
      %add3A_317 = arith.addi %add3A_174, %add3A_316 : i32
      %swap3A_318 = arith.index_cast %add3A_317 : i32 to index
      %swap3A_319 = tpu.vector_load %arg7[%swap3A_318] {strides = array<i32>} : memref<4096xf32, #tpu.memory_space<vmem>>, vector<16xf32>,
      tpu.vector_store %arg7[%swap3A_318], %gather3A_277 {strides = array<i32>} : memref<4096xf32, #tpu.memory_space<vmem>>, vector<16xf32>,
      %add3A_320 = arith.constant 144 : i32
      %add3A_321 = arith.addi %add3A_174, %add3A_320 : i32
      %swap3A_322 = arith.index_cast %add3A_321 : i32 to index
      %swap3A_323 = tpu.vector_load %arg7[%swap3A_322] {strides = array<i32>} : memref<4096xf32, #tpu.memory_space<vmem>>, vector<16xf32>,
      tpu.vector_store %arg7[%swap3A_322], %gather3A_278 {strides = array<i32>} : memref<4096xf32, #tpu.memory_space<vmem>>, vector<16xf32>,
      %add3A_324 = arith.constant 160 : i32
      %add3A_325 = arith.addi %add3A_174, %add3A_324 : i32
      %swap3A_326 = arith.index_cast %add3A_325 : i32 to index
      %swap3A_327 = tpu.vector_load %arg7[%swap3A_326] {strides = array<i32>} : memref<4096xf32, #tpu.memory_space<vmem>>, vector<16xf32>,
      tpu.vector_store %arg7[%swap3A_326], %gather3A_279 {strides = array<i32>} : memref<4096xf32, #tpu.memory_space<vmem>>, vector<16xf32>,
      %add3A_328 = arith.constant 176 : i32
      %add3A_329 = arith.addi %add3A_174, %add3A_328 : i32
      %swap3A_330 = arith.index_cast %add3A_329 : i32 to index
      %swap3A_331 = tpu.vector_load %arg7[%swap3A_330] {strides = array<i32>} : memref<4096xf32, #tpu.memory_space<vmem>>, vector<16xf32>,
      tpu.vector_store %arg7[%swap3A_330], %gather3A_280 {strides = array<i32>} : memref<4096xf32, #tpu.memory_space<vmem>>, vector<16xf32>,
      %add3A_332 = arith.constant 192 : i32
      %add3A_333 = arith.addi %add3A_174, %add3A_332 : i32
      %swap3A_334 = arith.index_cast %add3A_333 : i32 to index
      %swap3A_335 = tpu.vector_load %arg7[%swap3A_334] {strides = array<i32>} : memref<4096xf32, #tpu.memory_space<vmem>>, vector<16xf32>,
      tpu.vector_store %arg7[%swap3A_334], %gather3A_281 {strides = array<i32>} : memref<4096xf32, #tpu.memory_space<vmem>>, vector<16xf32>,
      %add3A_336 = arith.constant 208 : i32
      %add3A_337 = arith.addi %add3A_174, %add3A_336 : i32
      %swap3A_338 = arith.index_cast %add3A_337 : i32 to index
      %swap3A_339 = tpu.vector_load %arg7[%swap3A_338] {strides = array<i32>} : memref<4096xf32, #tpu.memory_space<vmem>>, vector<16xf32>,
      tpu.vector_store %arg7[%swap3A_338], %gather3A_282 {strides = array<i32>} : memref<4096xf32, #tpu.memory_space<vmem>>, vector<16xf32>,
      %add3A_340 = arith.constant 224 : i32
      %add3A_341 = arith.addi %add3A_174, %add3A_340 : i32
      %swap3A_342 = arith.index_cast %add3A_341 : i32 to index
      %swap3A_343 = tpu.vector_load %arg7[%swap3A_342] {strides = array<i32>} : memref<4096xf32, #tpu.memory_space<vmem>>, vector<16xf32>,
      tpu.vector_store %arg7[%swap3A_342], %gather3A_283 {strides = array<i32>} : memref<4096xf32, #tpu.memory_space<vmem>>, vector<16xf32>,
      %add3A_344 = arith.constant 240 : i32
      %add3A_345 = arith.addi %add3A_174, %add3A_344 : i32
      %swap3A_346 = arith.index_cast %add3A_345 : i32 to index
      %swap3A_347 = tpu.vector_load %arg7[%swap3A_346] {strides = array<i32>} : memref<4096xf32, #tpu.memory_space<vmem>>, vector<16xf32>,
      tpu.vector_store %arg7[%swap3A_346], %gather3A_284 {strides = array<i32>} : memref<4096xf32, #tpu.memory_space<vmem>>, vector<16xf32>,
    }
    %scan3A_20 = arith.constant 16 : i32
    %dma_start3A_21 = arith.constant 0 : i32
    %dma_start3A_22 = tpu.memref_slice %arg4[%add3A_11, %dma_start3A_21] : memref<64x16384xf32, #tpu.memory_space<hbm>> -> memref<1x4096xf32, #tpu.memory_space<hbm>>
    %dma_start3A_23 = tpu.memref_squeeze %dma_start3A_22 : memref<1x4096xf32, #tpu.memory_space<hbm>> -> memref<4096xf32, #tpu.memory_space<hbm>>
    %dma_start3A_24 = arith.constant 0 : i32
    %dma_start3A_25 = tpu.memref_slice %arg4[%add3A_11, %dma_start3A_24] : memref<64x16384xf32, #tpu.memory_space<hbm>> -> memref<1x4096xf32, #tpu.memory_space<hbm>>
    %dma_start3A_26 = tpu.memref_squeeze %dma_start3A_25 : memref<1x4096xf32, #tpu.memory_space<hbm>> -> memref<4096xf32, #tpu.memory_space<hbm>>
    tpu.enqueue_dma source(%arg7 : memref<4096xf32, #tpu.memory_space<vmem>>) target(%dma_start3A_26 : memref<4096xf32, #tpu.memory_space<hbm>>) target_semaphore(%arg11 : memref<!tpu.dma_semaphore, #tpu.memory_space<semaphore_mem>>)
    %scan3A_27 = arith.constant 0 : i32
    %scan3A_28 = arith.constant 16 : i32
    %scan3A_29 = arith.addi %scan3A_27, %scan3A_28 : i32
    %scan3A_30 = arith.constant 1 : i32
    scf.for %scan3A_170 = %scan3A_27 to %scan3A_29 step %scan3A_30  : i32 {
      %mul3A_171 = arith.constant 256 : i32
      %mul3A_172 = arith.muli %scan3A_170, %mul3A_171 : i32
      %add3A_173 = arith.constant 0 : i32
      %add3A_174 = arith.addi %add3A_173, %mul3A_172 : i32
      %add3A_175 = arith.constant 4096 : i32
      %add3A_176 = arith.addi %add3A_175, %add3A_174 : i32
      %add3A_177 = arith.constant 0 : i32
      %add3A_178 = arith.addi %add3A_176, %add3A_177 : i32
      %get3A = arith.index_cast %add3A_178 : i32 to index
      %get3A_179 = tpu.vector_load %arg6[%get3A] {strides = array<i32>} : memref<16384xi32, #tpu.memory_space<vmem>>, vector<16xi32>,
      %add3A_180 = arith.constant 4096 : i32
      %add3A_181 = arith.addi %add3A_180, %add3A_174 : i32
      %add3A_182 = arith.constant 16 : i32
      %add3A_183 = arith.addi %add3A_181, %add3A_182 : i32
      %get3A_184 = arith.index_cast %add3A_183 : i32 to index
      %get3A_185 = tpu.vector_load %arg6[%get3A_184] {strides = array<i32>} : memref<16384xi32, #tpu.memory_space<vmem>>, vector<16xi32>,
      %add3A_186 = arith.constant 4096 : i32
      %add3A_187 = arith.addi %add3A_186, %add3A_174 : i32
      %add3A_188 = arith.constant 32 : i32
      %add3A_189 = arith.addi %add3A_187, %add3A_188 : i32
      %get3A_190 = arith.index_cast %add3A_189 : i32 to index
      %get3A_191 = tpu.vector_load %arg6[%get3A_190] {strides = array<i32>} : memref<16384xi32, #tpu.memory_space<vmem>>, vector<16xi32>,
      %add3A_192 = arith.constant 4096 : i32
      %add3A_193 = arith.addi %add3A_192, %add3A_174 : i32
      %add3A_194 = arith.constant 48 : i32
      %add3A_195 = arith.addi %add3A_193, %add3A_194 : i32
      %get3A_196 = arith.index_cast %add3A_195 : i32 to index
      %get3A_197 = tpu.vector_load %arg6[%get3A_196] {strides = array<i32>} : memref<16384xi32, #tpu.memory_space<vmem>>, vector<16xi32>,
      %add3A_198 = arith.constant 4096 : i32
      %add3A_199 = arith.addi %add3A_198, %add3A_174 : i32
      %add3A_200 = arith.constant 64 : i32
      %add3A_201 = arith.addi %add3A_199, %add3A_200 : i32
      %get3A_202 = arith.index_cast %add3A_201 : i32 to index
      %get3A_203 = tpu.vector_load %arg6[%get3A_202] {strides = array<i32>} : memref<16384xi32, #tpu.memory_space<vmem>>, vector<16xi32>,
      %add3A_204 = arith.constant 4096 : i32
      %add3A_205 = arith.addi %add3A_204, %add3A_174 : i32
      %add3A_206 = arith.constant 80 : i32
      %add3A_207 = arith.addi %add3A_205, %add3A_206 : i32
      %get3A_208 = arith.index_cast %add3A_207 : i32 to index
      %get3A_209 = tpu.vector_load %arg6[%get3A_208] {strides = array<i32>} : memref<16384xi32, #tpu.memory_space<vmem>>, vector<16xi32>,
      %add3A_210 = arith.constant 4096 : i32
      %add3A_211 = arith.addi %add3A_210, %add3A_174 : i32
      %add3A_212 = arith.constant 96 : i32
      %add3A_213 = arith.addi %add3A_211, %add3A_212 : i32
      %get3A_214 = arith.index_cast %add3A_213 : i32 to index
      %get3A_215 = tpu.vector_load %arg6[%get3A_214] {strides = array<i32>} : memref<16384xi32, #tpu.memory_space<vmem>>, vector<16xi32>,
      %add3A_216 = arith.constant 4096 : i32
      %add3A_217 = arith.addi %add3A_216, %add3A_174 : i32
      %add3A_218 = arith.constant 112 : i32
      %add3A_219 = arith.addi %add3A_217, %add3A_218 : i32
      %get3A_220 = arith.index_cast %add3A_219 : i32 to index
      %get3A_221 = tpu.vector_load %arg6[%get3A_220] {strides = array<i32>} : memref<16384xi32, #tpu.memory_space<vmem>>, vector<16xi32>,
      %add3A_222 = arith.constant 4096 : i32
      %add3A_223 = arith.addi %add3A_222, %add3A_174 : i32
      %add3A_224 = arith.constant 128 : i32
      %add3A_225 = arith.addi %add3A_223, %add3A_224 : i32
      %get3A_226 = arith.index_cast %add3A_225 : i32 to index
      %get3A_227 = tpu.vector_load %arg6[%get3A_226] {strides = array<i32>} : memref<16384xi32, #tpu.memory_space<vmem>>, vector<16xi32>,
      %add3A_228 = arith.constant 4096 : i32
      %add3A_229 = arith.addi %add3A_228, %add3A_174 : i32
      %add3A_230 = arith.constant 144 : i32
      %add3A_231 = arith.addi %add3A_229, %add3A_230 : i32
      %get3A_232 = arith.index_cast %add3A_231 : i32 to index
      %get3A_233 = tpu.vector_load %arg6[%get3A_232] {strides = array<i32>} : memref<16384xi32, #tpu.memory_space<vmem>>, vector<16xi32>,
      %add3A_234 = arith.constant 4096 : i32
      %add3A_235 = arith.addi %add3A_234, %add3A_174 : i32
      %add3A_236 = arith.constant 160 : i32
      %add3A_237 = arith.addi %add3A_235, %add3A_236 : i32
      %get3A_238 = arith.index_cast %add3A_237 : i32 to index
      %get3A_239 = tpu.vector_load %arg6[%get3A_238] {strides = array<i32>} : memref<16384xi32, #tpu.memory_space<vmem>>, vector<16xi32>,
      %add3A_240 = arith.constant 4096 : i32
      %add3A_241 = arith.addi %add3A_240, %add3A_174 : i32
      %add3A_242 = arith.constant 176 : i32
      %add3A_243 = arith.addi %add3A_241, %add3A_242 : i32
      %get3A_244 = arith.index_cast %add3A_243 : i32 to index
      %get3A_245 = tpu.vector_load %arg6[%get3A_244] {strides = array<i32>} : memref<16384xi32, #tpu.memory_space<vmem>>, vector<16xi32>,
      %add3A_246 = arith.constant 4096 : i32
      %add3A_247 = arith.addi %add3A_246, %add3A_174 : i32
      %add3A_248 = arith.constant 192 : i32
      %add3A_249 = arith.addi %add3A_247, %add3A_248 : i32
      %get3A_250 = arith.index_cast %add3A_249 : i32 to index
      %get3A_251 = tpu.vector_load %arg6[%get3A_250] {strides = array<i32>} : memref<16384xi32, #tpu.memory_space<vmem>>, vector<16xi32>,
      %add3A_252 = arith.constant 4096 : i32
      %add3A_253 = arith.addi %add3A_252, %add3A_174 : i32
      %add3A_254 = arith.constant 208 : i32
      %add3A_255 = arith.addi %add3A_253, %add3A_254 : i32
      %get3A_256 = arith.index_cast %add3A_255 : i32 to index
      %get3A_257 = tpu.vector_load %arg6[%get3A_256] {strides = array<i32>} : memref<16384xi32, #tpu.memory_space<vmem>>, vector<16xi32>,
      %add3A_258 = arith.constant 4096 : i32
      %add3A_259 = arith.addi %add3A_258, %add3A_174 : i32
      %add3A_260 = arith.constant 224 : i32
      %add3A_261 = arith.addi %add3A_259, %add3A_260 : i32
      %get3A_262 = arith.index_cast %add3A_261 : i32 to index
      %get3A_263 = tpu.vector_load %arg6[%get3A_262] {strides = array<i32>} : memref<16384xi32, #tpu.memory_space<vmem>>, vector<16xi32>,
      %add3A_264 = arith.constant 4096 : i32
      %add3A_265 = arith.addi %add3A_264, %add3A_174 : i32
      %add3A_266 = arith.constant 240 : i32
      %add3A_267 = arith.addi %add3A_265, %add3A_266 : i32
      %get3A_268 = arith.index_cast %add3A_267 : i32 to index
      %get3A_269 = tpu.vector_load %arg6[%get3A_268] {strides = array<i32>} : memref<16384xi32, #tpu.memory_space<vmem>>, vector<16xi32>,
      %gather3A = tpu.vector_load_idx %arg5[%get3A_179] : memref<100000xf32, #tpu.memory_space<vmem>>[vector<16xi32>], vector<16xf32>,
      %gather3A_270 = tpu.vector_load_idx %arg5[%get3A_185] : memref<100000xf32, #tpu.memory_space<vmem>>[vector<16xi32>], vector<16xf32>,
      %gather3A_271 = tpu.vector_load_idx %arg5[%get3A_191] : memref<100000xf32, #tpu.memory_space<vmem>>[vector<16xi32>], vector<16xf32>,
      %gather3A_272 = tpu.vector_load_idx %arg5[%get3A_197] : memref<100000xf32, #tpu.memory_space<vmem>>[vector<16xi32>], vector<16xf32>,
      %gather3A_273 = tpu.vector_load_idx %arg5[%get3A_203] : memref<100000xf32, #tpu.memory_space<vmem>>[vector<16xi32>], vector<16xf32>,
      %gather3A_274 = tpu.vector_load_idx %arg5[%get3A_209] : memref<100000xf32, #tpu.memory_space<vmem>>[vector<16xi32>], vector<16xf32>,
      %gather3A_275 = tpu.vector_load_idx %arg5[%get3A_215] : memref<100000xf32, #tpu.memory_space<vmem>>[vector<16xi32>], vector<16xf32>,
      %gather3A_276 = tpu.vector_load_idx %arg5[%get3A_221] : memref<100000xf32, #tpu.memory_space<vmem>>[vector<16xi32>], vector<16xf32>,
      %gather3A_277 = tpu.vector_load_idx %arg5[%get3A_227] : memref<100000xf32, #tpu.memory_space<vmem>>[vector<16xi32>], vector<16xf32>,
      %gather3A_278 = tpu.vector_load_idx %arg5[%get3A_233] : memref<100000xf32, #tpu.memory_space<vmem>>[vector<16xi32>], vector<16xf32>,
      %gather3A_279 = tpu.vector_load_idx %arg5[%get3A_239] : memref<100000xf32, #tpu.memory_space<vmem>>[vector<16xi32>], vector<16xf32>,
      %gather3A_280 = tpu.vector_load_idx %arg5[%get3A_245] : memref<100000xf32, #tpu.memory_space<vmem>>[vector<16xi32>], vector<16xf32>,
      %gather3A_281 = tpu.vector_load_idx %arg5[%get3A_251] : memref<100000xf32, #tpu.memory_space<vmem>>[vector<16xi32>], vector<16xf32>,
      %gather3A_282 = tpu.vector_load_idx %arg5[%get3A_257] : memref<100000xf32, #tpu.memory_space<vmem>>[vector<16xi32>], vector<16xf32>,
      %gather3A_283 = tpu.vector_load_idx %arg5[%get3A_263] : memref<100000xf32, #tpu.memory_space<vmem>>[vector<16xi32>], vector<16xf32>,
      %gather3A_284 = tpu.vector_load_idx %arg5[%get3A_269] : memref<100000xf32, #tpu.memory_space<vmem>>[vector<16xi32>], vector<16xf32>,
      %add3A_285 = arith.constant 0 : i32
      %add3A_286 = arith.addi %add3A_174, %add3A_285 : i32
      %swap3A = arith.index_cast %add3A_286 : i32 to index
      %swap3A_287 = tpu.vector_load %arg8[%swap3A] {strides = array<i32>} : memref<4096xf32, #tpu.memory_space<vmem>>, vector<16xf32>,
      tpu.vector_store %arg8[%swap3A], %gather3A {strides = array<i32>} : memref<4096xf32, #tpu.memory_space<vmem>>, vector<16xf32>,
      %add3A_288 = arith.constant 16 : i32
      %add3A_289 = arith.addi %add3A_174, %add3A_288 : i32
      %swap3A_290 = arith.index_cast %add3A_289 : i32 to index
      %swap3A_291 = tpu.vector_load %arg8[%swap3A_290] {strides = array<i32>} : memref<4096xf32, #tpu.memory_space<vmem>>, vector<16xf32>,
      tpu.vector_store %arg8[%swap3A_290], %gather3A_270 {strides = array<i32>} : memref<4096xf32, #tpu.memory_space<vmem>>, vector<16xf32>,
      %add3A_292 = arith.constant 32 : i32
      %add3A_293 = arith.addi %add3A_174, %add3A_292 : i32
      %swap3A_294 = arith.index_cast %add3A_293 : i32 to index
      %swap3A_295 = tpu.vector_load %arg8[%swap3A_294] {strides = array<i32>} : memref<4096xf32, #tpu.memory_space<vmem>>, vector<16xf32>,
      tpu.vector_store %arg8[%swap3A_294], %gather3A_271 {strides = array<i32>} : memref<4096xf32, #tpu.memory_space<vmem>>, vector<16xf32>,
      %add3A_296 = arith.constant 48 : i32
      %add3A_297 = arith.addi %add3A_174, %add3A_296 : i32
      %swap3A_298 = arith.index_cast %add3A_297 : i32 to index
      %swap3A_299 = tpu.vector_load %arg8[%swap3A_298] {strides = array<i32>} : memref<4096xf32, #tpu.memory_space<vmem>>, vector<16xf32>,
      tpu.vector_store %arg8[%swap3A_298], %gather3A_272 {strides = array<i32>} : memref<4096xf32, #tpu.memory_space<vmem>>, vector<16xf32>,
      %add3A_300 = arith.constant 64 : i32
      %add3A_301 = arith.addi %add3A_174, %add3A_300 : i32
      %swap3A_302 = arith.index_cast %add3A_301 : i32 to index
      %swap3A_303 = tpu.vector_load %arg8[%swap3A_302] {strides = array<i32>} : memref<4096xf32, #tpu.memory_space<vmem>>, vector<16xf32>,
      tpu.vector_store %arg8[%swap3A_302], %gather3A_273 {strides = array<i32>} : memref<4096xf32, #tpu.memory_space<vmem>>, vector<16xf32>,
      %add3A_304 = arith.constant 80 : i32
      %add3A_305 = arith.addi %add3A_174, %add3A_304 : i32
      %swap3A_306 = arith.index_cast %add3A_305 : i32 to index
      %swap3A_307 = tpu.vector_load %arg8[%swap3A_306] {strides = array<i32>} : memref<4096xf32, #tpu.memory_space<vmem>>, vector<16xf32>,
      tpu.vector_store %arg8[%swap3A_306], %gather3A_274 {strides = array<i32>} : memref<4096xf32, #tpu.memory_space<vmem>>, vector<16xf32>,
      %add3A_308 = arith.constant 96 : i32
      %add3A_309 = arith.addi %add3A_174, %add3A_308 : i32
      %swap3A_310 = arith.index_cast %add3A_309 : i32 to index
      %swap3A_311 = tpu.vector_load %arg8[%swap3A_310] {strides = array<i32>} : memref<4096xf32, #tpu.memory_space<vmem>>, vector<16xf32>,
      tpu.vector_store %arg8[%swap3A_310], %gather3A_275 {strides = array<i32>} : memref<4096xf32, #tpu.memory_space<vmem>>, vector<16xf32>,
      %add3A_312 = arith.constant 112 : i32
      %add3A_313 = arith.addi %add3A_174, %add3A_312 : i32
      %swap3A_314 = arith.index_cast %add3A_313 : i32 to index
      %swap3A_315 = tpu.vector_load %arg8[%swap3A_314] {strides = array<i32>} : memref<4096xf32, #tpu.memory_space<vmem>>, vector<16xf32>,
      tpu.vector_store %arg8[%swap3A_314], %gather3A_276 {strides = array<i32>} : memref<4096xf32, #tpu.memory_space<vmem>>, vector<16xf32>,
      %add3A_316 = arith.constant 128 : i32
      %add3A_317 = arith.addi %add3A_174, %add3A_316 : i32
      %swap3A_318 = arith.index_cast %add3A_317 : i32 to index
      %swap3A_319 = tpu.vector_load %arg8[%swap3A_318] {strides = array<i32>} : memref<4096xf32, #tpu.memory_space<vmem>>, vector<16xf32>,
      tpu.vector_store %arg8[%swap3A_318], %gather3A_277 {strides = array<i32>} : memref<4096xf32, #tpu.memory_space<vmem>>, vector<16xf32>,
      %add3A_320 = arith.constant 144 : i32
      %add3A_321 = arith.addi %add3A_174, %add3A_320 : i32
      %swap3A_322 = arith.index_cast %add3A_321 : i32 to index
      %swap3A_323 = tpu.vector_load %arg8[%swap3A_322] {strides = array<i32>} : memref<4096xf32, #tpu.memory_space<vmem>>, vector<16xf32>,
      tpu.vector_store %arg8[%swap3A_322], %gather3A_278 {strides = array<i32>} : memref<4096xf32, #tpu.memory_space<vmem>>, vector<16xf32>,
      %add3A_324 = arith.constant 160 : i32
      %add3A_325 = arith.addi %add3A_174, %add3A_324 : i32
      %swap3A_326 = arith.index_cast %add3A_325 : i32 to index
      %swap3A_327 = tpu.vector_load %arg8[%swap3A_326] {strides = array<i32>} : memref<4096xf32, #tpu.memory_space<vmem>>, vector<16xf32>,
      tpu.vector_store %arg8[%swap3A_326], %gather3A_279 {strides = array<i32>} : memref<4096xf32, #tpu.memory_space<vmem>>, vector<16xf32>,
      %add3A_328 = arith.constant 176 : i32
      %add3A_329 = arith.addi %add3A_174, %add3A_328 : i32
      %swap3A_330 = arith.index_cast %add3A_329 : i32 to index
      %swap3A_331 = tpu.vector_load %arg8[%swap3A_330] {strides = array<i32>} : memref<4096xf32, #tpu.memory_space<vmem>>, vector<16xf32>,
      tpu.vector_store %arg8[%swap3A_330], %gather3A_280 {strides = array<i32>} : memref<4096xf32, #tpu.memory_space<vmem>>, vector<16xf32>,
      %add3A_332 = arith.constant 192 : i32
      %add3A_333 = arith.addi %add3A_174, %add3A_332 : i32
      %swap3A_334 = arith.index_cast %add3A_333 : i32 to index
      %swap3A_335 = tpu.vector_load %arg8[%swap3A_334] {strides = array<i32>} : memref<4096xf32, #tpu.memory_space<vmem>>, vector<16xf32>,
      tpu.vector_store %arg8[%swap3A_334], %gather3A_281 {strides = array<i32>} : memref<4096xf32, #tpu.memory_space<vmem>>, vector<16xf32>,
      %add3A_336 = arith.constant 208 : i32
      %add3A_337 = arith.addi %add3A_174, %add3A_336 : i32
      %swap3A_338 = arith.index_cast %add3A_337 : i32 to index
      %swap3A_339 = tpu.vector_load %arg8[%swap3A_338] {strides = array<i32>} : memref<4096xf32, #tpu.memory_space<vmem>>, vector<16xf32>,
      tpu.vector_store %arg8[%swap3A_338], %gather3A_282 {strides = array<i32>} : memref<4096xf32, #tpu.memory_space<vmem>>, vector<16xf32>,
      %add3A_340 = arith.constant 224 : i32
      %add3A_341 = arith.addi %add3A_174, %add3A_340 : i32
      %swap3A_342 = arith.index_cast %add3A_341 : i32 to index
      %swap3A_343 = tpu.vector_load %arg8[%swap3A_342] {strides = array<i32>} : memref<4096xf32, #tpu.memory_space<vmem>>, vector<16xf32>,
      tpu.vector_store %arg8[%swap3A_342], %gather3A_283 {strides = array<i32>} : memref<4096xf32, #tpu.memory_space<vmem>>, vector<16xf32>,
      %add3A_344 = arith.constant 240 : i32
      %add3A_345 = arith.addi %add3A_174, %add3A_344 : i32
      %swap3A_346 = arith.index_cast %add3A_345 : i32 to index
      %swap3A_347 = tpu.vector_load %arg8[%swap3A_346] {strides = array<i32>} : memref<4096xf32, #tpu.memory_space<vmem>>, vector<16xf32>,
      tpu.vector_store %arg8[%swap3A_346], %gather3A_284 {strides = array<i32>} : memref<4096xf32, #tpu.memory_space<vmem>>, vector<16xf32>,
    }
    %scan3A_31 = arith.constant 16 : i32
    %dma_start3A_32 = arith.constant 4096 : i32
    %dma_start3A_33 = tpu.memref_slice %arg4[%add3A_11, %dma_start3A_32] : memref<64x16384xf32, #tpu.memory_space<hbm>> -> memref<1x4096xf32, #tpu.memory_space<hbm>>
    %dma_start3A_34 = tpu.memref_squeeze %dma_start3A_33 : memref<1x4096xf32, #tpu.memory_space<hbm>> -> memref<4096xf32, #tpu.memory_space<hbm>>
    %dma_start3A_35 = arith.constant 4096 : i32
    %dma_start3A_36 = tpu.memref_slice %arg4[%add3A_11, %dma_start3A_35] : memref<64x16384xf32, #tpu.memory_space<hbm>> -> memref<1x4096xf32, #tpu.memory_space<hbm>>
    %dma_start3A_37 = tpu.memref_squeeze %dma_start3A_36 : memref<1x4096xf32, #tpu.memory_space<hbm>> -> memref<4096xf32, #tpu.memory_space<hbm>>
    tpu.enqueue_dma source(%arg8 : memref<4096xf32, #tpu.memory_space<vmem>>) target(%dma_start3A_37 : memref<4096xf32, #tpu.memory_space<hbm>>) target_semaphore(%arg11 : memref<!tpu.dma_semaphore, #tpu.memory_space<semaphore_mem>>)
    %dma_wait3A_38 = arith.constant 0 : i32
    %dma_wait3A_39 = tpu.memref_slice %arg4[%add3A_11, %dma_wait3A_38] : memref<64x16384xf32, #tpu.memory_space<hbm>> -> memref<1x4096xf32, #tpu.memory_space<hbm>>
    %dma_wait3A_40 = tpu.memref_squeeze %dma_wait3A_39 : memref<1x4096xf32, #tpu.memory_space<hbm>> -> memref<4096xf32, #tpu.memory_space<hbm>>
    %dma_wait3A_41 = arith.constant 0 : i32
    %dma_wait3A_42 = tpu.memref_slice %arg4[%add3A_11, %dma_wait3A_41] : memref<64x16384xf32, #tpu.memory_space<hbm>> -> memref<1x4096xf32, #tpu.memory_space<hbm>>
    %dma_wait3A_43 = tpu.memref_squeeze %dma_wait3A_42 : memref<1x4096xf32, #tpu.memory_space<hbm>> -> memref<4096xf32, #tpu.memory_space<hbm>>
    tpu.wait_dma2 semaphore(%arg11 : memref<!tpu.dma_semaphore, #tpu.memory_space<semaphore_mem>>) src(%arg7 : memref<4096xf32, #tpu.memory_space<vmem>>) dst(%dma_wait3A_43 : memref<4096xf32, #tpu.memory_space<hbm>>)
    %scan3A_44 = arith.constant 0 : i32
    %scan3A_45 = arith.constant 16 : i32
    %scan3A_46 = arith.addi %scan3A_44, %scan3A_45 : i32
    %scan3A_47 = arith.constant 1 : i32
    scf.for %scan3A_170 = %scan3A_44 to %scan3A_46 step %scan3A_47  : i32 {
      %mul3A_171 = arith.constant 256 : i32
      %mul3A_172 = arith.muli %scan3A_170, %mul3A_171 : i32
      %add3A_173 = arith.constant 0 : i32
      %add3A_174 = arith.addi %add3A_173, %mul3A_172 : i32
      %add3A_175 = arith.constant 8192 : i32
      %add3A_176 = arith.addi %add3A_175, %add3A_174 : i32
      %add3A_177 = arith.constant 0 : i32
      %add3A_178 = arith.addi %add3A_176, %add3A_177 : i32
      %get3A = arith.index_cast %add3A_178 : i32 to index
      %get3A_179 = tpu.vector_load %arg6[%get3A] {strides = array<i32>} : memref<16384xi32, #tpu.memory_space<vmem>>, vector<16xi32>,
      %add3A_180 = arith.constant 8192 : i32
      %add3A_181 = arith.addi %add3A_180, %add3A_174 : i32
      %add3A_182 = arith.constant 16 : i32
      %add3A_183 = arith.addi %add3A_181, %add3A_182 : i32
      %get3A_184 = arith.index_cast %add3A_183 : i32 to index
      %get3A_185 = tpu.vector_load %arg6[%get3A_184] {strides = array<i32>} : memref<16384xi32, #tpu.memory_space<vmem>>, vector<16xi32>,
      %add3A_186 = arith.constant 8192 : i32
      %add3A_187 = arith.addi %add3A_186, %add3A_174 : i32
      %add3A_188 = arith.constant 32 : i32
      %add3A_189 = arith.addi %add3A_187, %add3A_188 : i32
      %get3A_190 = arith.index_cast %add3A_189 : i32 to index
      %get3A_191 = tpu.vector_load %arg6[%get3A_190] {strides = array<i32>} : memref<16384xi32, #tpu.memory_space<vmem>>, vector<16xi32>,
      %add3A_192 = arith.constant 8192 : i32
      %add3A_193 = arith.addi %add3A_192, %add3A_174 : i32
      %add3A_194 = arith.constant 48 : i32
      %add3A_195 = arith.addi %add3A_193, %add3A_194 : i32
      %get3A_196 = arith.index_cast %add3A_195 : i32 to index
      %get3A_197 = tpu.vector_load %arg6[%get3A_196] {strides = array<i32>} : memref<16384xi32, #tpu.memory_space<vmem>>, vector<16xi32>,
      %add3A_198 = arith.constant 8192 : i32
      %add3A_199 = arith.addi %add3A_198, %add3A_174 : i32
      %add3A_200 = arith.constant 64 : i32
      %add3A_201 = arith.addi %add3A_199, %add3A_200 : i32
      %get3A_202 = arith.index_cast %add3A_201 : i32 to index
      %get3A_203 = tpu.vector_load %arg6[%get3A_202] {strides = array<i32>} : memref<16384xi32, #tpu.memory_space<vmem>>, vector<16xi32>,
      %add3A_204 = arith.constant 8192 : i32
      %add3A_205 = arith.addi %add3A_204, %add3A_174 : i32
      %add3A_206 = arith.constant 80 : i32
      %add3A_207 = arith.addi %add3A_205, %add3A_206 : i32
      %get3A_208 = arith.index_cast %add3A_207 : i32 to index
      %get3A_209 = tpu.vector_load %arg6[%get3A_208] {strides = array<i32>} : memref<16384xi32, #tpu.memory_space<vmem>>, vector<16xi32>,
      %add3A_210 = arith.constant 8192 : i32
      %add3A_211 = arith.addi %add3A_210, %add3A_174 : i32
      %add3A_212 = arith.constant 96 : i32
      %add3A_213 = arith.addi %add3A_211, %add3A_212 : i32
      %get3A_214 = arith.index_cast %add3A_213 : i32 to index
      %get3A_215 = tpu.vector_load %arg6[%get3A_214] {strides = array<i32>} : memref<16384xi32, #tpu.memory_space<vmem>>, vector<16xi32>,
      %add3A_216 = arith.constant 8192 : i32
      %add3A_217 = arith.addi %add3A_216, %add3A_174 : i32
      %add3A_218 = arith.constant 112 : i32
      %add3A_219 = arith.addi %add3A_217, %add3A_218 : i32
      %get3A_220 = arith.index_cast %add3A_219 : i32 to index
      %get3A_221 = tpu.vector_load %arg6[%get3A_220] {strides = array<i32>} : memref<16384xi32, #tpu.memory_space<vmem>>, vector<16xi32>,
      %add3A_222 = arith.constant 8192 : i32
      %add3A_223 = arith.addi %add3A_222, %add3A_174 : i32
      %add3A_224 = arith.constant 128 : i32
      %add3A_225 = arith.addi %add3A_223, %add3A_224 : i32
      %get3A_226 = arith.index_cast %add3A_225 : i32 to index
      %get3A_227 = tpu.vector_load %arg6[%get3A_226] {strides = array<i32>} : memref<16384xi32, #tpu.memory_space<vmem>>, vector<16xi32>,
      %add3A_228 = arith.constant 8192 : i32
      %add3A_229 = arith.addi %add3A_228, %add3A_174 : i32
      %add3A_230 = arith.constant 144 : i32
      %add3A_231 = arith.addi %add3A_229, %add3A_230 : i32
      %get3A_232 = arith.index_cast %add3A_231 : i32 to index
      %get3A_233 = tpu.vector_load %arg6[%get3A_232] {strides = array<i32>} : memref<16384xi32, #tpu.memory_space<vmem>>, vector<16xi32>,
      %add3A_234 = arith.constant 8192 : i32
      %add3A_235 = arith.addi %add3A_234, %add3A_174 : i32
      %add3A_236 = arith.constant 160 : i32
      %add3A_237 = arith.addi %add3A_235, %add3A_236 : i32
      %get3A_238 = arith.index_cast %add3A_237 : i32 to index
      %get3A_239 = tpu.vector_load %arg6[%get3A_238] {strides = array<i32>} : memref<16384xi32, #tpu.memory_space<vmem>>, vector<16xi32>,
      %add3A_240 = arith.constant 8192 : i32
      %add3A_241 = arith.addi %add3A_240, %add3A_174 : i32
      %add3A_242 = arith.constant 176 : i32
      %add3A_243 = arith.addi %add3A_241, %add3A_242 : i32
      %get3A_244 = arith.index_cast %add3A_243 : i32 to index
      %get3A_245 = tpu.vector_load %arg6[%get3A_244] {strides = array<i32>} : memref<16384xi32, #tpu.memory_space<vmem>>, vector<16xi32>,
      %add3A_246 = arith.constant 8192 : i32
      %add3A_247 = arith.addi %add3A_246, %add3A_174 : i32
      %add3A_248 = arith.constant 192 : i32
      %add3A_249 = arith.addi %add3A_247, %add3A_248 : i32
      %get3A_250 = arith.index_cast %add3A_249 : i32 to index
      %get3A_251 = tpu.vector_load %arg6[%get3A_250] {strides = array<i32>} : memref<16384xi32, #tpu.memory_space<vmem>>, vector<16xi32>,
      %add3A_252 = arith.constant 8192 : i32
      %add3A_253 = arith.addi %add3A_252, %add3A_174 : i32
      %add3A_254 = arith.constant 208 : i32
      %add3A_255 = arith.addi %add3A_253, %add3A_254 : i32
      %get3A_256 = arith.index_cast %add3A_255 : i32 to index
      %get3A_257 = tpu.vector_load %arg6[%get3A_256] {strides = array<i32>} : memref<16384xi32, #tpu.memory_space<vmem>>, vector<16xi32>,
      %add3A_258 = arith.constant 8192 : i32
      %add3A_259 = arith.addi %add3A_258, %add3A_174 : i32
      %add3A_260 = arith.constant 224 : i32
      %add3A_261 = arith.addi %add3A_259, %add3A_260 : i32
      %get3A_262 = arith.index_cast %add3A_261 : i32 to index
      %get3A_263 = tpu.vector_load %arg6[%get3A_262] {strides = array<i32>} : memref<16384xi32, #tpu.memory_space<vmem>>, vector<16xi32>,
      %add3A_264 = arith.constant 8192 : i32
      %add3A_265 = arith.addi %add3A_264, %add3A_174 : i32
      %add3A_266 = arith.constant 240 : i32
      %add3A_267 = arith.addi %add3A_265, %add3A_266 : i32
      %get3A_268 = arith.index_cast %add3A_267 : i32 to index
      %get3A_269 = tpu.vector_load %arg6[%get3A_268] {strides = array<i32>} : memref<16384xi32, #tpu.memory_space<vmem>>, vector<16xi32>,
      %gather3A = tpu.vector_load_idx %arg5[%get3A_179] : memref<100000xf32, #tpu.memory_space<vmem>>[vector<16xi32>], vector<16xf32>,
      %gather3A_270 = tpu.vector_load_idx %arg5[%get3A_185] : memref<100000xf32, #tpu.memory_space<vmem>>[vector<16xi32>], vector<16xf32>,
      %gather3A_271 = tpu.vector_load_idx %arg5[%get3A_191] : memref<100000xf32, #tpu.memory_space<vmem>>[vector<16xi32>], vector<16xf32>,
      %gather3A_272 = tpu.vector_load_idx %arg5[%get3A_197] : memref<100000xf32, #tpu.memory_space<vmem>>[vector<16xi32>], vector<16xf32>,
      %gather3A_273 = tpu.vector_load_idx %arg5[%get3A_203] : memref<100000xf32, #tpu.memory_space<vmem>>[vector<16xi32>], vector<16xf32>,
      %gather3A_274 = tpu.vector_load_idx %arg5[%get3A_209] : memref<100000xf32, #tpu.memory_space<vmem>>[vector<16xi32>], vector<16xf32>,
      %gather3A_275 = tpu.vector_load_idx %arg5[%get3A_215] : memref<100000xf32, #tpu.memory_space<vmem>>[vector<16xi32>], vector<16xf32>,
      %gather3A_276 = tpu.vector_load_idx %arg5[%get3A_221] : memref<100000xf32, #tpu.memory_space<vmem>>[vector<16xi32>], vector<16xf32>,
      %gather3A_277 = tpu.vector_load_idx %arg5[%get3A_227] : memref<100000xf32, #tpu.memory_space<vmem>>[vector<16xi32>], vector<16xf32>,
      %gather3A_278 = tpu.vector_load_idx %arg5[%get3A_233] : memref<100000xf32, #tpu.memory_space<vmem>>[vector<16xi32>], vector<16xf32>,
      %gather3A_279 = tpu.vector_load_idx %arg5[%get3A_239] : memref<100000xf32, #tpu.memory_space<vmem>>[vector<16xi32>], vector<16xf32>,
      %gather3A_280 = tpu.vector_load_idx %arg5[%get3A_245] : memref<100000xf32, #tpu.memory_space<vmem>>[vector<16xi32>], vector<16xf32>,
      %gather3A_281 = tpu.vector_load_idx %arg5[%get3A_251] : memref<100000xf32, #tpu.memory_space<vmem>>[vector<16xi32>], vector<16xf32>,
      %gather3A_282 = tpu.vector_load_idx %arg5[%get3A_257] : memref<100000xf32, #tpu.memory_space<vmem>>[vector<16xi32>], vector<16xf32>,
      %gather3A_283 = tpu.vector_load_idx %arg5[%get3A_263] : memref<100000xf32, #tpu.memory_space<vmem>>[vector<16xi32>], vector<16xf32>,
      %gather3A_284 = tpu.vector_load_idx %arg5[%get3A_269] : memref<100000xf32, #tpu.memory_space<vmem>>[vector<16xi32>], vector<16xf32>,
      %add3A_285 = arith.constant 0 : i32
      %add3A_286 = arith.addi %add3A_174, %add3A_285 : i32
      %swap3A = arith.index_cast %add3A_286 : i32 to index
      %swap3A_287 = tpu.vector_load %arg7[%swap3A] {strides = array<i32>} : memref<4096xf32, #tpu.memory_space<vmem>>, vector<16xf32>,
      tpu.vector_store %arg7[%swap3A], %gather3A {strides = array<i32>} : memref<4096xf32, #tpu.memory_space<vmem>>, vector<16xf32>,
      %add3A_288 = arith.constant 16 : i32
      %add3A_289 = arith.addi %add3A_174, %add3A_288 : i32
      %swap3A_290 = arith.index_cast %add3A_289 : i32 to index
      %swap3A_291 = tpu.vector_load %arg7[%swap3A_290] {strides = array<i32>} : memref<4096xf32, #tpu.memory_space<vmem>>, vector<16xf32>,
      tpu.vector_store %arg7[%swap3A_290], %gather3A_270 {strides = array<i32>} : memref<4096xf32, #tpu.memory_space<vmem>>, vector<16xf32>,
      %add3A_292 = arith.constant 32 : i32
      %add3A_293 = arith.addi %add3A_174, %add3A_292 : i32
      %swap3A_294 = arith.index_cast %add3A_293 : i32 to index
      %swap3A_295 = tpu.vector_load %arg7[%swap3A_294] {strides = array<i32>} : memref<4096xf32, #tpu.memory_space<vmem>>, vector<16xf32>,
      tpu.vector_store %arg7[%swap3A_294], %gather3A_271 {strides = array<i32>} : memref<4096xf32, #tpu.memory_space<vmem>>, vector<16xf32>,
      %add3A_296 = arith.constant 48 : i32
      %add3A_297 = arith.addi %add3A_174, %add3A_296 : i32
      %swap3A_298 = arith.index_cast %add3A_297 : i32 to index
      %swap3A_299 = tpu.vector_load %arg7[%swap3A_298] {strides = array<i32>} : memref<4096xf32, #tpu.memory_space<vmem>>, vector<16xf32>,
      tpu.vector_store %arg7[%swap3A_298], %gather3A_272 {strides = array<i32>} : memref<4096xf32, #tpu.memory_space<vmem>>, vector<16xf32>,
      %add3A_300 = arith.constant 64 : i32
      %add3A_301 = arith.addi %add3A_174, %add3A_300 : i32
      %swap3A_302 = arith.index_cast %add3A_301 : i32 to index
      %swap3A_303 = tpu.vector_load %arg7[%swap3A_302] {strides = array<i32>} : memref<4096xf32, #tpu.memory_space<vmem>>, vector<16xf32>,
      tpu.vector_store %arg7[%swap3A_302], %gather3A_273 {strides = array<i32>} : memref<4096xf32, #tpu.memory_space<vmem>>, vector<16xf32>,
      %add3A_304 = arith.constant 80 : i32
      %add3A_305 = arith.addi %add3A_174, %add3A_304 : i32
      %swap3A_306 = arith.index_cast %add3A_305 : i32 to index
      %swap3A_307 = tpu.vector_load %arg7[%swap3A_306] {strides = array<i32>} : memref<4096xf32, #tpu.memory_space<vmem>>, vector<16xf32>,
      tpu.vector_store %arg7[%swap3A_306], %gather3A_274 {strides = array<i32>} : memref<4096xf32, #tpu.memory_space<vmem>>, vector<16xf32>,
      %add3A_308 = arith.constant 96 : i32
      %add3A_309 = arith.addi %add3A_174, %add3A_308 : i32
      %swap3A_310 = arith.index_cast %add3A_309 : i32 to index
      %swap3A_311 = tpu.vector_load %arg7[%swap3A_310] {strides = array<i32>} : memref<4096xf32, #tpu.memory_space<vmem>>, vector<16xf32>,
      tpu.vector_store %arg7[%swap3A_310], %gather3A_275 {strides = array<i32>} : memref<4096xf32, #tpu.memory_space<vmem>>, vector<16xf32>,
      %add3A_312 = arith.constant 112 : i32
      %add3A_313 = arith.addi %add3A_174, %add3A_312 : i32
      %swap3A_314 = arith.index_cast %add3A_313 : i32 to index
      %swap3A_315 = tpu.vector_load %arg7[%swap3A_314] {strides = array<i32>} : memref<4096xf32, #tpu.memory_space<vmem>>, vector<16xf32>,
      tpu.vector_store %arg7[%swap3A_314], %gather3A_276 {strides = array<i32>} : memref<4096xf32, #tpu.memory_space<vmem>>, vector<16xf32>,
      %add3A_316 = arith.constant 128 : i32
      %add3A_317 = arith.addi %add3A_174, %add3A_316 : i32
      %swap3A_318 = arith.index_cast %add3A_317 : i32 to index
      %swap3A_319 = tpu.vector_load %arg7[%swap3A_318] {strides = array<i32>} : memref<4096xf32, #tpu.memory_space<vmem>>, vector<16xf32>,
      tpu.vector_store %arg7[%swap3A_318], %gather3A_277 {strides = array<i32>} : memref<4096xf32, #tpu.memory_space<vmem>>, vector<16xf32>,
      %add3A_320 = arith.constant 144 : i32
      %add3A_321 = arith.addi %add3A_174, %add3A_320 : i32
      %swap3A_322 = arith.index_cast %add3A_321 : i32 to index
      %swap3A_323 = tpu.vector_load %arg7[%swap3A_322] {strides = array<i32>} : memref<4096xf32, #tpu.memory_space<vmem>>, vector<16xf32>,
      tpu.vector_store %arg7[%swap3A_322], %gather3A_278 {strides = array<i32>} : memref<4096xf32, #tpu.memory_space<vmem>>, vector<16xf32>,
      %add3A_324 = arith.constant 160 : i32
      %add3A_325 = arith.addi %add3A_174, %add3A_324 : i32
      %swap3A_326 = arith.index_cast %add3A_325 : i32 to index
      %swap3A_327 = tpu.vector_load %arg7[%swap3A_326] {strides = array<i32>} : memref<4096xf32, #tpu.memory_space<vmem>>, vector<16xf32>,
      tpu.vector_store %arg7[%swap3A_326], %gather3A_279 {strides = array<i32>} : memref<4096xf32, #tpu.memory_space<vmem>>, vector<16xf32>,
      %add3A_328 = arith.constant 176 : i32
      %add3A_329 = arith.addi %add3A_174, %add3A_328 : i32
      %swap3A_330 = arith.index_cast %add3A_329 : i32 to index
      %swap3A_331 = tpu.vector_load %arg7[%swap3A_330] {strides = array<i32>} : memref<4096xf32, #tpu.memory_space<vmem>>, vector<16xf32>,
      tpu.vector_store %arg7[%swap3A_330], %gather3A_280 {strides = array<i32>} : memref<4096xf32, #tpu.memory_space<vmem>>, vector<16xf32>,
      %add3A_332 = arith.constant 192 : i32
      %add3A_333 = arith.addi %add3A_174, %add3A_332 : i32
      %swap3A_334 = arith.index_cast %add3A_333 : i32 to index
      %swap3A_335 = tpu.vector_load %arg7[%swap3A_334] {strides = array<i32>} : memref<4096xf32, #tpu.memory_space<vmem>>, vector<16xf32>,
      tpu.vector_store %arg7[%swap3A_334], %gather3A_281 {strides = array<i32>} : memref<4096xf32, #tpu.memory_space<vmem>>, vector<16xf32>,
      %add3A_336 = arith.constant 208 : i32
      %add3A_337 = arith.addi %add3A_174, %add3A_336 : i32
      %swap3A_338 = arith.index_cast %add3A_337 : i32 to index
      %swap3A_339 = tpu.vector_load %arg7[%swap3A_338] {strides = array<i32>} : memref<4096xf32, #tpu.memory_space<vmem>>, vector<16xf32>,
      tpu.vector_store %arg7[%swap3A_338], %gather3A_282 {strides = array<i32>} : memref<4096xf32, #tpu.memory_space<vmem>>, vector<16xf32>,
      %add3A_340 = arith.constant 224 : i32
      %add3A_341 = arith.addi %add3A_174, %add3A_340 : i32
      %swap3A_342 = arith.index_cast %add3A_341 : i32 to index
      %swap3A_343 = tpu.vector_load %arg7[%swap3A_342] {strides = array<i32>} : memref<4096xf32, #tpu.memory_space<vmem>>, vector<16xf32>,
      tpu.vector_store %arg7[%swap3A_342], %gather3A_283 {strides = array<i32>} : memref<4096xf32, #tpu.memory_space<vmem>>, vector<16xf32>,
      %add3A_344 = arith.constant 240 : i32
      %add3A_345 = arith.addi %add3A_174, %add3A_344 : i32
      %swap3A_346 = arith.index_cast %add3A_345 : i32 to index
      %swap3A_347 = tpu.vector_load %arg7[%swap3A_346] {strides = array<i32>} : memref<4096xf32, #tpu.memory_space<vmem>>, vector<16xf32>,
      tpu.vector_store %arg7[%swap3A_346], %gather3A_284 {strides = array<i32>} : memref<4096xf32, #tpu.memory_space<vmem>>, vector<16xf32>,
    }
    %scan3A_48 = arith.constant 16 : i32
    %dma_start3A_49 = arith.constant 8192 : i32
    %dma_start3A_50 = tpu.memref_slice %arg4[%add3A_11, %dma_start3A_49] : memref<64x16384xf32, #tpu.memory_space<hbm>> -> memref<1x4096xf32, #tpu.memory_space<hbm>>
    %dma_start3A_51 = tpu.memref_squeeze %dma_start3A_50 : memref<1x4096xf32, #tpu.memory_space<hbm>> -> memref<4096xf32, #tpu.memory_space<hbm>>
    %dma_start3A_52 = arith.constant 8192 : i32
    %dma_start3A_53 = tpu.memref_slice %arg4[%add3A_11, %dma_start3A_52] : memref<64x16384xf32, #tpu.memory_space<hbm>> -> memref<1x4096xf32, #tpu.memory_space<hbm>>
    %dma_start3A_54 = tpu.memref_squeeze %dma_start3A_53 : memref<1x4096xf32, #tpu.memory_space<hbm>> -> memref<4096xf32, #tpu.memory_space<hbm>>
    tpu.enqueue_dma source(%arg7 : memref<4096xf32, #tpu.memory_space<vmem>>) target(%dma_start3A_54 : memref<4096xf32, #tpu.memory_space<hbm>>) target_semaphore(%arg11 : memref<!tpu.dma_semaphore, #tpu.memory_space<semaphore_mem>>)
    %dma_wait3A_55 = arith.constant 4096 : i32
    %dma_wait3A_56 = tpu.memref_slice %arg4[%add3A_11, %dma_wait3A_55] : memref<64x16384xf32, #tpu.memory_space<hbm>> -> memref<1x4096xf32, #tpu.memory_space<hbm>>
    %dma_wait3A_57 = tpu.memref_squeeze %dma_wait3A_56 : memref<1x4096xf32, #tpu.memory_space<hbm>> -> memref<4096xf32, #tpu.memory_space<hbm>>
    %dma_wait3A_58 = arith.constant 4096 : i32
    %dma_wait3A_59 = tpu.memref_slice %arg4[%add3A_11, %dma_wait3A_58] : memref<64x16384xf32, #tpu.memory_space<hbm>> -> memref<1x4096xf32, #tpu.memory_space<hbm>>
    %dma_wait3A_60 = tpu.memref_squeeze %dma_wait3A_59 : memref<1x4096xf32, #tpu.memory_space<hbm>> -> memref<4096xf32, #tpu.memory_space<hbm>>
    tpu.wait_dma2 semaphore(%arg11 : memref<!tpu.dma_semaphore, #tpu.memory_space<semaphore_mem>>) src(%arg8 : memref<4096xf32, #tpu.memory_space<vmem>>) dst(%dma_wait3A_60 : memref<4096xf32, #tpu.memory_space<hbm>>)
    %scan3A_61 = arith.constant 0 : i32
    %scan3A_62 = arith.constant 16 : i32
    %scan3A_63 = arith.addi %scan3A_61, %scan3A_62 : i32
    %scan3A_64 = arith.constant 1 : i32
    scf.for %scan3A_170 = %scan3A_61 to %scan3A_63 step %scan3A_64  : i32 {
      %mul3A_171 = arith.constant 256 : i32
      %mul3A_172 = arith.muli %scan3A_170, %mul3A_171 : i32
      %add3A_173 = arith.constant 0 : i32
      %add3A_174 = arith.addi %add3A_173, %mul3A_172 : i32
      %add3A_175 = arith.constant 12288 : i32
      %add3A_176 = arith.addi %add3A_175, %add3A_174 : i32
      %add3A_177 = arith.constant 0 : i32
      %add3A_178 = arith.addi %add3A_176, %add3A_177 : i32
      %get3A = arith.index_cast %add3A_178 : i32 to index
      %get3A_179 = tpu.vector_load %arg6[%get3A] {strides = array<i32>} : memref<16384xi32, #tpu.memory_space<vmem>>, vector<16xi32>,
      %add3A_180 = arith.constant 12288 : i32
      %add3A_181 = arith.addi %add3A_180, %add3A_174 : i32
      %add3A_182 = arith.constant 16 : i32
      %add3A_183 = arith.addi %add3A_181, %add3A_182 : i32
      %get3A_184 = arith.index_cast %add3A_183 : i32 to index
      %get3A_185 = tpu.vector_load %arg6[%get3A_184] {strides = array<i32>} : memref<16384xi32, #tpu.memory_space<vmem>>, vector<16xi32>,
      %add3A_186 = arith.constant 12288 : i32
      %add3A_187 = arith.addi %add3A_186, %add3A_174 : i32
      %add3A_188 = arith.constant 32 : i32
      %add3A_189 = arith.addi %add3A_187, %add3A_188 : i32
      %get3A_190 = arith.index_cast %add3A_189 : i32 to index
      %get3A_191 = tpu.vector_load %arg6[%get3A_190] {strides = array<i32>} : memref<16384xi32, #tpu.memory_space<vmem>>, vector<16xi32>,
      %add3A_192 = arith.constant 12288 : i32
      %add3A_193 = arith.addi %add3A_192, %add3A_174 : i32
      %add3A_194 = arith.constant 48 : i32
      %add3A_195 = arith.addi %add3A_193, %add3A_194 : i32
      %get3A_196 = arith.index_cast %add3A_195 : i32 to index
      %get3A_197 = tpu.vector_load %arg6[%get3A_196] {strides = array<i32>} : memref<16384xi32, #tpu.memory_space<vmem>>, vector<16xi32>,
      %add3A_198 = arith.constant 12288 : i32
      %add3A_199 = arith.addi %add3A_198, %add3A_174 : i32
      %add3A_200 = arith.constant 64 : i32
      %add3A_201 = arith.addi %add3A_199, %add3A_200 : i32
      %get3A_202 = arith.index_cast %add3A_201 : i32 to index
      %get3A_203 = tpu.vector_load %arg6[%get3A_202] {strides = array<i32>} : memref<16384xi32, #tpu.memory_space<vmem>>, vector<16xi32>,
      %add3A_204 = arith.constant 12288 : i32
      %add3A_205 = arith.addi %add3A_204, %add3A_174 : i32
      %add3A_206 = arith.constant 80 : i32
      %add3A_207 = arith.addi %add3A_205, %add3A_206 : i32
      %get3A_208 = arith.index_cast %add3A_207 : i32 to index
      %get3A_209 = tpu.vector_load %arg6[%get3A_208] {strides = array<i32>} : memref<16384xi32, #tpu.memory_space<vmem>>, vector<16xi32>,
      %add3A_210 = arith.constant 12288 : i32
      %add3A_211 = arith.addi %add3A_210, %add3A_174 : i32
      %add3A_212 = arith.constant 96 : i32
      %add3A_213 = arith.addi %add3A_211, %add3A_212 : i32
      %get3A_214 = arith.index_cast %add3A_213 : i32 to index
      %get3A_215 = tpu.vector_load %arg6[%get3A_214] {strides = array<i32>} : memref<16384xi32, #tpu.memory_space<vmem>>, vector<16xi32>,
      %add3A_216 = arith.constant 12288 : i32
      %add3A_217 = arith.addi %add3A_216, %add3A_174 : i32
      %add3A_218 = arith.constant 112 : i32
      %add3A_219 = arith.addi %add3A_217, %add3A_218 : i32
      %get3A_220 = arith.index_cast %add3A_219 : i32 to index
      %get3A_221 = tpu.vector_load %arg6[%get3A_220] {strides = array<i32>} : memref<16384xi32, #tpu.memory_space<vmem>>, vector<16xi32>,
      %add3A_222 = arith.constant 12288 : i32
      %add3A_223 = arith.addi %add3A_222, %add3A_174 : i32
      %add3A_224 = arith.constant 128 : i32
      %add3A_225 = arith.addi %add3A_223, %add3A_224 : i32
      %get3A_226 = arith.index_cast %add3A_225 : i32 to index
      %get3A_227 = tpu.vector_load %arg6[%get3A_226] {strides = array<i32>} : memref<16384xi32, #tpu.memory_space<vmem>>, vector<16xi32>,
      %add3A_228 = arith.constant 12288 : i32
      %add3A_229 = arith.addi %add3A_228, %add3A_174 : i32
      %add3A_230 = arith.constant 144 : i32
      %add3A_231 = arith.addi %add3A_229, %add3A_230 : i32
      %get3A_232 = arith.index_cast %add3A_231 : i32 to index
      %get3A_233 = tpu.vector_load %arg6[%get3A_232] {strides = array<i32>} : memref<16384xi32, #tpu.memory_space<vmem>>, vector<16xi32>,
      %add3A_234 = arith.constant 12288 : i32
      %add3A_235 = arith.addi %add3A_234, %add3A_174 : i32
      %add3A_236 = arith.constant 160 : i32
      %add3A_237 = arith.addi %add3A_235, %add3A_236 : i32
      %get3A_238 = arith.index_cast %add3A_237 : i32 to index
      %get3A_239 = tpu.vector_load %arg6[%get3A_238] {strides = array<i32>} : memref<16384xi32, #tpu.memory_space<vmem>>, vector<16xi32>,
      %add3A_240 = arith.constant 12288 : i32
      %add3A_241 = arith.addi %add3A_240, %add3A_174 : i32
      %add3A_242 = arith.constant 176 : i32
      %add3A_243 = arith.addi %add3A_241, %add3A_242 : i32
      %get3A_244 = arith.index_cast %add3A_243 : i32 to index
      %get3A_245 = tpu.vector_load %arg6[%get3A_244] {strides = array<i32>} : memref<16384xi32, #tpu.memory_space<vmem>>, vector<16xi32>,
      %add3A_246 = arith.constant 12288 : i32
      %add3A_247 = arith.addi %add3A_246, %add3A_174 : i32
      %add3A_248 = arith.constant 192 : i32
      %add3A_249 = arith.addi %add3A_247, %add3A_248 : i32
      %get3A_250 = arith.index_cast %add3A_249 : i32 to index
      %get3A_251 = tpu.vector_load %arg6[%get3A_250] {strides = array<i32>} : memref<16384xi32, #tpu.memory_space<vmem>>, vector<16xi32>,
      %add3A_252 = arith.constant 12288 : i32
      %add3A_253 = arith.addi %add3A_252, %add3A_174 : i32
      %add3A_254 = arith.constant 208 : i32
      %add3A_255 = arith.addi %add3A_253, %add3A_254 : i32
      %get3A_256 = arith.index_cast %add3A_255 : i32 to index
      %get3A_257 = tpu.vector_load %arg6[%get3A_256] {strides = array<i32>} : memref<16384xi32, #tpu.memory_space<vmem>>, vector<16xi32>,
      %add3A_258 = arith.constant 12288 : i32
      %add3A_259 = arith.addi %add3A_258, %add3A_174 : i32
      %add3A_260 = arith.constant 224 : i32
      %add3A_261 = arith.addi %add3A_259, %add3A_260 : i32
      %get3A_262 = arith.index_cast %add3A_261 : i32 to index
      %get3A_263 = tpu.vector_load %arg6[%get3A_262] {strides = array<i32>} : memref<16384xi32, #tpu.memory_space<vmem>>, vector<16xi32>,
      %add3A_264 = arith.constant 12288 : i32
      %add3A_265 = arith.addi %add3A_264, %add3A_174 : i32
      %add3A_266 = arith.constant 240 : i32
      %add3A_267 = arith.addi %add3A_265, %add3A_266 : i32
      %get3A_268 = arith.index_cast %add3A_267 : i32 to index
      %get3A_269 = tpu.vector_load %arg6[%get3A_268] {strides = array<i32>} : memref<16384xi32, #tpu.memory_space<vmem>>, vector<16xi32>,
      %gather3A = tpu.vector_load_idx %arg5[%get3A_179] : memref<100000xf32, #tpu.memory_space<vmem>>[vector<16xi32>], vector<16xf32>,
      %gather3A_270 = tpu.vector_load_idx %arg5[%get3A_185] : memref<100000xf32, #tpu.memory_space<vmem>>[vector<16xi32>], vector<16xf32>,
      %gather3A_271 = tpu.vector_load_idx %arg5[%get3A_191] : memref<100000xf32, #tpu.memory_space<vmem>>[vector<16xi32>], vector<16xf32>,
      %gather3A_272 = tpu.vector_load_idx %arg5[%get3A_197] : memref<100000xf32, #tpu.memory_space<vmem>>[vector<16xi32>], vector<16xf32>,
      %gather3A_273 = tpu.vector_load_idx %arg5[%get3A_203] : memref<100000xf32, #tpu.memory_space<vmem>>[vector<16xi32>], vector<16xf32>,
      %gather3A_274 = tpu.vector_load_idx %arg5[%get3A_209] : memref<100000xf32, #tpu.memory_space<vmem>>[vector<16xi32>], vector<16xf32>,
      %gather3A_275 = tpu.vector_load_idx %arg5[%get3A_215] : memref<100000xf32, #tpu.memory_space<vmem>>[vector<16xi32>], vector<16xf32>,
      %gather3A_276 = tpu.vector_load_idx %arg5[%get3A_221] : memref<100000xf32, #tpu.memory_space<vmem>>[vector<16xi32>], vector<16xf32>,
      %gather3A_277 = tpu.vector_load_idx %arg5[%get3A_227] : memref<100000xf32, #tpu.memory_space<vmem>>[vector<16xi32>], vector<16xf32>,
      %gather3A_278 = tpu.vector_load_idx %arg5[%get3A_233] : memref<100000xf32, #tpu.memory_space<vmem>>[vector<16xi32>], vector<16xf32>,
      %gather3A_279 = tpu.vector_load_idx %arg5[%get3A_239] : memref<100000xf32, #tpu.memory_space<vmem>>[vector<16xi32>], vector<16xf32>,
      %gather3A_280 = tpu.vector_load_idx %arg5[%get3A_245] : memref<100000xf32, #tpu.memory_space<vmem>>[vector<16xi32>], vector<16xf32>,
      %gather3A_281 = tpu.vector_load_idx %arg5[%get3A_251] : memref<100000xf32, #tpu.memory_space<vmem>>[vector<16xi32>], vector<16xf32>,
      %gather3A_282 = tpu.vector_load_idx %arg5[%get3A_257] : memref<100000xf32, #tpu.memory_space<vmem>>[vector<16xi32>], vector<16xf32>,
      %gather3A_283 = tpu.vector_load_idx %arg5[%get3A_263] : memref<100000xf32, #tpu.memory_space<vmem>>[vector<16xi32>], vector<16xf32>,
      %gather3A_284 = tpu.vector_load_idx %arg5[%get3A_269] : memref<100000xf32, #tpu.memory_space<vmem>>[vector<16xi32>], vector<16xf32>,
      %add3A_285 = arith.constant 0 : i32
      %add3A_286 = arith.addi %add3A_174, %add3A_285 : i32
      %swap3A = arith.index_cast %add3A_286 : i32 to index
      %swap3A_287 = tpu.vector_load %arg8[%swap3A] {strides = array<i32>} : memref<4096xf32, #tpu.memory_space<vmem>>, vector<16xf32>,
      tpu.vector_store %arg8[%swap3A], %gather3A {strides = array<i32>} : memref<4096xf32, #tpu.memory_space<vmem>>, vector<16xf32>,
      %add3A_288 = arith.constant 16 : i32
      %add3A_289 = arith.addi %add3A_174, %add3A_288 : i32
      %swap3A_290 = arith.index_cast %add3A_289 : i32 to index
      %swap3A_291 = tpu.vector_load %arg8[%swap3A_290] {strides = array<i32>} : memref<4096xf32, #tpu.memory_space<vmem>>, vector<16xf32>,
      tpu.vector_store %arg8[%swap3A_290], %gather3A_270 {strides = array<i32>} : memref<4096xf32, #tpu.memory_space<vmem>>, vector<16xf32>,
      %add3A_292 = arith.constant 32 : i32
      %add3A_293 = arith.addi %add3A_174, %add3A_292 : i32
      %swap3A_294 = arith.index_cast %add3A_293 : i32 to index
      %swap3A_295 = tpu.vector_load %arg8[%swap3A_294] {strides = array<i32>} : memref<4096xf32, #tpu.memory_space<vmem>>, vector<16xf32>,
      tpu.vector_store %arg8[%swap3A_294], %gather3A_271 {strides = array<i32>} : memref<4096xf32, #tpu.memory_space<vmem>>, vector<16xf32>,
      %add3A_296 = arith.constant 48 : i32
      %add3A_297 = arith.addi %add3A_174, %add3A_296 : i32
      %swap3A_298 = arith.index_cast %add3A_297 : i32 to index
      %swap3A_299 = tpu.vector_load %arg8[%swap3A_298] {strides = array<i32>} : memref<4096xf32, #tpu.memory_space<vmem>>, vector<16xf32>,
      tpu.vector_store %arg8[%swap3A_298], %gather3A_272 {strides = array<i32>} : memref<4096xf32, #tpu.memory_space<vmem>>, vector<16xf32>,
      %add3A_300 = arith.constant 64 : i32
      %add3A_301 = arith.addi %add3A_174, %add3A_300 : i32
      %swap3A_302 = arith.index_cast %add3A_301 : i32 to index
      %swap3A_303 = tpu.vector_load %arg8[%swap3A_302] {strides = array<i32>} : memref<4096xf32, #tpu.memory_space<vmem>>, vector<16xf32>,
      tpu.vector_store %arg8[%swap3A_302], %gather3A_273 {strides = array<i32>} : memref<4096xf32, #tpu.memory_space<vmem>>, vector<16xf32>,
      %add3A_304 = arith.constant 80 : i32
      %add3A_305 = arith.addi %add3A_174, %add3A_304 : i32
      %swap3A_306 = arith.index_cast %add3A_305 : i32 to index
      %swap3A_307 = tpu.vector_load %arg8[%swap3A_306] {strides = array<i32>} : memref<4096xf32, #tpu.memory_space<vmem>>, vector<16xf32>,
      tpu.vector_store %arg8[%swap3A_306], %gather3A_274 {strides = array<i32>} : memref<4096xf32, #tpu.memory_space<vmem>>, vector<16xf32>,
      %add3A_308 = arith.constant 96 : i32
      %add3A_309 = arith.addi %add3A_174, %add3A_308 : i32
      %swap3A_310 = arith.index_cast %add3A_309 : i32 to index
      %swap3A_311 = tpu.vector_load %arg8[%swap3A_310] {strides = array<i32>} : memref<4096xf32, #tpu.memory_space<vmem>>, vector<16xf32>,
      tpu.vector_store %arg8[%swap3A_310], %gather3A_275 {strides = array<i32>} : memref<4096xf32, #tpu.memory_space<vmem>>, vector<16xf32>,
      %add3A_312 = arith.constant 112 : i32
      %add3A_313 = arith.addi %add3A_174, %add3A_312 : i32
      %swap3A_314 = arith.index_cast %add3A_313 : i32 to index
      %swap3A_315 = tpu.vector_load %arg8[%swap3A_314] {strides = array<i32>} : memref<4096xf32, #tpu.memory_space<vmem>>, vector<16xf32>,
      tpu.vector_store %arg8[%swap3A_314], %gather3A_276 {strides = array<i32>} : memref<4096xf32, #tpu.memory_space<vmem>>, vector<16xf32>,
      %add3A_316 = arith.constant 128 : i32
      %add3A_317 = arith.addi %add3A_174, %add3A_316 : i32
      %swap3A_318 = arith.index_cast %add3A_317 : i32 to index
      %swap3A_319 = tpu.vector_load %arg8[%swap3A_318] {strides = array<i32>} : memref<4096xf32, #tpu.memory_space<vmem>>, vector<16xf32>,
      tpu.vector_store %arg8[%swap3A_318], %gather3A_277 {strides = array<i32>} : memref<4096xf32, #tpu.memory_space<vmem>>, vector<16xf32>,
      %add3A_320 = arith.constant 144 : i32
      %add3A_321 = arith.addi %add3A_174, %add3A_320 : i32
      %swap3A_322 = arith.index_cast %add3A_321 : i32 to index
      %swap3A_323 = tpu.vector_load %arg8[%swap3A_322] {strides = array<i32>} : memref<4096xf32, #tpu.memory_space<vmem>>, vector<16xf32>,
      tpu.vector_store %arg8[%swap3A_322], %gather3A_278 {strides = array<i32>} : memref<4096xf32, #tpu.memory_space<vmem>>, vector<16xf32>,
      %add3A_324 = arith.constant 160 : i32
      %add3A_325 = arith.addi %add3A_174, %add3A_324 : i32
      %swap3A_326 = arith.index_cast %add3A_325 : i32 to index
      %swap3A_327 = tpu.vector_load %arg8[%swap3A_326] {strides = array<i32>} : memref<4096xf32, #tpu.memory_space<vmem>>, vector<16xf32>,
      tpu.vector_store %arg8[%swap3A_326], %gather3A_279 {strides = array<i32>} : memref<4096xf32, #tpu.memory_space<vmem>>, vector<16xf32>,
      %add3A_328 = arith.constant 176 : i32
      %add3A_329 = arith.addi %add3A_174, %add3A_328 : i32
      %swap3A_330 = arith.index_cast %add3A_329 : i32 to index
      %swap3A_331 = tpu.vector_load %arg8[%swap3A_330] {strides = array<i32>} : memref<4096xf32, #tpu.memory_space<vmem>>, vector<16xf32>,
      tpu.vector_store %arg8[%swap3A_330], %gather3A_280 {strides = array<i32>} : memref<4096xf32, #tpu.memory_space<vmem>>, vector<16xf32>,
      %add3A_332 = arith.constant 192 : i32
      %add3A_333 = arith.addi %add3A_174, %add3A_332 : i32
      %swap3A_334 = arith.index_cast %add3A_333 : i32 to index
      %swap3A_335 = tpu.vector_load %arg8[%swap3A_334] {strides = array<i32>} : memref<4096xf32, #tpu.memory_space<vmem>>, vector<16xf32>,
      tpu.vector_store %arg8[%swap3A_334], %gather3A_281 {strides = array<i32>} : memref<4096xf32, #tpu.memory_space<vmem>>, vector<16xf32>,
      %add3A_336 = arith.constant 208 : i32
      %add3A_337 = arith.addi %add3A_174, %add3A_336 : i32
      %swap3A_338 = arith.index_cast %add3A_337 : i32 to index
      %swap3A_339 = tpu.vector_load %arg8[%swap3A_338] {strides = array<i32>} : memref<4096xf32, #tpu.memory_space<vmem>>, vector<16xf32>,
      tpu.vector_store %arg8[%swap3A_338], %gather3A_282 {strides = array<i32>} : memref<4096xf32, #tpu.memory_space<vmem>>, vector<16xf32>,
      %add3A_340 = arith.constant 224 : i32
      %add3A_341 = arith.addi %add3A_174, %add3A_340 : i32
      %swap3A_342 = arith.index_cast %add3A_341 : i32 to index
      %swap3A_343 = tpu.vector_load %arg8[%swap3A_342] {strides = array<i32>} : memref<4096xf32, #tpu.memory_space<vmem>>, vector<16xf32>,
      tpu.vector_store %arg8[%swap3A_342], %gather3A_283 {strides = array<i32>} : memref<4096xf32, #tpu.memory_space<vmem>>, vector<16xf32>,
      %add3A_344 = arith.constant 240 : i32
      %add3A_345 = arith.addi %add3A_174, %add3A_344 : i32
      %swap3A_346 = arith.index_cast %add3A_345 : i32 to index
      %swap3A_347 = tpu.vector_load %arg8[%swap3A_346] {strides = array<i32>} : memref<4096xf32, #tpu.memory_space<vmem>>, vector<16xf32>,
      tpu.vector_store %arg8[%swap3A_346], %gather3A_284 {strides = array<i32>} : memref<4096xf32, #tpu.memory_space<vmem>>, vector<16xf32>,
    }
    %scan3A_65 = arith.constant 16 : i32
    %add3A_66 = arith.constant 1 : i32
    %add3A_67 = arith.addi %add3A_11, %add3A_66 : i32
    %dma_start3A_68 = arith.constant 0 : i32
    %dma_start3A_69 = tpu.memref_slice %arg2[%add3A_67, %dma_start3A_68] : memref<64x100000xf32, #tpu.memory_space<hbm>> -> memref<1x100000xf32, #tpu.memory_space<hbm>>
    %dma_start3A_70 = tpu.memref_squeeze %dma_start3A_69 : memref<1x100000xf32, #tpu.memory_space<hbm>> -> memref<100000xf32, #tpu.memory_space<hbm>>
    %dma_start3A_71 = arith.constant 0 : i32
    %dma_start3A_72 = tpu.memref_slice %arg2[%add3A_67, %dma_start3A_71] : memref<64x100000xf32, #tpu.memory_space<hbm>> -> memref<1x100000xf32, #tpu.memory_space<hbm>>
    %dma_start3A_73 = tpu.memref_squeeze %dma_start3A_72 : memref<1x100000xf32, #tpu.memory_space<hbm>> -> memref<100000xf32, #tpu.memory_space<hbm>>
    tpu.enqueue_dma source(%dma_start3A_73 : memref<100000xf32, #tpu.memory_space<hbm>>) target(%arg5 : memref<100000xf32, #tpu.memory_space<vmem>>) target_semaphore(%arg9 : memref<!tpu.dma_semaphore, #tpu.memory_space<semaphore_mem>>)
    %dma_start3A_74 = arith.constant 12288 : i32
    %dma_start3A_75 = tpu.memref_slice %arg4[%add3A_11, %dma_start3A_74] : memref<64x16384xf32, #tpu.memory_space<hbm>> -> memref<1x4096xf32, #tpu.memory_space<hbm>>
    %dma_start3A_76 = tpu.memref_squeeze %dma_start3A_75 : memref<1x4096xf32, #tpu.memory_space<hbm>> -> memref<4096xf32, #tpu.memory_space<hbm>>
    %dma_start3A_77 = arith.constant 12288 : i32
    %dma_start3A_78 = tpu.memref_slice %arg4[%add3A_11, %dma_start3A_77] : memref<64x16384xf32, #tpu.memory_space<hbm>> -> memref<1x4096xf32, #tpu.memory_space<hbm>>
    %dma_start3A_79 = tpu.memref_squeeze %dma_start3A_78 : memref<1x4096xf32, #tpu.memory_space<hbm>> -> memref<4096xf32, #tpu.memory_space<hbm>>
    tpu.enqueue_dma source(%arg8 : memref<4096xf32, #tpu.memory_space<vmem>>) target(%dma_start3A_79 : memref<4096xf32, #tpu.memory_space<hbm>>) target_semaphore(%arg11 : memref<!tpu.dma_semaphore, #tpu.memory_space<semaphore_mem>>)
    %mul3A_80 = arith.constant 2 : i32
    %mul3A_81 = arith.muli %add3A, %mul3A_80 : i32
    %add3A_82 = arith.constant 1 : i32
    %add3A_83 = arith.addi %mul3A_81, %add3A_82 : i32
    %dma_wait3A_84 = arith.constant 0 : i32
    %dma_wait3A_85 = tpu.memref_slice %arg2[%add3A_67, %dma_wait3A_84] : memref<64x100000xf32, #tpu.memory_space<hbm>> -> memref<1x100000xf32, #tpu.memory_space<hbm>>
    %dma_wait3A_86 = tpu.memref_squeeze %dma_wait3A_85 : memref<1x100000xf32, #tpu.memory_space<hbm>> -> memref<100000xf32, #tpu.memory_space<hbm>>
    %dma_wait3A_87 = arith.constant 0 : i32
    %dma_wait3A_88 = tpu.memref_slice %arg2[%add3A_67, %dma_wait3A_87] : memref<64x100000xf32, #tpu.memory_space<hbm>> -> memref<1x100000xf32, #tpu.memory_space<hbm>>
    %dma_wait3A_89 = tpu.memref_squeeze %dma_wait3A_88 : memref<1x100000xf32, #tpu.memory_space<hbm>> -> memref<100000xf32, #tpu.memory_space<hbm>>
    tpu.wait_dma2 semaphore(%arg9 : memref<!tpu.dma_semaphore, #tpu.memory_space<semaphore_mem>>) src(%dma_wait3A_89 : memref<100000xf32, #tpu.memory_space<hbm>>) dst(%arg5 : memref<100000xf32, #tpu.memory_space<vmem>>)
    %dma_wait3A_90 = arith.constant 8192 : i32
    %dma_wait3A_91 = tpu.memref_slice %arg4[%add3A_11, %dma_wait3A_90] : memref<64x16384xf32, #tpu.memory_space<hbm>> -> memref<1x4096xf32, #tpu.memory_space<hbm>>
    %dma_wait3A_92 = tpu.memref_squeeze %dma_wait3A_91 : memref<1x4096xf32, #tpu.memory_space<hbm>> -> memref<4096xf32, #tpu.memory_space<hbm>>
    %dma_wait3A_93 = arith.constant 8192 : i32
    %dma_wait3A_94 = tpu.memref_slice %arg4[%add3A_11, %dma_wait3A_93] : memref<64x16384xf32, #tpu.memory_space<hbm>> -> memref<1x4096xf32, #tpu.memory_space<hbm>>
    %dma_wait3A_95 = tpu.memref_squeeze %dma_wait3A_94 : memref<1x4096xf32, #tpu.memory_space<hbm>> -> memref<4096xf32, #tpu.memory_space<hbm>>
    tpu.wait_dma2 semaphore(%arg11 : memref<!tpu.dma_semaphore, #tpu.memory_space<semaphore_mem>>) src(%arg7 : memref<4096xf32, #tpu.memory_space<vmem>>) dst(%dma_wait3A_95 : memref<4096xf32, #tpu.memory_space<hbm>>)
    %scan3A_96 = arith.constant 0 : i32
    %scan3A_97 = arith.constant 16 : i32
    %scan3A_98 = arith.addi %scan3A_96, %scan3A_97 : i32
    %scan3A_99 = arith.constant 1 : i32
    scf.for %scan3A_170 = %scan3A_96 to %scan3A_98 step %scan3A_99  : i32 {
      %mul3A_171 = arith.constant 256 : i32
      %mul3A_172 = arith.muli %scan3A_170, %mul3A_171 : i32
      %add3A_173 = arith.constant 0 : i32
      %add3A_174 = arith.addi %add3A_173, %mul3A_172 : i32
      %add3A_175 = arith.constant 0 : i32
      %add3A_176 = arith.addi %add3A_175, %add3A_174 : i32
      %add3A_177 = arith.constant 0 : i32
      %add3A_178 = arith.addi %add3A_176, %add3A_177 : i32
      %get3A = arith.index_cast %add3A_178 : i32 to index
      %get3A_179 = tpu.vector_load %arg6[%get3A] {strides = array<i32>} : memref<16384xi32, #tpu.memory_space<vmem>>, vector<16xi32>,
      %add3A_180 = arith.constant 0 : i32
      %add3A_181 = arith.addi %add3A_180, %add3A_174 : i32
      %add3A_182 = arith.constant 16 : i32
      %add3A_183 = arith.addi %add3A_181, %add3A_182 : i32
      %get3A_184 = arith.index_cast %add3A_183 : i32 to index
      %get3A_185 = tpu.vector_load %arg6[%get3A_184] {strides = array<i32>} : memref<16384xi32, #tpu.memory_space<vmem>>, vector<16xi32>,
      %add3A_186 = arith.constant 0 : i32
      %add3A_187 = arith.addi %add3A_186, %add3A_174 : i32
      %add3A_188 = arith.constant 32 : i32
      %add3A_189 = arith.addi %add3A_187, %add3A_188 : i32
      %get3A_190 = arith.index_cast %add3A_189 : i32 to index
      %get3A_191 = tpu.vector_load %arg6[%get3A_190] {strides = array<i32>} : memref<16384xi32, #tpu.memory_space<vmem>>, vector<16xi32>,
      %add3A_192 = arith.constant 0 : i32
      %add3A_193 = arith.addi %add3A_192, %add3A_174 : i32
      %add3A_194 = arith.constant 48 : i32
      %add3A_195 = arith.addi %add3A_193, %add3A_194 : i32
      %get3A_196 = arith.index_cast %add3A_195 : i32 to index
      %get3A_197 = tpu.vector_load %arg6[%get3A_196] {strides = array<i32>} : memref<16384xi32, #tpu.memory_space<vmem>>, vector<16xi32>,
      %add3A_198 = arith.constant 0 : i32
      %add3A_199 = arith.addi %add3A_198, %add3A_174 : i32
      %add3A_200 = arith.constant 64 : i32
      %add3A_201 = arith.addi %add3A_199, %add3A_200 : i32
      %get3A_202 = arith.index_cast %add3A_201 : i32 to index
      %get3A_203 = tpu.vector_load %arg6[%get3A_202] {strides = array<i32>} : memref<16384xi32, #tpu.memory_space<vmem>>, vector<16xi32>,
      %add3A_204 = arith.constant 0 : i32
      %add3A_205 = arith.addi %add3A_204, %add3A_174 : i32
      %add3A_206 = arith.constant 80 : i32
      %add3A_207 = arith.addi %add3A_205, %add3A_206 : i32
      %get3A_208 = arith.index_cast %add3A_207 : i32 to index
      %get3A_209 = tpu.vector_load %arg6[%get3A_208] {strides = array<i32>} : memref<16384xi32, #tpu.memory_space<vmem>>, vector<16xi32>,
      %add3A_210 = arith.constant 0 : i32
      %add3A_211 = arith.addi %add3A_210, %add3A_174 : i32
      %add3A_212 = arith.constant 96 : i32
      %add3A_213 = arith.addi %add3A_211, %add3A_212 : i32
      %get3A_214 = arith.index_cast %add3A_213 : i32 to index
      %get3A_215 = tpu.vector_load %arg6[%get3A_214] {strides = array<i32>} : memref<16384xi32, #tpu.memory_space<vmem>>, vector<16xi32>,
      %add3A_216 = arith.constant 0 : i32
      %add3A_217 = arith.addi %add3A_216, %add3A_174 : i32
      %add3A_218 = arith.constant 112 : i32
      %add3A_219 = arith.addi %add3A_217, %add3A_218 : i32
      %get3A_220 = arith.index_cast %add3A_219 : i32 to index
      %get3A_221 = tpu.vector_load %arg6[%get3A_220] {strides = array<i32>} : memref<16384xi32, #tpu.memory_space<vmem>>, vector<16xi32>,
      %add3A_222 = arith.constant 0 : i32
      %add3A_223 = arith.addi %add3A_222, %add3A_174 : i32
      %add3A_224 = arith.constant 128 : i32
      %add3A_225 = arith.addi %add3A_223, %add3A_224 : i32
      %get3A_226 = arith.index_cast %add3A_225 : i32 to index
      %get3A_227 = tpu.vector_load %arg6[%get3A_226] {strides = array<i32>} : memref<16384xi32, #tpu.memory_space<vmem>>, vector<16xi32>,
      %add3A_228 = arith.constant 0 : i32
      %add3A_229 = arith.addi %add3A_228, %add3A_174 : i32
      %add3A_230 = arith.constant 144 : i32
      %add3A_231 = arith.addi %add3A_229, %add3A_230 : i32
      %get3A_232 = arith.index_cast %add3A_231 : i32 to index
      %get3A_233 = tpu.vector_load %arg6[%get3A_232] {strides = array<i32>} : memref<16384xi32, #tpu.memory_space<vmem>>, vector<16xi32>,
      %add3A_234 = arith.constant 0 : i32
      %add3A_235 = arith.addi %add3A_234, %add3A_174 : i32
      %add3A_236 = arith.constant 160 : i32
      %add3A_237 = arith.addi %add3A_235, %add3A_236 : i32
      %get3A_238 = arith.index_cast %add3A_237 : i32 to index
      %get3A_239 = tpu.vector_load %arg6[%get3A_238] {strides = array<i32>} : memref<16384xi32, #tpu.memory_space<vmem>>, vector<16xi32>,
      %add3A_240 = arith.constant 0 : i32
      %add3A_241 = arith.addi %add3A_240, %add3A_174 : i32
      %add3A_242 = arith.constant 176 : i32
      %add3A_243 = arith.addi %add3A_241, %add3A_242 : i32
      %get3A_244 = arith.index_cast %add3A_243 : i32 to index
      %get3A_245 = tpu.vector_load %arg6[%get3A_244] {strides = array<i32>} : memref<16384xi32, #tpu.memory_space<vmem>>, vector<16xi32>,
      %add3A_246 = arith.constant 0 : i32
      %add3A_247 = arith.addi %add3A_246, %add3A_174 : i32
      %add3A_248 = arith.constant 192 : i32
      %add3A_249 = arith.addi %add3A_247, %add3A_248 : i32
      %get3A_250 = arith.index_cast %add3A_249 : i32 to index
      %get3A_251 = tpu.vector_load %arg6[%get3A_250] {strides = array<i32>} : memref<16384xi32, #tpu.memory_space<vmem>>, vector<16xi32>,
      %add3A_252 = arith.constant 0 : i32
      %add3A_253 = arith.addi %add3A_252, %add3A_174 : i32
      %add3A_254 = arith.constant 208 : i32
      %add3A_255 = arith.addi %add3A_253, %add3A_254 : i32
      %get3A_256 = arith.index_cast %add3A_255 : i32 to index
      %get3A_257 = tpu.vector_load %arg6[%get3A_256] {strides = array<i32>} : memref<16384xi32, #tpu.memory_space<vmem>>, vector<16xi32>,
      %add3A_258 = arith.constant 0 : i32
      %add3A_259 = arith.addi %add3A_258, %add3A_174 : i32
      %add3A_260 = arith.constant 224 : i32
      %add3A_261 = arith.addi %add3A_259, %add3A_260 : i32
      %get3A_262 = arith.index_cast %add3A_261 : i32 to index
      %get3A_263 = tpu.vector_load %arg6[%get3A_262] {strides = array<i32>} : memref<16384xi32, #tpu.memory_space<vmem>>, vector<16xi32>,
      %add3A_264 = arith.constant 0 : i32
      %add3A_265 = arith.addi %add3A_264, %add3A_174 : i32
      %add3A_266 = arith.constant 240 : i32
      %add3A_267 = arith.addi %add3A_265, %add3A_266 : i32
      %get3A_268 = arith.index_cast %add3A_267 : i32 to index
      %get3A_269 = tpu.vector_load %arg6[%get3A_268] {strides = array<i32>} : memref<16384xi32, #tpu.memory_space<vmem>>, vector<16xi32>,
      %gather3A = tpu.vector_load_idx %arg5[%get3A_179] : memref<100000xf32, #tpu.memory_space<vmem>>[vector<16xi32>], vector<16xf32>,
      %gather3A_270 = tpu.vector_load_idx %arg5[%get3A_185] : memref<100000xf32, #tpu.memory_space<vmem>>[vector<16xi32>], vector<16xf32>,
      %gather3A_271 = tpu.vector_load_idx %arg5[%get3A_191] : memref<100000xf32, #tpu.memory_space<vmem>>[vector<16xi32>], vector<16xf32>,
      %gather3A_272 = tpu.vector_load_idx %arg5[%get3A_197] : memref<100000xf32, #tpu.memory_space<vmem>>[vector<16xi32>], vector<16xf32>,
      %gather3A_273 = tpu.vector_load_idx %arg5[%get3A_203] : memref<100000xf32, #tpu.memory_space<vmem>>[vector<16xi32>], vector<16xf32>,
      %gather3A_274 = tpu.vector_load_idx %arg5[%get3A_209] : memref<100000xf32, #tpu.memory_space<vmem>>[vector<16xi32>], vector<16xf32>,
      %gather3A_275 = tpu.vector_load_idx %arg5[%get3A_215] : memref<100000xf32, #tpu.memory_space<vmem>>[vector<16xi32>], vector<16xf32>,
      %gather3A_276 = tpu.vector_load_idx %arg5[%get3A_221] : memref<100000xf32, #tpu.memory_space<vmem>>[vector<16xi32>], vector<16xf32>,
      %gather3A_277 = tpu.vector_load_idx %arg5[%get3A_227] : memref<100000xf32, #tpu.memory_space<vmem>>[vector<16xi32>], vector<16xf32>,
      %gather3A_278 = tpu.vector_load_idx %arg5[%get3A_233] : memref<100000xf32, #tpu.memory_space<vmem>>[vector<16xi32>], vector<16xf32>,
      %gather3A_279 = tpu.vector_load_idx %arg5[%get3A_239] : memref<100000xf32, #tpu.memory_space<vmem>>[vector<16xi32>], vector<16xf32>,
      %gather3A_280 = tpu.vector_load_idx %arg5[%get3A_245] : memref<100000xf32, #tpu.memory_space<vmem>>[vector<16xi32>], vector<16xf32>,
      %gather3A_281 = tpu.vector_load_idx %arg5[%get3A_251] : memref<100000xf32, #tpu.memory_space<vmem>>[vector<16xi32>], vector<16xf32>,
      %gather3A_282 = tpu.vector_load_idx %arg5[%get3A_257] : memref<100000xf32, #tpu.memory_space<vmem>>[vector<16xi32>], vector<16xf32>,
      %gather3A_283 = tpu.vector_load_idx %arg5[%get3A_263] : memref<100000xf32, #tpu.memory_space<vmem>>[vector<16xi32>], vector<16xf32>,
      %gather3A_284 = tpu.vector_load_idx %arg5[%get3A_269] : memref<100000xf32, #tpu.memory_space<vmem>>[vector<16xi32>], vector<16xf32>,
      %add3A_285 = arith.constant 0 : i32
      %add3A_286 = arith.addi %add3A_174, %add3A_285 : i32
      %swap3A = arith.index_cast %add3A_286 : i32 to index
      %swap3A_287 = tpu.vector_load %arg7[%swap3A] {strides = array<i32>} : memref<4096xf32, #tpu.memory_space<vmem>>, vector<16xf32>,
      tpu.vector_store %arg7[%swap3A], %gather3A {strides = array<i32>} : memref<4096xf32, #tpu.memory_space<vmem>>, vector<16xf32>,
      %add3A_288 = arith.constant 16 : i32
      %add3A_289 = arith.addi %add3A_174, %add3A_288 : i32
      %swap3A_290 = arith.index_cast %add3A_289 : i32 to index
      %swap3A_291 = tpu.vector_load %arg7[%swap3A_290] {strides = array<i32>} : memref<4096xf32, #tpu.memory_space<vmem>>, vector<16xf32>,
      tpu.vector_store %arg7[%swap3A_290], %gather3A_270 {strides = array<i32>} : memref<4096xf32, #tpu.memory_space<vmem>>, vector<16xf32>,
      %add3A_292 = arith.constant 32 : i32
      %add3A_293 = arith.addi %add3A_174, %add3A_292 : i32
      %swap3A_294 = arith.index_cast %add3A_293 : i32 to index
      %swap3A_295 = tpu.vector_load %arg7[%swap3A_294] {strides = array<i32>} : memref<4096xf32, #tpu.memory_space<vmem>>, vector<16xf32>,
      tpu.vector_store %arg7[%swap3A_294], %gather3A_271 {strides = array<i32>} : memref<4096xf32, #tpu.memory_space<vmem>>, vector<16xf32>,
      %add3A_296 = arith.constant 48 : i32
      %add3A_297 = arith.addi %add3A_174, %add3A_296 : i32
      %swap3A_298 = arith.index_cast %add3A_297 : i32 to index
      %swap3A_299 = tpu.vector_load %arg7[%swap3A_298] {strides = array<i32>} : memref<4096xf32, #tpu.memory_space<vmem>>, vector<16xf32>,
      tpu.vector_store %arg7[%swap3A_298], %gather3A_272 {strides = array<i32>} : memref<4096xf32, #tpu.memory_space<vmem>>, vector<16xf32>,
      %add3A_300 = arith.constant 64 : i32
      %add3A_301 = arith.addi %add3A_174, %add3A_300 : i32
      %swap3A_302 = arith.index_cast %add3A_301 : i32 to index
      %swap3A_303 = tpu.vector_load %arg7[%swap3A_302] {strides = array<i32>} : memref<4096xf32, #tpu.memory_space<vmem>>, vector<16xf32>,
      tpu.vector_store %arg7[%swap3A_302], %gather3A_273 {strides = array<i32>} : memref<4096xf32, #tpu.memory_space<vmem>>, vector<16xf32>,
      %add3A_304 = arith.constant 80 : i32
      %add3A_305 = arith.addi %add3A_174, %add3A_304 : i32
      %swap3A_306 = arith.index_cast %add3A_305 : i32 to index
      %swap3A_307 = tpu.vector_load %arg7[%swap3A_306] {strides = array<i32>} : memref<4096xf32, #tpu.memory_space<vmem>>, vector<16xf32>,
      tpu.vector_store %arg7[%swap3A_306], %gather3A_274 {strides = array<i32>} : memref<4096xf32, #tpu.memory_space<vmem>>, vector<16xf32>,
      %add3A_308 = arith.constant 96 : i32
      %add3A_309 = arith.addi %add3A_174, %add3A_308 : i32
      %swap3A_310 = arith.index_cast %add3A_309 : i32 to index
      %swap3A_311 = tpu.vector_load %arg7[%swap3A_310] {strides = array<i32>} : memref<4096xf32, #tpu.memory_space<vmem>>, vector<16xf32>,
      tpu.vector_store %arg7[%swap3A_310], %gather3A_275 {strides = array<i32>} : memref<4096xf32, #tpu.memory_space<vmem>>, vector<16xf32>,
      %add3A_312 = arith.constant 112 : i32
      %add3A_313 = arith.addi %add3A_174, %add3A_312 : i32
      %swap3A_314 = arith.index_cast %add3A_313 : i32 to index
      %swap3A_315 = tpu.vector_load %arg7[%swap3A_314] {strides = array<i32>} : memref<4096xf32, #tpu.memory_space<vmem>>, vector<16xf32>,
      tpu.vector_store %arg7[%swap3A_314], %gather3A_276 {strides = array<i32>} : memref<4096xf32, #tpu.memory_space<vmem>>, vector<16xf32>,
      %add3A_316 = arith.constant 128 : i32
      %add3A_317 = arith.addi %add3A_174, %add3A_316 : i32
      %swap3A_318 = arith.index_cast %add3A_317 : i32 to index
      %swap3A_319 = tpu.vector_load %arg7[%swap3A_318] {strides = array<i32>} : memref<4096xf32, #tpu.memory_space<vmem>>, vector<16xf32>,
      tpu.vector_store %arg7[%swap3A_318], %gather3A_277 {strides = array<i32>} : memref<4096xf32, #tpu.memory_space<vmem>>, vector<16xf32>,
      %add3A_320 = arith.constant 144 : i32
      %add3A_321 = arith.addi %add3A_174, %add3A_320 : i32
      %swap3A_322 = arith.index_cast %add3A_321 : i32 to index
      %swap3A_323 = tpu.vector_load %arg7[%swap3A_322] {strides = array<i32>} : memref<4096xf32, #tpu.memory_space<vmem>>, vector<16xf32>,
      tpu.vector_store %arg7[%swap3A_322], %gather3A_278 {strides = array<i32>} : memref<4096xf32, #tpu.memory_space<vmem>>, vector<16xf32>,
      %add3A_324 = arith.constant 160 : i32
      %add3A_325 = arith.addi %add3A_174, %add3A_324 : i32
      %swap3A_326 = arith.index_cast %add3A_325 : i32 to index
      %swap3A_327 = tpu.vector_load %arg7[%swap3A_326] {strides = array<i32>} : memref<4096xf32, #tpu.memory_space<vmem>>, vector<16xf32>,
      tpu.vector_store %arg7[%swap3A_326], %gather3A_279 {strides = array<i32>} : memref<4096xf32, #tpu.memory_space<vmem>>, vector<16xf32>,
      %add3A_328 = arith.constant 176 : i32
      %add3A_329 = arith.addi %add3A_174, %add3A_328 : i32
      %swap3A_330 = arith.index_cast %add3A_329 : i32 to index
      %swap3A_331 = tpu.vector_load %arg7[%swap3A_330] {strides = array<i32>} : memref<4096xf32, #tpu.memory_space<vmem>>, vector<16xf32>,
      tpu.vector_store %arg7[%swap3A_330], %gather3A_280 {strides = array<i32>} : memref<4096xf32, #tpu.memory_space<vmem>>, vector<16xf32>,
      %add3A_332 = arith.constant 192 : i32
      %add3A_333 = arith.addi %add3A_174, %add3A_332 : i32
      %swap3A_334 = arith.index_cast %add3A_333 : i32 to index
      %swap3A_335 = tpu.vector_load %arg7[%swap3A_334] {strides = array<i32>} : memref<4096xf32, #tpu.memory_space<vmem>>, vector<16xf32>,
      tpu.vector_store %arg7[%swap3A_334], %gather3A_281 {strides = array<i32>} : memref<4096xf32, #tpu.memory_space<vmem>>, vector<16xf32>,
      %add3A_336 = arith.constant 208 : i32
      %add3A_337 = arith.addi %add3A_174, %add3A_336 : i32
      %swap3A_338 = arith.index_cast %add3A_337 : i32 to index
      %swap3A_339 = tpu.vector_load %arg7[%swap3A_338] {strides = array<i32>} : memref<4096xf32, #tpu.memory_space<vmem>>, vector<16xf32>,
      tpu.vector_store %arg7[%swap3A_338], %gather3A_282 {strides = array<i32>} : memref<4096xf32, #tpu.memory_space<vmem>>, vector<16xf32>,
      %add3A_340 = arith.constant 224 : i32
      %add3A_341 = arith.addi %add3A_174, %add3A_340 : i32
      %swap3A_342 = arith.index_cast %add3A_341 : i32 to index
      %swap3A_343 = tpu.vector_load %arg7[%swap3A_342] {strides = array<i32>} : memref<4096xf32, #tpu.memory_space<vmem>>, vector<16xf32>,
      tpu.vector_store %arg7[%swap3A_342], %gather3A_283 {strides = array<i32>} : memref<4096xf32, #tpu.memory_space<vmem>>, vector<16xf32>,
      %add3A_344 = arith.constant 240 : i32
      %add3A_345 = arith.addi %add3A_174, %add3A_344 : i32
      %swap3A_346 = arith.index_cast %add3A_345 : i32 to index
      %swap3A_347 = tpu.vector_load %arg7[%swap3A_346] {strides = array<i32>} : memref<4096xf32, #tpu.memory_space<vmem>>, vector<16xf32>,
      tpu.vector_store %arg7[%swap3A_346], %gather3A_284 {strides = array<i32>} : memref<4096xf32, #tpu.memory_space<vmem>>, vector<16xf32>,
    }
    %scan3A_100 = arith.constant 16 : i32
    %dma_start3A_101 = arith.constant 0 : i32
    %dma_start3A_102 = tpu.memref_slice %arg4[%add3A_83, %dma_start3A_101] : memref<64x16384xf32, #tpu.memory_space<hbm>> -> memref<1x4096xf32, #tpu.memory_space<hbm>>
    %dma_start3A_103 = tpu.memref_squeeze %dma_start3A_102 : memref<1x4096xf32, #tpu.memory_space<hbm>> -> memref<4096xf32, #tpu.memory_space<hbm>>
    %dma_start3A_104 = arith.constant 0 : i32
    %dma_start3A_105 = tpu.memref_slice %arg4[%add3A_83, %dma_start3A_104] : memref<64x16384xf32, #tpu.memory_space<hbm>> -> memref<1x4096xf32, #tpu.memory_space<hbm>>
    %dma_start3A_106 = tpu.memref_squeeze %dma_start3A_105 : memref<1x4096xf32, #tpu.memory_space<hbm>> -> memref<4096xf32, #tpu.memory_space<hbm>>
    tpu.enqueue_dma source(%arg7 : memref<4096xf32, #tpu.memory_space<vmem>>) target(%dma_start3A_106 : memref<4096xf32, #tpu.memory_space<hbm>>) target_semaphore(%arg11 : memref<!tpu.dma_semaphore, #tpu.memory_space<semaphore_mem>>)
    %dma_wait3A_107 = arith.constant 12288 : i32
    %dma_wait3A_108 = tpu.memref_slice %arg4[%add3A_11, %dma_wait3A_107] : memref<64x16384xf32, #tpu.memory_space<hbm>> -> memref<1x4096xf32, #tpu.memory_space<hbm>>
    %dma_wait3A_109 = tpu.memref_squeeze %dma_wait3A_108 : memref<1x4096xf32, #tpu.memory_space<hbm>> -> memref<4096xf32, #tpu.memory_space<hbm>>
    %dma_wait3A_110 = arith.constant 12288 : i32
    %dma_wait3A_111 = tpu.memref_slice %arg4[%add3A_11, %dma_wait3A_110] : memref<64x16384xf32, #tpu.memory_space<hbm>> -> memref<1x4096xf32, #tpu.memory_space<hbm>>
    %dma_wait3A_112 = tpu.memref_squeeze %dma_wait3A_111 : memref<1x4096xf32, #tpu.memory_space<hbm>> -> memref<4096xf32, #tpu.memory_space<hbm>>
    tpu.wait_dma2 semaphore(%arg11 : memref<!tpu.dma_semaphore, #tpu.memory_space<semaphore_mem>>) src(%arg8 : memref<4096xf32, #tpu.memory_space<vmem>>) dst(%dma_wait3A_112 : memref<4096xf32, #tpu.memory_space<hbm>>)
    %scan3A_113 = arith.constant 0 : i32
    %scan3A_114 = arith.constant 16 : i32
    %scan3A_115 = arith.addi %scan3A_113, %scan3A_114 : i32
    %scan3A_116 = arith.constant 1 : i32
    scf.for %scan3A_170 = %scan3A_113 to %scan3A_115 step %scan3A_116  : i32 {
      %mul3A_171 = arith.constant 256 : i32
      %mul3A_172 = arith.muli %scan3A_170, %mul3A_171 : i32
      %add3A_173 = arith.constant 0 : i32
      %add3A_174 = arith.addi %add3A_173, %mul3A_172 : i32
      %add3A_175 = arith.constant 4096 : i32
      %add3A_176 = arith.addi %add3A_175, %add3A_174 : i32
      %add3A_177 = arith.constant 0 : i32
      %add3A_178 = arith.addi %add3A_176, %add3A_177 : i32
      %get3A = arith.index_cast %add3A_178 : i32 to index
      %get3A_179 = tpu.vector_load %arg6[%get3A] {strides = array<i32>} : memref<16384xi32, #tpu.memory_space<vmem>>, vector<16xi32>,
      %add3A_180 = arith.constant 4096 : i32
      %add3A_181 = arith.addi %add3A_180, %add3A_174 : i32
      %add3A_182 = arith.constant 16 : i32
      %add3A_183 = arith.addi %add3A_181, %add3A_182 : i32
      %get3A_184 = arith.index_cast %add3A_183 : i32 to index
      %get3A_185 = tpu.vector_load %arg6[%get3A_184] {strides = array<i32>} : memref<16384xi32, #tpu.memory_space<vmem>>, vector<16xi32>,
      %add3A_186 = arith.constant 4096 : i32
      %add3A_187 = arith.addi %add3A_186, %add3A_174 : i32
      %add3A_188 = arith.constant 32 : i32
      %add3A_189 = arith.addi %add3A_187, %add3A_188 : i32
      %get3A_190 = arith.index_cast %add3A_189 : i32 to index
      %get3A_191 = tpu.vector_load %arg6[%get3A_190] {strides = array<i32>} : memref<16384xi32, #tpu.memory_space<vmem>>, vector<16xi32>,
      %add3A_192 = arith.constant 4096 : i32
      %add3A_193 = arith.addi %add3A_192, %add3A_174 : i32
      %add3A_194 = arith.constant 48 : i32
      %add3A_195 = arith.addi %add3A_193, %add3A_194 : i32
      %get3A_196 = arith.index_cast %add3A_195 : i32 to index
      %get3A_197 = tpu.vector_load %arg6[%get3A_196] {strides = array<i32>} : memref<16384xi32, #tpu.memory_space<vmem>>, vector<16xi32>,
      %add3A_198 = arith.constant 4096 : i32
      %add3A_199 = arith.addi %add3A_198, %add3A_174 : i32
      %add3A_200 = arith.constant 64 : i32
      %add3A_201 = arith.addi %add3A_199, %add3A_200 : i32
      %get3A_202 = arith.index_cast %add3A_201 : i32 to index
      %get3A_203 = tpu.vector_load %arg6[%get3A_202] {strides = array<i32>} : memref<16384xi32, #tpu.memory_space<vmem>>, vector<16xi32>,
      %add3A_204 = arith.constant 4096 : i32
      %add3A_205 = arith.addi %add3A_204, %add3A_174 : i32
      %add3A_206 = arith.constant 80 : i32
      %add3A_207 = arith.addi %add3A_205, %add3A_206 : i32
      %get3A_208 = arith.index_cast %add3A_207 : i32 to index
      %get3A_209 = tpu.vector_load %arg6[%get3A_208] {strides = array<i32>} : memref<16384xi32, #tpu.memory_space<vmem>>, vector<16xi32>,
      %add3A_210 = arith.constant 4096 : i32
      %add3A_211 = arith.addi %add3A_210, %add3A_174 : i32
      %add3A_212 = arith.constant 96 : i32
      %add3A_213 = arith.addi %add3A_211, %add3A_212 : i32
      %get3A_214 = arith.index_cast %add3A_213 : i32 to index
      %get3A_215 = tpu.vector_load %arg6[%get3A_214] {strides = array<i32>} : memref<16384xi32, #tpu.memory_space<vmem>>, vector<16xi32>,
      %add3A_216 = arith.constant 4096 : i32
      %add3A_217 = arith.addi %add3A_216, %add3A_174 : i32
      %add3A_218 = arith.constant 112 : i32
      %add3A_219 = arith.addi %add3A_217, %add3A_218 : i32
      %get3A_220 = arith.index_cast %add3A_219 : i32 to index
      %get3A_221 = tpu.vector_load %arg6[%get3A_220] {strides = array<i32>} : memref<16384xi32, #tpu.memory_space<vmem>>, vector<16xi32>,
      %add3A_222 = arith.constant 4096 : i32
      %add3A_223 = arith.addi %add3A_222, %add3A_174 : i32
      %add3A_224 = arith.constant 128 : i32
      %add3A_225 = arith.addi %add3A_223, %add3A_224 : i32
      %get3A_226 = arith.index_cast %add3A_225 : i32 to index
      %get3A_227 = tpu.vector_load %arg6[%get3A_226] {strides = array<i32>} : memref<16384xi32, #tpu.memory_space<vmem>>, vector<16xi32>,
      %add3A_228 = arith.constant 4096 : i32
      %add3A_229 = arith.addi %add3A_228, %add3A_174 : i32
      %add3A_230 = arith.constant 144 : i32
      %add3A_231 = arith.addi %add3A_229, %add3A_230 : i32
      %get3A_232 = arith.index_cast %add3A_231 : i32 to index
      %get3A_233 = tpu.vector_load %arg6[%get3A_232] {strides = array<i32>} : memref<16384xi32, #tpu.memory_space<vmem>>, vector<16xi32>,
      %add3A_234 = arith.constant 4096 : i32
      %add3A_235 = arith.addi %add3A_234, %add3A_174 : i32
      %add3A_236 = arith.constant 160 : i32
      %add3A_237 = arith.addi %add3A_235, %add3A_236 : i32
      %get3A_238 = arith.index_cast %add3A_237 : i32 to index
      %get3A_239 = tpu.vector_load %arg6[%get3A_238] {strides = array<i32>} : memref<16384xi32, #tpu.memory_space<vmem>>, vector<16xi32>,
      %add3A_240 = arith.constant 4096 : i32
      %add3A_241 = arith.addi %add3A_240, %add3A_174 : i32
      %add3A_242 = arith.constant 176 : i32
      %add3A_243 = arith.addi %add3A_241, %add3A_242 : i32
      %get3A_244 = arith.index_cast %add3A_243 : i32 to index
      %get3A_245 = tpu.vector_load %arg6[%get3A_244] {strides = array<i32>} : memref<16384xi32, #tpu.memory_space<vmem>>, vector<16xi32>,
      %add3A_246 = arith.constant 4096 : i32
      %add3A_247 = arith.addi %add3A_246, %add3A_174 : i32
      %add3A_248 = arith.constant 192 : i32
      %add3A_249 = arith.addi %add3A_247, %add3A_248 : i32
      %get3A_250 = arith.index_cast %add3A_249 : i32 to index
      %get3A_251 = tpu.vector_load %arg6[%get3A_250] {strides = array<i32>} : memref<16384xi32, #tpu.memory_space<vmem>>, vector<16xi32>,
      %add3A_252 = arith.constant 4096 : i32
      %add3A_253 = arith.addi %add3A_252, %add3A_174 : i32
      %add3A_254 = arith.constant 208 : i32
      %add3A_255 = arith.addi %add3A_253, %add3A_254 : i32
      %get3A_256 = arith.index_cast %add3A_255 : i32 to index
      %get3A_257 = tpu.vector_load %arg6[%get3A_256] {strides = array<i32>} : memref<16384xi32, #tpu.memory_space<vmem>>, vector<16xi32>,
      %add3A_258 = arith.constant 4096 : i32
      %add3A_259 = arith.addi %add3A_258, %add3A_174 : i32
      %add3A_260 = arith.constant 224 : i32
      %add3A_261 = arith.addi %add3A_259, %add3A_260 : i32
      %get3A_262 = arith.index_cast %add3A_261 : i32 to index
      %get3A_263 = tpu.vector_load %arg6[%get3A_262] {strides = array<i32>} : memref<16384xi32, #tpu.memory_space<vmem>>, vector<16xi32>,
      %add3A_264 = arith.constant 4096 : i32
      %add3A_265 = arith.addi %add3A_264, %add3A_174 : i32
      %add3A_266 = arith.constant 240 : i32
      %add3A_267 = arith.addi %add3A_265, %add3A_266 : i32
      %get3A_268 = arith.index_cast %add3A_267 : i32 to index
      %get3A_269 = tpu.vector_load %arg6[%get3A_268] {strides = array<i32>} : memref<16384xi32, #tpu.memory_space<vmem>>, vector<16xi32>,
      %gather3A = tpu.vector_load_idx %arg5[%get3A_179] : memref<100000xf32, #tpu.memory_space<vmem>>[vector<16xi32>], vector<16xf32>,
      %gather3A_270 = tpu.vector_load_idx %arg5[%get3A_185] : memref<100000xf32, #tpu.memory_space<vmem>>[vector<16xi32>], vector<16xf32>,
      %gather3A_271 = tpu.vector_load_idx %arg5[%get3A_191] : memref<100000xf32, #tpu.memory_space<vmem>>[vector<16xi32>], vector<16xf32>,
      %gather3A_272 = tpu.vector_load_idx %arg5[%get3A_197] : memref<100000xf32, #tpu.memory_space<vmem>>[vector<16xi32>], vector<16xf32>,
      %gather3A_273 = tpu.vector_load_idx %arg5[%get3A_203] : memref<100000xf32, #tpu.memory_space<vmem>>[vector<16xi32>], vector<16xf32>,
      %gather3A_274 = tpu.vector_load_idx %arg5[%get3A_209] : memref<100000xf32, #tpu.memory_space<vmem>>[vector<16xi32>], vector<16xf32>,
      %gather3A_275 = tpu.vector_load_idx %arg5[%get3A_215] : memref<100000xf32, #tpu.memory_space<vmem>>[vector<16xi32>], vector<16xf32>,
      %gather3A_276 = tpu.vector_load_idx %arg5[%get3A_221] : memref<100000xf32, #tpu.memory_space<vmem>>[vector<16xi32>], vector<16xf32>,
      %gather3A_277 = tpu.vector_load_idx %arg5[%get3A_227] : memref<100000xf32, #tpu.memory_space<vmem>>[vector<16xi32>], vector<16xf32>,
      %gather3A_278 = tpu.vector_load_idx %arg5[%get3A_233] : memref<100000xf32, #tpu.memory_space<vmem>>[vector<16xi32>], vector<16xf32>,
      %gather3A_279 = tpu.vector_load_idx %arg5[%get3A_239] : memref<100000xf32, #tpu.memory_space<vmem>>[vector<16xi32>], vector<16xf32>,
      %gather3A_280 = tpu.vector_load_idx %arg5[%get3A_245] : memref<100000xf32, #tpu.memory_space<vmem>>[vector<16xi32>], vector<16xf32>,
      %gather3A_281 = tpu.vector_load_idx %arg5[%get3A_251] : memref<100000xf32, #tpu.memory_space<vmem>>[vector<16xi32>], vector<16xf32>,
      %gather3A_282 = tpu.vector_load_idx %arg5[%get3A_257] : memref<100000xf32, #tpu.memory_space<vmem>>[vector<16xi32>], vector<16xf32>,
      %gather3A_283 = tpu.vector_load_idx %arg5[%get3A_263] : memref<100000xf32, #tpu.memory_space<vmem>>[vector<16xi32>], vector<16xf32>,
      %gather3A_284 = tpu.vector_load_idx %arg5[%get3A_269] : memref<100000xf32, #tpu.memory_space<vmem>>[vector<16xi32>], vector<16xf32>,
      %add3A_285 = arith.constant 0 : i32
      %add3A_286 = arith.addi %add3A_174, %add3A_285 : i32
      %swap3A = arith.index_cast %add3A_286 : i32 to index
      %swap3A_287 = tpu.vector_load %arg8[%swap3A] {strides = array<i32>} : memref<4096xf32, #tpu.memory_space<vmem>>, vector<16xf32>,
      tpu.vector_store %arg8[%swap3A], %gather3A {strides = array<i32>} : memref<4096xf32, #tpu.memory_space<vmem>>, vector<16xf32>,
      %add3A_288 = arith.constant 16 : i32
      %add3A_289 = arith.addi %add3A_174, %add3A_288 : i32
      %swap3A_290 = arith.index_cast %add3A_289 : i32 to index
      %swap3A_291 = tpu.vector_load %arg8[%swap3A_290] {strides = array<i32>} : memref<4096xf32, #tpu.memory_space<vmem>>, vector<16xf32>,
      tpu.vector_store %arg8[%swap3A_290], %gather3A_270 {strides = array<i32>} : memref<4096xf32, #tpu.memory_space<vmem>>, vector<16xf32>,
      %add3A_292 = arith.constant 32 : i32
      %add3A_293 = arith.addi %add3A_174, %add3A_292 : i32
      %swap3A_294 = arith.index_cast %add3A_293 : i32 to index
      %swap3A_295 = tpu.vector_load %arg8[%swap3A_294] {strides = array<i32>} : memref<4096xf32, #tpu.memory_space<vmem>>, vector<16xf32>,
      tpu.vector_store %arg8[%swap3A_294], %gather3A_271 {strides = array<i32>} : memref<4096xf32, #tpu.memory_space<vmem>>, vector<16xf32>,
      %add3A_296 = arith.constant 48 : i32
      %add3A_297 = arith.addi %add3A_174, %add3A_296 : i32
      %swap3A_298 = arith.index_cast %add3A_297 : i32 to index
      %swap3A_299 = tpu.vector_load %arg8[%swap3A_298] {strides = array<i32>} : memref<4096xf32, #tpu.memory_space<vmem>>, vector<16xf32>,
      tpu.vector_store %arg8[%swap3A_298], %gather3A_272 {strides = array<i32>} : memref<4096xf32, #tpu.memory_space<vmem>>, vector<16xf32>,
      %add3A_300 = arith.constant 64 : i32
      %add3A_301 = arith.addi %add3A_174, %add3A_300 : i32
      %swap3A_302 = arith.index_cast %add3A_301 : i32 to index
      %swap3A_303 = tpu.vector_load %arg8[%swap3A_302] {strides = array<i32>} : memref<4096xf32, #tpu.memory_space<vmem>>, vector<16xf32>,
      tpu.vector_store %arg8[%swap3A_302], %gather3A_273 {strides = array<i32>} : memref<4096xf32, #tpu.memory_space<vmem>>, vector<16xf32>,
      %add3A_304 = arith.constant 80 : i32
      %add3A_305 = arith.addi %add3A_174, %add3A_304 : i32
      %swap3A_306 = arith.index_cast %add3A_305 : i32 to index
      %swap3A_307 = tpu.vector_load %arg8[%swap3A_306] {strides = array<i32>} : memref<4096xf32, #tpu.memory_space<vmem>>, vector<16xf32>,
      tpu.vector_store %arg8[%swap3A_306], %gather3A_274 {strides = array<i32>} : memref<4096xf32, #tpu.memory_space<vmem>>, vector<16xf32>,
      %add3A_308 = arith.constant 96 : i32
      %add3A_309 = arith.addi %add3A_174, %add3A_308 : i32
      %swap3A_310 = arith.index_cast %add3A_309 : i32 to index
      %swap3A_311 = tpu.vector_load %arg8[%swap3A_310] {strides = array<i32>} : memref<4096xf32, #tpu.memory_space<vmem>>, vector<16xf32>,
      tpu.vector_store %arg8[%swap3A_310], %gather3A_275 {strides = array<i32>} : memref<4096xf32, #tpu.memory_space<vmem>>, vector<16xf32>,
      %add3A_312 = arith.constant 112 : i32
      %add3A_313 = arith.addi %add3A_174, %add3A_312 : i32
      %swap3A_314 = arith.index_cast %add3A_313 : i32 to index
      %swap3A_315 = tpu.vector_load %arg8[%swap3A_314] {strides = array<i32>} : memref<4096xf32, #tpu.memory_space<vmem>>, vector<16xf32>,
      tpu.vector_store %arg8[%swap3A_314], %gather3A_276 {strides = array<i32>} : memref<4096xf32, #tpu.memory_space<vmem>>, vector<16xf32>,
      %add3A_316 = arith.constant 128 : i32
      %add3A_317 = arith.addi %add3A_174, %add3A_316 : i32
      %swap3A_318 = arith.index_cast %add3A_317 : i32 to index
      %swap3A_319 = tpu.vector_load %arg8[%swap3A_318] {strides = array<i32>} : memref<4096xf32, #tpu.memory_space<vmem>>, vector<16xf32>,
      tpu.vector_store %arg8[%swap3A_318], %gather3A_277 {strides = array<i32>} : memref<4096xf32, #tpu.memory_space<vmem>>, vector<16xf32>,
      %add3A_320 = arith.constant 144 : i32
      %add3A_321 = arith.addi %add3A_174, %add3A_320 : i32
      %swap3A_322 = arith.index_cast %add3A_321 : i32 to index
      %swap3A_323 = tpu.vector_load %arg8[%swap3A_322] {strides = array<i32>} : memref<4096xf32, #tpu.memory_space<vmem>>, vector<16xf32>,
      tpu.vector_store %arg8[%swap3A_322], %gather3A_278 {strides = array<i32>} : memref<4096xf32, #tpu.memory_space<vmem>>, vector<16xf32>,
      %add3A_324 = arith.constant 160 : i32
      %add3A_325 = arith.addi %add3A_174, %add3A_324 : i32
      %swap3A_326 = arith.index_cast %add3A_325 : i32 to index
      %swap3A_327 = tpu.vector_load %arg8[%swap3A_326] {strides = array<i32>} : memref<4096xf32, #tpu.memory_space<vmem>>, vector<16xf32>,
      tpu.vector_store %arg8[%swap3A_326], %gather3A_279 {strides = array<i32>} : memref<4096xf32, #tpu.memory_space<vmem>>, vector<16xf32>,
      %add3A_328 = arith.constant 176 : i32
      %add3A_329 = arith.addi %add3A_174, %add3A_328 : i32
      %swap3A_330 = arith.index_cast %add3A_329 : i32 to index
      %swap3A_331 = tpu.vector_load %arg8[%swap3A_330] {strides = array<i32>} : memref<4096xf32, #tpu.memory_space<vmem>>, vector<16xf32>,
      tpu.vector_store %arg8[%swap3A_330], %gather3A_280 {strides = array<i32>} : memref<4096xf32, #tpu.memory_space<vmem>>, vector<16xf32>,
      %add3A_332 = arith.constant 192 : i32
      %add3A_333 = arith.addi %add3A_174, %add3A_332 : i32
      %swap3A_334 = arith.index_cast %add3A_333 : i32 to index
      %swap3A_335 = tpu.vector_load %arg8[%swap3A_334] {strides = array<i32>} : memref<4096xf32, #tpu.memory_space<vmem>>, vector<16xf32>,
      tpu.vector_store %arg8[%swap3A_334], %gather3A_281 {strides = array<i32>} : memref<4096xf32, #tpu.memory_space<vmem>>, vector<16xf32>,
      %add3A_336 = arith.constant 208 : i32
      %add3A_337 = arith.addi %add3A_174, %add3A_336 : i32
      %swap3A_338 = arith.index_cast %add3A_337 : i32 to index
      %swap3A_339 = tpu.vector_load %arg8[%swap3A_338] {strides = array<i32>} : memref<4096xf32, #tpu.memory_space<vmem>>, vector<16xf32>,
      tpu.vector_store %arg8[%swap3A_338], %gather3A_282 {strides = array<i32>} : memref<4096xf32, #tpu.memory_space<vmem>>, vector<16xf32>,
      %add3A_340 = arith.constant 224 : i32
      %add3A_341 = arith.addi %add3A_174, %add3A_340 : i32
      %swap3A_342 = arith.index_cast %add3A_341 : i32 to index
      %swap3A_343 = tpu.vector_load %arg8[%swap3A_342] {strides = array<i32>} : memref<4096xf32, #tpu.memory_space<vmem>>, vector<16xf32>,
      tpu.vector_store %arg8[%swap3A_342], %gather3A_283 {strides = array<i32>} : memref<4096xf32, #tpu.memory_space<vmem>>, vector<16xf32>,
      %add3A_344 = arith.constant 240 : i32
      %add3A_345 = arith.addi %add3A_174, %add3A_344 : i32
      %swap3A_346 = arith.index_cast %add3A_345 : i32 to index
      %swap3A_347 = tpu.vector_load %arg8[%swap3A_346] {strides = array<i32>} : memref<4096xf32, #tpu.memory_space<vmem>>, vector<16xf32>,
      tpu.vector_store %arg8[%swap3A_346], %gather3A_284 {strides = array<i32>} : memref<4096xf32, #tpu.memory_space<vmem>>, vector<16xf32>,
    }
    %scan3A_117 = arith.constant 16 : i32
    %dma_start3A_118 = arith.constant 4096 : i32
    %dma_start3A_119 = tpu.memref_slice %arg4[%add3A_83, %dma_start3A_118] : memref<64x16384xf32, #tpu.memory_space<hbm>> -> memref<1x4096xf32, #tpu.memory_space<hbm>>
    %dma_start3A_120 = tpu.memref_squeeze %dma_start3A_119 : memref<1x4096xf32, #tpu.memory_space<hbm>> -> memref<4096xf32, #tpu.memory_space<hbm>>
    %dma_start3A_121 = arith.constant 4096 : i32
    %dma_start3A_122 = tpu.memref_slice %arg4[%add3A_83, %dma_start3A_121] : memref<64x16384xf32, #tpu.memory_space<hbm>> -> memref<1x4096xf32, #tpu.memory_space<hbm>>
    %dma_start3A_123 = tpu.memref_squeeze %dma_start3A_122 : memref<1x4096xf32, #tpu.memory_space<hbm>> -> memref<4096xf32, #tpu.memory_space<hbm>>
    tpu.enqueue_dma source(%arg8 : memref<4096xf32, #tpu.memory_space<vmem>>) target(%dma_start3A_123 : memref<4096xf32, #tpu.memory_space<hbm>>) target_semaphore(%arg11 : memref<!tpu.dma_semaphore, #tpu.memory_space<semaphore_mem>>)
    %dma_wait3A_124 = arith.constant 0 : i32
    %dma_wait3A_125 = tpu.memref_slice %arg4[%add3A_83, %dma_wait3A_124] : memref<64x16384xf32, #tpu.memory_space<hbm>> -> memref<1x4096xf32, #tpu.memory_space<hbm>>
    %dma_wait3A_126 = tpu.memref_squeeze %dma_wait3A_125 : memref<1x4096xf32, #tpu.memory_space<hbm>> -> memref<4096xf32, #tpu.memory_space<hbm>>
    %dma_wait3A_127 = arith.constant 0 : i32
    %dma_wait3A_128 = tpu.memref_slice %arg4[%add3A_83, %dma_wait3A_127] : memref<64x16384xf32, #tpu.memory_space<hbm>> -> memref<1x4096xf32, #tpu.memory_space<hbm>>
    %dma_wait3A_129 = tpu.memref_squeeze %dma_wait3A_128 : memref<1x4096xf32, #tpu.memory_space<hbm>> -> memref<4096xf32, #tpu.memory_space<hbm>>
    tpu.wait_dma2 semaphore(%arg11 : memref<!tpu.dma_semaphore, #tpu.memory_space<semaphore_mem>>) src(%arg7 : memref<4096xf32, #tpu.memory_space<vmem>>) dst(%dma_wait3A_129 : memref<4096xf32, #tpu.memory_space<hbm>>)
    %scan3A_130 = arith.constant 0 : i32
    %scan3A_131 = arith.constant 16 : i32
    %scan3A_132 = arith.addi %scan3A_130, %scan3A_131 : i32
    %scan3A_133 = arith.constant 1 : i32
    scf.for %scan3A_170 = %scan3A_130 to %scan3A_132 step %scan3A_133  : i32 {
      %mul3A_171 = arith.constant 256 : i32
      %mul3A_172 = arith.muli %scan3A_170, %mul3A_171 : i32
      %add3A_173 = arith.constant 0 : i32
      %add3A_174 = arith.addi %add3A_173, %mul3A_172 : i32
      %add3A_175 = arith.constant 8192 : i32
      %add3A_176 = arith.addi %add3A_175, %add3A_174 : i32
      %add3A_177 = arith.constant 0 : i32
      %add3A_178 = arith.addi %add3A_176, %add3A_177 : i32
      %get3A = arith.index_cast %add3A_178 : i32 to index
      %get3A_179 = tpu.vector_load %arg6[%get3A] {strides = array<i32>} : memref<16384xi32, #tpu.memory_space<vmem>>, vector<16xi32>,
      %add3A_180 = arith.constant 8192 : i32
      %add3A_181 = arith.addi %add3A_180, %add3A_174 : i32
      %add3A_182 = arith.constant 16 : i32
      %add3A_183 = arith.addi %add3A_181, %add3A_182 : i32
      %get3A_184 = arith.index_cast %add3A_183 : i32 to index
      %get3A_185 = tpu.vector_load %arg6[%get3A_184] {strides = array<i32>} : memref<16384xi32, #tpu.memory_space<vmem>>, vector<16xi32>,
      %add3A_186 = arith.constant 8192 : i32
      %add3A_187 = arith.addi %add3A_186, %add3A_174 : i32
      %add3A_188 = arith.constant 32 : i32
      %add3A_189 = arith.addi %add3A_187, %add3A_188 : i32
      %get3A_190 = arith.index_cast %add3A_189 : i32 to index
      %get3A_191 = tpu.vector_load %arg6[%get3A_190] {strides = array<i32>} : memref<16384xi32, #tpu.memory_space<vmem>>, vector<16xi32>,
      %add3A_192 = arith.constant 8192 : i32
      %add3A_193 = arith.addi %add3A_192, %add3A_174 : i32
      %add3A_194 = arith.constant 48 : i32
      %add3A_195 = arith.addi %add3A_193, %add3A_194 : i32
      %get3A_196 = arith.index_cast %add3A_195 : i32 to index
      %get3A_197 = tpu.vector_load %arg6[%get3A_196] {strides = array<i32>} : memref<16384xi32, #tpu.memory_space<vmem>>, vector<16xi32>,
      %add3A_198 = arith.constant 8192 : i32
      %add3A_199 = arith.addi %add3A_198, %add3A_174 : i32
      %add3A_200 = arith.constant 64 : i32
      %add3A_201 = arith.addi %add3A_199, %add3A_200 : i32
      %get3A_202 = arith.index_cast %add3A_201 : i32 to index
      %get3A_203 = tpu.vector_load %arg6[%get3A_202] {strides = array<i32>} : memref<16384xi32, #tpu.memory_space<vmem>>, vector<16xi32>,
      %add3A_204 = arith.constant 8192 : i32
      %add3A_205 = arith.addi %add3A_204, %add3A_174 : i32
      %add3A_206 = arith.constant 80 : i32
      %add3A_207 = arith.addi %add3A_205, %add3A_206 : i32
      %get3A_208 = arith.index_cast %add3A_207 : i32 to index
      %get3A_209 = tpu.vector_load %arg6[%get3A_208] {strides = array<i32>} : memref<16384xi32, #tpu.memory_space<vmem>>, vector<16xi32>,
      %add3A_210 = arith.constant 8192 : i32
      %add3A_211 = arith.addi %add3A_210, %add3A_174 : i32
      %add3A_212 = arith.constant 96 : i32
      %add3A_213 = arith.addi %add3A_211, %add3A_212 : i32
      %get3A_214 = arith.index_cast %add3A_213 : i32 to index
      %get3A_215 = tpu.vector_load %arg6[%get3A_214] {strides = array<i32>} : memref<16384xi32, #tpu.memory_space<vmem>>, vector<16xi32>,
      %add3A_216 = arith.constant 8192 : i32
      %add3A_217 = arith.addi %add3A_216, %add3A_174 : i32
      %add3A_218 = arith.constant 112 : i32
      %add3A_219 = arith.addi %add3A_217, %add3A_218 : i32
      %get3A_220 = arith.index_cast %add3A_219 : i32 to index
      %get3A_221 = tpu.vector_load %arg6[%get3A_220] {strides = array<i32>} : memref<16384xi32, #tpu.memory_space<vmem>>, vector<16xi32>,
      %add3A_222 = arith.constant 8192 : i32
      %add3A_223 = arith.addi %add3A_222, %add3A_174 : i32
      %add3A_224 = arith.constant 128 : i32
      %add3A_225 = arith.addi %add3A_223, %add3A_224 : i32
      %get3A_226 = arith.index_cast %add3A_225 : i32 to index
      %get3A_227 = tpu.vector_load %arg6[%get3A_226] {strides = array<i32>} : memref<16384xi32, #tpu.memory_space<vmem>>, vector<16xi32>,
      %add3A_228 = arith.constant 8192 : i32
      %add3A_229 = arith.addi %add3A_228, %add3A_174 : i32
      %add3A_230 = arith.constant 144 : i32
      %add3A_231 = arith.addi %add3A_229, %add3A_230 : i32
      %get3A_232 = arith.index_cast %add3A_231 : i32 to index
      %get3A_233 = tpu.vector_load %arg6[%get3A_232] {strides = array<i32>} : memref<16384xi32, #tpu.memory_space<vmem>>, vector<16xi32>,
      %add3A_234 = arith.constant 8192 : i32
      %add3A_235 = arith.addi %add3A_234, %add3A_174 : i32
      %add3A_236 = arith.constant 160 : i32
      %add3A_237 = arith.addi %add3A_235, %add3A_236 : i32
      %get3A_238 = arith.index_cast %add3A_237 : i32 to index
      %get3A_239 = tpu.vector_load %arg6[%get3A_238] {strides = array<i32>} : memref<16384xi32, #tpu.memory_space<vmem>>, vector<16xi32>,
      %add3A_240 = arith.constant 8192 : i32
      %add3A_241 = arith.addi %add3A_240, %add3A_174 : i32
      %add3A_242 = arith.constant 176 : i32
      %add3A_243 = arith.addi %add3A_241, %add3A_242 : i32
      %get3A_244 = arith.index_cast %add3A_243 : i32 to index
      %get3A_245 = tpu.vector_load %arg6[%get3A_244] {strides = array<i32>} : memref<16384xi32, #tpu.memory_space<vmem>>, vector<16xi32>,
      %add3A_246 = arith.constant 8192 : i32
      %add3A_247 = arith.addi %add3A_246, %add3A_174 : i32
      %add3A_248 = arith.constant 192 : i32
      %add3A_249 = arith.addi %add3A_247, %add3A_248 : i32
      %get3A_250 = arith.index_cast %add3A_249 : i32 to index
      %get3A_251 = tpu.vector_load %arg6[%get3A_250] {strides = array<i32>} : memref<16384xi32, #tpu.memory_space<vmem>>, vector<16xi32>,
      %add3A_252 = arith.constant 8192 : i32
      %add3A_253 = arith.addi %add3A_252, %add3A_174 : i32
      %add3A_254 = arith.constant 208 : i32
      %add3A_255 = arith.addi %add3A_253, %add3A_254 : i32
      %get3A_256 = arith.index_cast %add3A_255 : i32 to index
      %get3A_257 = tpu.vector_load %arg6[%get3A_256] {strides = array<i32>} : memref<16384xi32, #tpu.memory_space<vmem>>, vector<16xi32>,
      %add3A_258 = arith.constant 8192 : i32
      %add3A_259 = arith.addi %add3A_258, %add3A_174 : i32
      %add3A_260 = arith.constant 224 : i32
      %add3A_261 = arith.addi %add3A_259, %add3A_260 : i32
      %get3A_262 = arith.index_cast %add3A_261 : i32 to index
      %get3A_263 = tpu.vector_load %arg6[%get3A_262] {strides = array<i32>} : memref<16384xi32, #tpu.memory_space<vmem>>, vector<16xi32>,
      %add3A_264 = arith.constant 8192 : i32
      %add3A_265 = arith.addi %add3A_264, %add3A_174 : i32
      %add3A_266 = arith.constant 240 : i32
      %add3A_267 = arith.addi %add3A_265, %add3A_266 : i32
      %get3A_268 = arith.index_cast %add3A_267 : i32 to index
      %get3A_269 = tpu.vector_load %arg6[%get3A_268] {strides = array<i32>} : memref<16384xi32, #tpu.memory_space<vmem>>, vector<16xi32>,
      %gather3A = tpu.vector_load_idx %arg5[%get3A_179] : memref<100000xf32, #tpu.memory_space<vmem>>[vector<16xi32>], vector<16xf32>,
      %gather3A_270 = tpu.vector_load_idx %arg5[%get3A_185] : memref<100000xf32, #tpu.memory_space<vmem>>[vector<16xi32>], vector<16xf32>,
      %gather3A_271 = tpu.vector_load_idx %arg5[%get3A_191] : memref<100000xf32, #tpu.memory_space<vmem>>[vector<16xi32>], vector<16xf32>,
      %gather3A_272 = tpu.vector_load_idx %arg5[%get3A_197] : memref<100000xf32, #tpu.memory_space<vmem>>[vector<16xi32>], vector<16xf32>,
      %gather3A_273 = tpu.vector_load_idx %arg5[%get3A_203] : memref<100000xf32, #tpu.memory_space<vmem>>[vector<16xi32>], vector<16xf32>,
      %gather3A_274 = tpu.vector_load_idx %arg5[%get3A_209] : memref<100000xf32, #tpu.memory_space<vmem>>[vector<16xi32>], vector<16xf32>,
      %gather3A_275 = tpu.vector_load_idx %arg5[%get3A_215] : memref<100000xf32, #tpu.memory_space<vmem>>[vector<16xi32>], vector<16xf32>,
      %gather3A_276 = tpu.vector_load_idx %arg5[%get3A_221] : memref<100000xf32, #tpu.memory_space<vmem>>[vector<16xi32>], vector<16xf32>,
      %gather3A_277 = tpu.vector_load_idx %arg5[%get3A_227] : memref<100000xf32, #tpu.memory_space<vmem>>[vector<16xi32>], vector<16xf32>,
      %gather3A_278 = tpu.vector_load_idx %arg5[%get3A_233] : memref<100000xf32, #tpu.memory_space<vmem>>[vector<16xi32>], vector<16xf32>,
      %gather3A_279 = tpu.vector_load_idx %arg5[%get3A_239] : memref<100000xf32, #tpu.memory_space<vmem>>[vector<16xi32>], vector<16xf32>,
      %gather3A_280 = tpu.vector_load_idx %arg5[%get3A_245] : memref<100000xf32, #tpu.memory_space<vmem>>[vector<16xi32>], vector<16xf32>,
      %gather3A_281 = tpu.vector_load_idx %arg5[%get3A_251] : memref<100000xf32, #tpu.memory_space<vmem>>[vector<16xi32>], vector<16xf32>,
      %gather3A_282 = tpu.vector_load_idx %arg5[%get3A_257] : memref<100000xf32, #tpu.memory_space<vmem>>[vector<16xi32>], vector<16xf32>,
      %gather3A_283 = tpu.vector_load_idx %arg5[%get3A_263] : memref<100000xf32, #tpu.memory_space<vmem>>[vector<16xi32>], vector<16xf32>,
      %gather3A_284 = tpu.vector_load_idx %arg5[%get3A_269] : memref<100000xf32, #tpu.memory_space<vmem>>[vector<16xi32>], vector<16xf32>,
      %add3A_285 = arith.constant 0 : i32
      %add3A_286 = arith.addi %add3A_174, %add3A_285 : i32
      %swap3A = arith.index_cast %add3A_286 : i32 to index
      %swap3A_287 = tpu.vector_load %arg7[%swap3A] {strides = array<i32>} : memref<4096xf32, #tpu.memory_space<vmem>>, vector<16xf32>,
      tpu.vector_store %arg7[%swap3A], %gather3A {strides = array<i32>} : memref<4096xf32, #tpu.memory_space<vmem>>, vector<16xf32>,
      %add3A_288 = arith.constant 16 : i32
      %add3A_289 = arith.addi %add3A_174, %add3A_288 : i32
      %swap3A_290 = arith.index_cast %add3A_289 : i32 to index
      %swap3A_291 = tpu.vector_load %arg7[%swap3A_290] {strides = array<i32>} : memref<4096xf32, #tpu.memory_space<vmem>>, vector<16xf32>,
      tpu.vector_store %arg7[%swap3A_290], %gather3A_270 {strides = array<i32>} : memref<4096xf32, #tpu.memory_space<vmem>>, vector<16xf32>,
      %add3A_292 = arith.constant 32 : i32
      %add3A_293 = arith.addi %add3A_174, %add3A_292 : i32
      %swap3A_294 = arith.index_cast %add3A_293 : i32 to index
      %swap3A_295 = tpu.vector_load %arg7[%swap3A_294] {strides = array<i32>} : memref<4096xf32, #tpu.memory_space<vmem>>, vector<16xf32>,
      tpu.vector_store %arg7[%swap3A_294], %gather3A_271 {strides = array<i32>} : memref<4096xf32, #tpu.memory_space<vmem>>, vector<16xf32>,
      %add3A_296 = arith.constant 48 : i32
      %add3A_297 = arith.addi %add3A_174, %add3A_296 : i32
      %swap3A_298 = arith.index_cast %add3A_297 : i32 to index
      %swap3A_299 = tpu.vector_load %arg7[%swap3A_298] {strides = array<i32>} : memref<4096xf32, #tpu.memory_space<vmem>>, vector<16xf32>,
      tpu.vector_store %arg7[%swap3A_298], %gather3A_272 {strides = array<i32>} : memref<4096xf32, #tpu.memory_space<vmem>>, vector<16xf32>,
      %add3A_300 = arith.constant 64 : i32
      %add3A_301 = arith.addi %add3A_174, %add3A_300 : i32
      %swap3A_302 = arith.index_cast %add3A_301 : i32 to index
      %swap3A_303 = tpu.vector_load %arg7[%swap3A_302] {strides = array<i32>} : memref<4096xf32, #tpu.memory_space<vmem>>, vector<16xf32>,
      tpu.vector_store %arg7[%swap3A_302], %gather3A_273 {strides = array<i32>} : memref<4096xf32, #tpu.memory_space<vmem>>, vector<16xf32>,
      %add3A_304 = arith.constant 80 : i32
      %add3A_305 = arith.addi %add3A_174, %add3A_304 : i32
      %swap3A_306 = arith.index_cast %add3A_305 : i32 to index
      %swap3A_307 = tpu.vector_load %arg7[%swap3A_306] {strides = array<i32>} : memref<4096xf32, #tpu.memory_space<vmem>>, vector<16xf32>,
      tpu.vector_store %arg7[%swap3A_306], %gather3A_274 {strides = array<i32>} : memref<4096xf32, #tpu.memory_space<vmem>>, vector<16xf32>,
      %add3A_308 = arith.constant 96 : i32
      %add3A_309 = arith.addi %add3A_174, %add3A_308 : i32
      %swap3A_310 = arith.index_cast %add3A_309 : i32 to index
      %swap3A_311 = tpu.vector_load %arg7[%swap3A_310] {strides = array<i32>} : memref<4096xf32, #tpu.memory_space<vmem>>, vector<16xf32>,
      tpu.vector_store %arg7[%swap3A_310], %gather3A_275 {strides = array<i32>} : memref<4096xf32, #tpu.memory_space<vmem>>, vector<16xf32>,
      %add3A_312 = arith.constant 112 : i32
      %add3A_313 = arith.addi %add3A_174, %add3A_312 : i32
      %swap3A_314 = arith.index_cast %add3A_313 : i32 to index
      %swap3A_315 = tpu.vector_load %arg7[%swap3A_314] {strides = array<i32>} : memref<4096xf32, #tpu.memory_space<vmem>>, vector<16xf32>,
      tpu.vector_store %arg7[%swap3A_314], %gather3A_276 {strides = array<i32>} : memref<4096xf32, #tpu.memory_space<vmem>>, vector<16xf32>,
      %add3A_316 = arith.constant 128 : i32
      %add3A_317 = arith.addi %add3A_174, %add3A_316 : i32
      %swap3A_318 = arith.index_cast %add3A_317 : i32 to index
      %swap3A_319 = tpu.vector_load %arg7[%swap3A_318] {strides = array<i32>} : memref<4096xf32, #tpu.memory_space<vmem>>, vector<16xf32>,
      tpu.vector_store %arg7[%swap3A_318], %gather3A_277 {strides = array<i32>} : memref<4096xf32, #tpu.memory_space<vmem>>, vector<16xf32>,
      %add3A_320 = arith.constant 144 : i32
      %add3A_321 = arith.addi %add3A_174, %add3A_320 : i32
      %swap3A_322 = arith.index_cast %add3A_321 : i32 to index
      %swap3A_323 = tpu.vector_load %arg7[%swap3A_322] {strides = array<i32>} : memref<4096xf32, #tpu.memory_space<vmem>>, vector<16xf32>,
      tpu.vector_store %arg7[%swap3A_322], %gather3A_278 {strides = array<i32>} : memref<4096xf32, #tpu.memory_space<vmem>>, vector<16xf32>,
      %add3A_324 = arith.constant 160 : i32
      %add3A_325 = arith.addi %add3A_174, %add3A_324 : i32
      %swap3A_326 = arith.index_cast %add3A_325 : i32 to index
      %swap3A_327 = tpu.vector_load %arg7[%swap3A_326] {strides = array<i32>} : memref<4096xf32, #tpu.memory_space<vmem>>, vector<16xf32>,
      tpu.vector_store %arg7[%swap3A_326], %gather3A_279 {strides = array<i32>} : memref<4096xf32, #tpu.memory_space<vmem>>, vector<16xf32>,
      %add3A_328 = arith.constant 176 : i32
      %add3A_329 = arith.addi %add3A_174, %add3A_328 : i32
      %swap3A_330 = arith.index_cast %add3A_329 : i32 to index
      %swap3A_331 = tpu.vector_load %arg7[%swap3A_330] {strides = array<i32>} : memref<4096xf32, #tpu.memory_space<vmem>>, vector<16xf32>,
      tpu.vector_store %arg7[%swap3A_330], %gather3A_280 {strides = array<i32>} : memref<4096xf32, #tpu.memory_space<vmem>>, vector<16xf32>,
      %add3A_332 = arith.constant 192 : i32
      %add3A_333 = arith.addi %add3A_174, %add3A_332 : i32
      %swap3A_334 = arith.index_cast %add3A_333 : i32 to index
      %swap3A_335 = tpu.vector_load %arg7[%swap3A_334] {strides = array<i32>} : memref<4096xf32, #tpu.memory_space<vmem>>, vector<16xf32>,
      tpu.vector_store %arg7[%swap3A_334], %gather3A_281 {strides = array<i32>} : memref<4096xf32, #tpu.memory_space<vmem>>, vector<16xf32>,
      %add3A_336 = arith.constant 208 : i32
      %add3A_337 = arith.addi %add3A_174, %add3A_336 : i32
      %swap3A_338 = arith.index_cast %add3A_337 : i32 to index
      %swap3A_339 = tpu.vector_load %arg7[%swap3A_338] {strides = array<i32>} : memref<4096xf32, #tpu.memory_space<vmem>>, vector<16xf32>,
      tpu.vector_store %arg7[%swap3A_338], %gather3A_282 {strides = array<i32>} : memref<4096xf32, #tpu.memory_space<vmem>>, vector<16xf32>,
      %add3A_340 = arith.constant 224 : i32
      %add3A_341 = arith.addi %add3A_174, %add3A_340 : i32
      %swap3A_342 = arith.index_cast %add3A_341 : i32 to index
      %swap3A_343 = tpu.vector_load %arg7[%swap3A_342] {strides = array<i32>} : memref<4096xf32, #tpu.memory_space<vmem>>, vector<16xf32>,
      tpu.vector_store %arg7[%swap3A_342], %gather3A_283 {strides = array<i32>} : memref<4096xf32, #tpu.memory_space<vmem>>, vector<16xf32>,
      %add3A_344 = arith.constant 240 : i32
      %add3A_345 = arith.addi %add3A_174, %add3A_344 : i32
      %swap3A_346 = arith.index_cast %add3A_345 : i32 to index
      %swap3A_347 = tpu.vector_load %arg7[%swap3A_346] {strides = array<i32>} : memref<4096xf32, #tpu.memory_space<vmem>>, vector<16xf32>,
      tpu.vector_store %arg7[%swap3A_346], %gather3A_284 {strides = array<i32>} : memref<4096xf32, #tpu.memory_space<vmem>>, vector<16xf32>,
    }
    %scan3A_134 = arith.constant 16 : i32
    %dma_start3A_135 = arith.constant 8192 : i32
    %dma_start3A_136 = tpu.memref_slice %arg4[%add3A_83, %dma_start3A_135] : memref<64x16384xf32, #tpu.memory_space<hbm>> -> memref<1x4096xf32, #tpu.memory_space<hbm>>
    %dma_start3A_137 = tpu.memref_squeeze %dma_start3A_136 : memref<1x4096xf32, #tpu.memory_space<hbm>> -> memref<4096xf32, #tpu.memory_space<hbm>>
    %dma_start3A_138 = arith.constant 8192 : i32
    %dma_start3A_139 = tpu.memref_slice %arg4[%add3A_83, %dma_start3A_138] : memref<64x16384xf32, #tpu.memory_space<hbm>> -> memref<1x4096xf32, #tpu.memory_space<hbm>>
    %dma_start3A_140 = tpu.memref_squeeze %dma_start3A_139 : memref<1x4096xf32, #tpu.memory_space<hbm>> -> memref<4096xf32, #tpu.memory_space<hbm>>
    tpu.enqueue_dma source(%arg7 : memref<4096xf32, #tpu.memory_space<vmem>>) target(%dma_start3A_140 : memref<4096xf32, #tpu.memory_space<hbm>>) target_semaphore(%arg11 : memref<!tpu.dma_semaphore, #tpu.memory_space<semaphore_mem>>)
    %dma_wait3A_141 = arith.constant 4096 : i32
    %dma_wait3A_142 = tpu.memref_slice %arg4[%add3A_83, %dma_wait3A_141] : memref<64x16384xf32, #tpu.memory_space<hbm>> -> memref<1x4096xf32, #tpu.memory_space<hbm>>
    %dma_wait3A_143 = tpu.memref_squeeze %dma_wait3A_142 : memref<1x4096xf32, #tpu.memory_space<hbm>> -> memref<4096xf32, #tpu.memory_space<hbm>>
    %dma_wait3A_144 = arith.constant 4096 : i32
    %dma_wait3A_145 = tpu.memref_slice %arg4[%add3A_83, %dma_wait3A_144] : memref<64x16384xf32, #tpu.memory_space<hbm>> -> memref<1x4096xf32, #tpu.memory_space<hbm>>
    %dma_wait3A_146 = tpu.memref_squeeze %dma_wait3A_145 : memref<1x4096xf32, #tpu.memory_space<hbm>> -> memref<4096xf32, #tpu.memory_space<hbm>>
    tpu.wait_dma2 semaphore(%arg11 : memref<!tpu.dma_semaphore, #tpu.memory_space<semaphore_mem>>) src(%arg8 : memref<4096xf32, #tpu.memory_space<vmem>>) dst(%dma_wait3A_146 : memref<4096xf32, #tpu.memory_space<hbm>>)
    %scan3A_147 = arith.constant 0 : i32
    %scan3A_148 = arith.constant 16 : i32
    %scan3A_149 = arith.addi %scan3A_147, %scan3A_148 : i32
    %scan3A_150 = arith.constant 1 : i32
    scf.for %scan3A_170 = %scan3A_147 to %scan3A_149 step %scan3A_150  : i32 {
      %mul3A_171 = arith.constant 256 : i32
      %mul3A_172 = arith.muli %scan3A_170, %mul3A_171 : i32
      %add3A_173 = arith.constant 0 : i32
      %add3A_174 = arith.addi %add3A_173, %mul3A_172 : i32
      %add3A_175 = arith.constant 12288 : i32
      %add3A_176 = arith.addi %add3A_175, %add3A_174 : i32
      %add3A_177 = arith.constant 0 : i32
      %add3A_178 = arith.addi %add3A_176, %add3A_177 : i32
      %get3A = arith.index_cast %add3A_178 : i32 to index
      %get3A_179 = tpu.vector_load %arg6[%get3A] {strides = array<i32>} : memref<16384xi32, #tpu.memory_space<vmem>>, vector<16xi32>,
      %add3A_180 = arith.constant 12288 : i32
      %add3A_181 = arith.addi %add3A_180, %add3A_174 : i32
      %add3A_182 = arith.constant 16 : i32
      %add3A_183 = arith.addi %add3A_181, %add3A_182 : i32
      %get3A_184 = arith.index_cast %add3A_183 : i32 to index
      %get3A_185 = tpu.vector_load %arg6[%get3A_184] {strides = array<i32>} : memref<16384xi32, #tpu.memory_space<vmem>>, vector<16xi32>,
      %add3A_186 = arith.constant 12288 : i32
      %add3A_187 = arith.addi %add3A_186, %add3A_174 : i32
      %add3A_188 = arith.constant 32 : i32
      %add3A_189 = arith.addi %add3A_187, %add3A_188 : i32
      %get3A_190 = arith.index_cast %add3A_189 : i32 to index
      %get3A_191 = tpu.vector_load %arg6[%get3A_190] {strides = array<i32>} : memref<16384xi32, #tpu.memory_space<vmem>>, vector<16xi32>,
      %add3A_192 = arith.constant 12288 : i32
      %add3A_193 = arith.addi %add3A_192, %add3A_174 : i32
      %add3A_194 = arith.constant 48 : i32
      %add3A_195 = arith.addi %add3A_193, %add3A_194 : i32
      %get3A_196 = arith.index_cast %add3A_195 : i32 to index
      %get3A_197 = tpu.vector_load %arg6[%get3A_196] {strides = array<i32>} : memref<16384xi32, #tpu.memory_space<vmem>>, vector<16xi32>,
      %add3A_198 = arith.constant 12288 : i32
      %add3A_199 = arith.addi %add3A_198, %add3A_174 : i32
      %add3A_200 = arith.constant 64 : i32
      %add3A_201 = arith.addi %add3A_199, %add3A_200 : i32
      %get3A_202 = arith.index_cast %add3A_201 : i32 to index
      %get3A_203 = tpu.vector_load %arg6[%get3A_202] {strides = array<i32>} : memref<16384xi32, #tpu.memory_space<vmem>>, vector<16xi32>,
      %add3A_204 = arith.constant 12288 : i32
      %add3A_205 = arith.addi %add3A_204, %add3A_174 : i32
      %add3A_206 = arith.constant 80 : i32
      %add3A_207 = arith.addi %add3A_205, %add3A_206 : i32
      %get3A_208 = arith.index_cast %add3A_207 : i32 to index
      %get3A_209 = tpu.vector_load %arg6[%get3A_208] {strides = array<i32>} : memref<16384xi32, #tpu.memory_space<vmem>>, vector<16xi32>,
      %add3A_210 = arith.constant 12288 : i32
      %add3A_211 = arith.addi %add3A_210, %add3A_174 : i32
      %add3A_212 = arith.constant 96 : i32
      %add3A_213 = arith.addi %add3A_211, %add3A_212 : i32
      %get3A_214 = arith.index_cast %add3A_213 : i32 to index
      %get3A_215 = tpu.vector_load %arg6[%get3A_214] {strides = array<i32>} : memref<16384xi32, #tpu.memory_space<vmem>>, vector<16xi32>,
      %add3A_216 = arith.constant 12288 : i32
      %add3A_217 = arith.addi %add3A_216, %add3A_174 : i32
      %add3A_218 = arith.constant 112 : i32
      %add3A_219 = arith.addi %add3A_217, %add3A_218 : i32
      %get3A_220 = arith.index_cast %add3A_219 : i32 to index
      %get3A_221 = tpu.vector_load %arg6[%get3A_220] {strides = array<i32>} : memref<16384xi32, #tpu.memory_space<vmem>>, vector<16xi32>,
      %add3A_222 = arith.constant 12288 : i32
      %add3A_223 = arith.addi %add3A_222, %add3A_174 : i32
      %add3A_224 = arith.constant 128 : i32
      %add3A_225 = arith.addi %add3A_223, %add3A_224 : i32
      %get3A_226 = arith.index_cast %add3A_225 : i32 to index
      %get3A_227 = tpu.vector_load %arg6[%get3A_226] {strides = array<i32>} : memref<16384xi32, #tpu.memory_space<vmem>>, vector<16xi32>,
      %add3A_228 = arith.constant 12288 : i32
      %add3A_229 = arith.addi %add3A_228, %add3A_174 : i32
      %add3A_230 = arith.constant 144 : i32
      %add3A_231 = arith.addi %add3A_229, %add3A_230 : i32
      %get3A_232 = arith.index_cast %add3A_231 : i32 to index
      %get3A_233 = tpu.vector_load %arg6[%get3A_232] {strides = array<i32>} : memref<16384xi32, #tpu.memory_space<vmem>>, vector<16xi32>,
      %add3A_234 = arith.constant 12288 : i32
      %add3A_235 = arith.addi %add3A_234, %add3A_174 : i32
      %add3A_236 = arith.constant 160 : i32
      %add3A_237 = arith.addi %add3A_235, %add3A_236 : i32
      %get3A_238 = arith.index_cast %add3A_237 : i32 to index
      %get3A_239 = tpu.vector_load %arg6[%get3A_238] {strides = array<i32>} : memref<16384xi32, #tpu.memory_space<vmem>>, vector<16xi32>,
      %add3A_240 = arith.constant 12288 : i32
      %add3A_241 = arith.addi %add3A_240, %add3A_174 : i32
      %add3A_242 = arith.constant 176 : i32
      %add3A_243 = arith.addi %add3A_241, %add3A_242 : i32
      %get3A_244 = arith.index_cast %add3A_243 : i32 to index
      %get3A_245 = tpu.vector_load %arg6[%get3A_244] {strides = array<i32>} : memref<16384xi32, #tpu.memory_space<vmem>>, vector<16xi32>,
      %add3A_246 = arith.constant 12288 : i32
      %add3A_247 = arith.addi %add3A_246, %add3A_174 : i32
      %add3A_248 = arith.constant 192 : i32
      %add3A_249 = arith.addi %add3A_247, %add3A_248 : i32
      %get3A_250 = arith.index_cast %add3A_249 : i32 to index
      %get3A_251 = tpu.vector_load %arg6[%get3A_250] {strides = array<i32>} : memref<16384xi32, #tpu.memory_space<vmem>>, vector<16xi32>,
      %add3A_252 = arith.constant 12288 : i32
      %add3A_253 = arith.addi %add3A_252, %add3A_174 : i32
      %add3A_254 = arith.constant 208 : i32
      %add3A_255 = arith.addi %add3A_253, %add3A_254 : i32
      %get3A_256 = arith.index_cast %add3A_255 : i32 to index
      %get3A_257 = tpu.vector_load %arg6[%get3A_256] {strides = array<i32>} : memref<16384xi32, #tpu.memory_space<vmem>>, vector<16xi32>,
      %add3A_258 = arith.constant 12288 : i32
      %add3A_259 = arith.addi %add3A_258, %add3A_174 : i32
      %add3A_260 = arith.constant 224 : i32
      %add3A_261 = arith.addi %add3A_259, %add3A_260 : i32
      %get3A_262 = arith.index_cast %add3A_261 : i32 to index
      %get3A_263 = tpu.vector_load %arg6[%get3A_262] {strides = array<i32>} : memref<16384xi32, #tpu.memory_space<vmem>>, vector<16xi32>,
      %add3A_264 = arith.constant 12288 : i32
      %add3A_265 = arith.addi %add3A_264, %add3A_174 : i32
      %add3A_266 = arith.constant 240 : i32
      %add3A_267 = arith.addi %add3A_265, %add3A_266 : i32
      %get3A_268 = arith.index_cast %add3A_267 : i32 to index
      %get3A_269 = tpu.vector_load %arg6[%get3A_268] {strides = array<i32>} : memref<16384xi32, #tpu.memory_space<vmem>>, vector<16xi32>,
      %gather3A = tpu.vector_load_idx %arg5[%get3A_179] : memref<100000xf32, #tpu.memory_space<vmem>>[vector<16xi32>], vector<16xf32>,
      %gather3A_270 = tpu.vector_load_idx %arg5[%get3A_185] : memref<100000xf32, #tpu.memory_space<vmem>>[vector<16xi32>], vector<16xf32>,
      %gather3A_271 = tpu.vector_load_idx %arg5[%get3A_191] : memref<100000xf32, #tpu.memory_space<vmem>>[vector<16xi32>], vector<16xf32>,
      %gather3A_272 = tpu.vector_load_idx %arg5[%get3A_197] : memref<100000xf32, #tpu.memory_space<vmem>>[vector<16xi32>], vector<16xf32>,
      %gather3A_273 = tpu.vector_load_idx %arg5[%get3A_203] : memref<100000xf32, #tpu.memory_space<vmem>>[vector<16xi32>], vector<16xf32>,
      %gather3A_274 = tpu.vector_load_idx %arg5[%get3A_209] : memref<100000xf32, #tpu.memory_space<vmem>>[vector<16xi32>], vector<16xf32>,
      %gather3A_275 = tpu.vector_load_idx %arg5[%get3A_215] : memref<100000xf32, #tpu.memory_space<vmem>>[vector<16xi32>], vector<16xf32>,
      %gather3A_276 = tpu.vector_load_idx %arg5[%get3A_221] : memref<100000xf32, #tpu.memory_space<vmem>>[vector<16xi32>], vector<16xf32>,
      %gather3A_277 = tpu.vector_load_idx %arg5[%get3A_227] : memref<100000xf32, #tpu.memory_space<vmem>>[vector<16xi32>], vector<16xf32>,
      %gather3A_278 = tpu.vector_load_idx %arg5[%get3A_233] : memref<100000xf32, #tpu.memory_space<vmem>>[vector<16xi32>], vector<16xf32>,
      %gather3A_279 = tpu.vector_load_idx %arg5[%get3A_239] : memref<100000xf32, #tpu.memory_space<vmem>>[vector<16xi32>], vector<16xf32>,
      %gather3A_280 = tpu.vector_load_idx %arg5[%get3A_245] : memref<100000xf32, #tpu.memory_space<vmem>>[vector<16xi32>], vector<16xf32>,
      %gather3A_281 = tpu.vector_load_idx %arg5[%get3A_251] : memref<100000xf32, #tpu.memory_space<vmem>>[vector<16xi32>], vector<16xf32>,
      %gather3A_282 = tpu.vector_load_idx %arg5[%get3A_257] : memref<100000xf32, #tpu.memory_space<vmem>>[vector<16xi32>], vector<16xf32>,
      %gather3A_283 = tpu.vector_load_idx %arg5[%get3A_263] : memref<100000xf32, #tpu.memory_space<vmem>>[vector<16xi32>], vector<16xf32>,
      %gather3A_284 = tpu.vector_load_idx %arg5[%get3A_269] : memref<100000xf32, #tpu.memory_space<vmem>>[vector<16xi32>], vector<16xf32>,
      %add3A_285 = arith.constant 0 : i32
      %add3A_286 = arith.addi %add3A_174, %add3A_285 : i32
      %swap3A = arith.index_cast %add3A_286 : i32 to index
      %swap3A_287 = tpu.vector_load %arg8[%swap3A] {strides = array<i32>} : memref<4096xf32, #tpu.memory_space<vmem>>, vector<16xf32>,
      tpu.vector_store %arg8[%swap3A], %gather3A {strides = array<i32>} : memref<4096xf32, #tpu.memory_space<vmem>>, vector<16xf32>,
      %add3A_288 = arith.constant 16 : i32
      %add3A_289 = arith.addi %add3A_174, %add3A_288 : i32
      %swap3A_290 = arith.index_cast %add3A_289 : i32 to index
      %swap3A_291 = tpu.vector_load %arg8[%swap3A_290] {strides = array<i32>} : memref<4096xf32, #tpu.memory_space<vmem>>, vector<16xf32>,
      tpu.vector_store %arg8[%swap3A_290], %gather3A_270 {strides = array<i32>} : memref<4096xf32, #tpu.memory_space<vmem>>, vector<16xf32>,
      %add3A_292 = arith.constant 32 : i32
      %add3A_293 = arith.addi %add3A_174, %add3A_292 : i32
      %swap3A_294 = arith.index_cast %add3A_293 : i32 to index
      %swap3A_295 = tpu.vector_load %arg8[%swap3A_294] {strides = array<i32>} : memref<4096xf32, #tpu.memory_space<vmem>>, vector<16xf32>,
      tpu.vector_store %arg8[%swap3A_294], %gather3A_271 {strides = array<i32>} : memref<4096xf32, #tpu.memory_space<vmem>>, vector<16xf32>,
      %add3A_296 = arith.constant 48 : i32
      %add3A_297 = arith.addi %add3A_174, %add3A_296 : i32
      %swap3A_298 = arith.index_cast %add3A_297 : i32 to index
      %swap3A_299 = tpu.vector_load %arg8[%swap3A_298] {strides = array<i32>} : memref<4096xf32, #tpu.memory_space<vmem>>, vector<16xf32>,
      tpu.vector_store %arg8[%swap3A_298], %gather3A_272 {strides = array<i32>} : memref<4096xf32, #tpu.memory_space<vmem>>, vector<16xf32>,
      %add3A_300 = arith.constant 64 : i32
      %add3A_301 = arith.addi %add3A_174, %add3A_300 : i32
      %swap3A_302 = arith.index_cast %add3A_301 : i32 to index
      %swap3A_303 = tpu.vector_load %arg8[%swap3A_302] {strides = array<i32>} : memref<4096xf32, #tpu.memory_space<vmem>>, vector<16xf32>,
      tpu.vector_store %arg8[%swap3A_302], %gather3A_273 {strides = array<i32>} : memref<4096xf32, #tpu.memory_space<vmem>>, vector<16xf32>,
      %add3A_304 = arith.constant 80 : i32
      %add3A_305 = arith.addi %add3A_174, %add3A_304 : i32
      %swap3A_306 = arith.index_cast %add3A_305 : i32 to index
      %swap3A_307 = tpu.vector_load %arg8[%swap3A_306] {strides = array<i32>} : memref<4096xf32, #tpu.memory_space<vmem>>, vector<16xf32>,
      tpu.vector_store %arg8[%swap3A_306], %gather3A_274 {strides = array<i32>} : memref<4096xf32, #tpu.memory_space<vmem>>, vector<16xf32>,
      %add3A_308 = arith.constant 96 : i32
      %add3A_309 = arith.addi %add3A_174, %add3A_308 : i32
      %swap3A_310 = arith.index_cast %add3A_309 : i32 to index
      %swap3A_311 = tpu.vector_load %arg8[%swap3A_310] {strides = array<i32>} : memref<4096xf32, #tpu.memory_space<vmem>>, vector<16xf32>,
      tpu.vector_store %arg8[%swap3A_310], %gather3A_275 {strides = array<i32>} : memref<4096xf32, #tpu.memory_space<vmem>>, vector<16xf32>,
      %add3A_312 = arith.constant 112 : i32
      %add3A_313 = arith.addi %add3A_174, %add3A_312 : i32
      %swap3A_314 = arith.index_cast %add3A_313 : i32 to index
      %swap3A_315 = tpu.vector_load %arg8[%swap3A_314] {strides = array<i32>} : memref<4096xf32, #tpu.memory_space<vmem>>, vector<16xf32>,
      tpu.vector_store %arg8[%swap3A_314], %gather3A_276 {strides = array<i32>} : memref<4096xf32, #tpu.memory_space<vmem>>, vector<16xf32>,
      %add3A_316 = arith.constant 128 : i32
      %add3A_317 = arith.addi %add3A_174, %add3A_316 : i32
      %swap3A_318 = arith.index_cast %add3A_317 : i32 to index
      %swap3A_319 = tpu.vector_load %arg8[%swap3A_318] {strides = array<i32>} : memref<4096xf32, #tpu.memory_space<vmem>>, vector<16xf32>,
      tpu.vector_store %arg8[%swap3A_318], %gather3A_277 {strides = array<i32>} : memref<4096xf32, #tpu.memory_space<vmem>>, vector<16xf32>,
      %add3A_320 = arith.constant 144 : i32
      %add3A_321 = arith.addi %add3A_174, %add3A_320 : i32
      %swap3A_322 = arith.index_cast %add3A_321 : i32 to index
      %swap3A_323 = tpu.vector_load %arg8[%swap3A_322] {strides = array<i32>} : memref<4096xf32, #tpu.memory_space<vmem>>, vector<16xf32>,
      tpu.vector_store %arg8[%swap3A_322], %gather3A_278 {strides = array<i32>} : memref<4096xf32, #tpu.memory_space<vmem>>, vector<16xf32>,
      %add3A_324 = arith.constant 160 : i32
      %add3A_325 = arith.addi %add3A_174, %add3A_324 : i32
      %swap3A_326 = arith.index_cast %add3A_325 : i32 to index
      %swap3A_327 = tpu.vector_load %arg8[%swap3A_326] {strides = array<i32>} : memref<4096xf32, #tpu.memory_space<vmem>>, vector<16xf32>,
      tpu.vector_store %arg8[%swap3A_326], %gather3A_279 {strides = array<i32>} : memref<4096xf32, #tpu.memory_space<vmem>>, vector<16xf32>,
      %add3A_328 = arith.constant 176 : i32
      %add3A_329 = arith.addi %add3A_174, %add3A_328 : i32
      %swap3A_330 = arith.index_cast %add3A_329 : i32 to index
      %swap3A_331 = tpu.vector_load %arg8[%swap3A_330] {strides = array<i32>} : memref<4096xf32, #tpu.memory_space<vmem>>, vector<16xf32>,
      tpu.vector_store %arg8[%swap3A_330], %gather3A_280 {strides = array<i32>} : memref<4096xf32, #tpu.memory_space<vmem>>, vector<16xf32>,
      %add3A_332 = arith.constant 192 : i32
      %add3A_333 = arith.addi %add3A_174, %add3A_332 : i32
      %swap3A_334 = arith.index_cast %add3A_333 : i32 to index
      %swap3A_335 = tpu.vector_load %arg8[%swap3A_334] {strides = array<i32>} : memref<4096xf32, #tpu.memory_space<vmem>>, vector<16xf32>,
      tpu.vector_store %arg8[%swap3A_334], %gather3A_281 {strides = array<i32>} : memref<4096xf32, #tpu.memory_space<vmem>>, vector<16xf32>,
      %add3A_336 = arith.constant 208 : i32
      %add3A_337 = arith.addi %add3A_174, %add3A_336 : i32
      %swap3A_338 = arith.index_cast %add3A_337 : i32 to index
      %swap3A_339 = tpu.vector_load %arg8[%swap3A_338] {strides = array<i32>} : memref<4096xf32, #tpu.memory_space<vmem>>, vector<16xf32>,
      tpu.vector_store %arg8[%swap3A_338], %gather3A_282 {strides = array<i32>} : memref<4096xf32, #tpu.memory_space<vmem>>, vector<16xf32>,
      %add3A_340 = arith.constant 224 : i32
      %add3A_341 = arith.addi %add3A_174, %add3A_340 : i32
      %swap3A_342 = arith.index_cast %add3A_341 : i32 to index
      %swap3A_343 = tpu.vector_load %arg8[%swap3A_342] {strides = array<i32>} : memref<4096xf32, #tpu.memory_space<vmem>>, vector<16xf32>,
      tpu.vector_store %arg8[%swap3A_342], %gather3A_283 {strides = array<i32>} : memref<4096xf32, #tpu.memory_space<vmem>>, vector<16xf32>,
      %add3A_344 = arith.constant 240 : i32
      %add3A_345 = arith.addi %add3A_174, %add3A_344 : i32
      %swap3A_346 = arith.index_cast %add3A_345 : i32 to index
      %swap3A_347 = tpu.vector_load %arg8[%swap3A_346] {strides = array<i32>} : memref<4096xf32, #tpu.memory_space<vmem>>, vector<16xf32>,
      tpu.vector_store %arg8[%swap3A_346], %gather3A_284 {strides = array<i32>} : memref<4096xf32, #tpu.memory_space<vmem>>, vector<16xf32>,
    }
    %scan3A_151 = arith.constant 16 : i32
    %dma_start3A_152 = arith.constant 12288 : i32
    %dma_start3A_153 = tpu.memref_slice %arg4[%add3A_83, %dma_start3A_152] : memref<64x16384xf32, #tpu.memory_space<hbm>> -> memref<1x4096xf32, #tpu.memory_space<hbm>>
    %dma_start3A_154 = tpu.memref_squeeze %dma_start3A_153 : memref<1x4096xf32, #tpu.memory_space<hbm>> -> memref<4096xf32, #tpu.memory_space<hbm>>
    %dma_start3A_155 = arith.constant 12288 : i32
    %dma_start3A_156 = tpu.memref_slice %arg4[%add3A_83, %dma_start3A_155] : memref<64x16384xf32, #tpu.memory_space<hbm>> -> memref<1x4096xf32, #tpu.memory_space<hbm>>
    %dma_start3A_157 = tpu.memref_squeeze %dma_start3A_156 : memref<1x4096xf32, #tpu.memory_space<hbm>> -> memref<4096xf32, #tpu.memory_space<hbm>>
    tpu.enqueue_dma source(%arg8 : memref<4096xf32, #tpu.memory_space<vmem>>) target(%dma_start3A_157 : memref<4096xf32, #tpu.memory_space<hbm>>) target_semaphore(%arg11 : memref<!tpu.dma_semaphore, #tpu.memory_space<semaphore_mem>>)
    %dma_wait3A_158 = arith.constant 8192 : i32
    %dma_wait3A_159 = tpu.memref_slice %arg4[%add3A_83, %dma_wait3A_158] : memref<64x16384xf32, #tpu.memory_space<hbm>> -> memref<1x4096xf32, #tpu.memory_space<hbm>>
    %dma_wait3A_160 = tpu.memref_squeeze %dma_wait3A_159 : memref<1x4096xf32, #tpu.memory_space<hbm>> -> memref<4096xf32, #tpu.memory_space<hbm>>
    %dma_wait3A_161 = arith.constant 8192 : i32
    %dma_wait3A_162 = tpu.memref_slice %arg4[%add3A_83, %dma_wait3A_161] : memref<64x16384xf32, #tpu.memory_space<hbm>> -> memref<1x4096xf32, #tpu.memory_space<hbm>>
    %dma_wait3A_163 = tpu.memref_squeeze %dma_wait3A_162 : memref<1x4096xf32, #tpu.memory_space<hbm>> -> memref<4096xf32, #tpu.memory_space<hbm>>
    tpu.wait_dma2 semaphore(%arg11 : memref<!tpu.dma_semaphore, #tpu.memory_space<semaphore_mem>>) src(%arg7 : memref<4096xf32, #tpu.memory_space<vmem>>) dst(%dma_wait3A_163 : memref<4096xf32, #tpu.memory_space<hbm>>)
    %dma_wait3A_164 = arith.constant 12288 : i32
    %dma_wait3A_165 = tpu.memref_slice %arg4[%add3A_83, %dma_wait3A_164] : memref<64x16384xf32, #tpu.memory_space<hbm>> -> memref<1x4096xf32, #tpu.memory_space<hbm>>
    %dma_wait3A_166 = tpu.memref_squeeze %dma_wait3A_165 : memref<1x4096xf32, #tpu.memory_space<hbm>> -> memref<4096xf32, #tpu.memory_space<hbm>>
    %dma_wait3A_167 = arith.constant 12288 : i32
    %dma_wait3A_168 = tpu.memref_slice %arg4[%add3A_83, %dma_wait3A_167] : memref<64x16384xf32, #tpu.memory_space<hbm>> -> memref<1x4096xf32, #tpu.memory_space<hbm>>
    %dma_wait3A_169 = tpu.memref_squeeze %dma_wait3A_168 : memref<1x4096xf32, #tpu.memory_space<hbm>> -> memref<4096xf32, #tpu.memory_space<hbm>>
    tpu.wait_dma2 semaphore(%arg11 : memref<!tpu.dma_semaphore, #tpu.memory_space<semaphore_mem>>) src(%arg8 : memref<4096xf32, #tpu.memory_space<vmem>>) dst(%dma_wait3A_169 : memref<4096xf32, #tpu.memory_space<hbm>>)
    return
  }
}

module attributes {stable_mosaic.version = 14 : i64} {
  func.func @_loss_body(%arg0: i32, %arg1: memref<64x8192xf32, #tpu.memory_space<vmem>>, %arg2: memref<64x8192xf32, #tpu.memory_space<vmem>>, %arg3: memref<1x128xf32, #tpu.memory_space<vmem>>) attributes {dimension_semantics = [#tpu.dimension_semantics<arbitrary>], iteration_bounds = array<i64: 2>, scalar_prefetch = 0 : i64, scratch_operands = 0 : i64, tpu.core_type = #tpu.core_type<tc>, window_params = [{transform_indices = @transform_0, window_bounds = array<i64: 64, 8192>}, {transform_indices = @transform_1, window_bounds = array<i64: 64, 8192>}, {pipeline_mode = #tpu.pipeline_mode<synchronous>, transform_indices = @transform_2, window_bounds = array<i64: 1, 128>}]} {
    %get3A = arith.constant 0 : index
    %get3A_0 = arith.constant 0 : index
    %get3A_1 = vector.load %arg1[%get3A, %get3A_0] : memref<64x8192xf32, #tpu.memory_space<vmem>>, vector<64x8192xf32>
    %get3A_2 = arith.constant 0 : index
    %get3A_3 = arith.constant 0 : index
    %get3A_4 = vector.load %arg2[%get3A_2, %get3A_3] : memref<64x8192xf32, #tpu.memory_space<vmem>>, vector<64x8192xf32>
    %sub3A = arith.subf %get3A_1, %get3A_4 : vector<64x8192xf32>
    %mul3A = arith.mulf %sub3A, %sub3A : vector<64x8192xf32>
    %reduce_sum3A = arith.constant dense<0.000000e+00> : vector<8192xf32>
    %reduce_sum3A_5 = vector.multi_reduction <add>, %mul3A, %reduce_sum3A [0] : vector<64x8192xf32> to vector<8192xf32>
    %broadcast_in_dim3A = vector.shape_cast %reduce_sum3A_5 : vector<8192xf32> to vector<1x8192xf32>
    %max3A = arith.constant 9.99999996E-13 : f32
    %max3A_6 = vector.broadcast %max3A : f32 to vector<1x8192xf32>
    %max3A_7 = arith.maximumf %broadcast_in_dim3A, %max3A_6 : vector<1x8192xf32>
    %min3A = arith.constant 9.99999995E+11 : f32
    %min3A_8 = vector.broadcast %min3A : f32 to vector<1x8192xf32>
    %min3A_9 = arith.minimumf %max3A_7, %min3A_8 : vector<1x8192xf32>
    %reduce_sum3A_10 = vector.shape_cast %min3A_9 : vector<1x8192xf32> to vector<1x1x8192xf32>
    %reduce_sum3A_11 = arith.constant dense<0.000000e+00> : vector<1xf32>
    %reduce_sum3A_12 = vector.multi_reduction <add>, %reduce_sum3A_10, %reduce_sum3A_11 [1, 2] : vector<1x1x8192xf32> to vector<1xf32>
    %reduce_sum3A_13 = vector.shape_cast %reduce_sum3A_12 : vector<1xf32> to vector<1x1x1xf32>
    %reduce_sum3A_14 = vector.extract %reduce_sum3A_13[0, 0, 0] : f32 from vector<1x1x1xf32>
    %mul3A_15 = arith.constant 6.10351563E-5 : f32
    %mul3A_16 = arith.mulf %reduce_sum3A_14, %mul3A_15 : f32
    %eq3A = arith.constant 0 : i32
    %eq3A_17 = arith.cmpi eq, %arg0, %eq3A : i32
    %convert_element_type3A = arith.extui %eq3A_17 : i1 to i32
    %cond3A = arith.constant 0 : i32
    %cond3A_18 = arith.cmpi ne, %convert_element_type3A, %cond3A : i32
    scf.if %cond3A_18 {
      %broadcast_in_dim3A_25 = arith.constant 0.000000e+00 : f32
      %broadcast_in_dim3A_26 = vector.broadcast %broadcast_in_dim3A_25 : f32 to vector<1x128xf32>
      %swap3A_27 = arith.constant 0 : index
      %swap3A_28 = arith.constant 0 : index
      %swap3A_29 = vector.load %arg3[%swap3A_27, %swap3A_28] : memref<1x128xf32, #tpu.memory_space<vmem>>, vector<1x128xf32>
      tpu.vector_store %arg3[%swap3A_27, %swap3A_28], %broadcast_in_dim3A_26 {strides = array<i32>} : memref<1x128xf32, #tpu.memory_space<vmem>>, vector<1x128xf32>,
    } else {
    }
    %get3A_19 = arith.constant 0 : index
    %get3A_20 = arith.constant 0 : index
    %get3A_21 = vector.load %arg3[%get3A_19, %get3A_20] : memref<1x128xf32, #tpu.memory_space<vmem>>, vector<1x128xf32>
    %broadcast_in_dim3A_22 = vector.broadcast %mul3A_16 : f32 to vector<1x128xf32>
    %add3A = arith.addf %get3A_21, %broadcast_in_dim3A_22 : vector<1x128xf32>
    %swap3A = arith.constant 0 : index
    %swap3A_23 = arith.constant 0 : index
    %swap3A_24 = vector.load %arg3[%swap3A, %swap3A_23] : memref<1x128xf32, #tpu.memory_space<vmem>>, vector<1x128xf32>
    tpu.vector_store %arg3[%swap3A, %swap3A_23], %add3A {strides = array<i32>} : memref<1x128xf32, #tpu.memory_space<vmem>>, vector<1x128xf32>,
    return
  }
  func.func @transform_0(%arg0: i32) -> (i32, i32) {
    %c0_i32 = arith.constant 0 : i32
    %c0_i32_0 = arith.constant 0 : i32
    return %c0_i32, %arg0 : i32, i32
  }
  func.func @transform_1(%arg0: i32) -> (i32, i32) {
    %c0_i32 = arith.constant 0 : i32
    %c0_i32_0 = arith.constant 0 : i32
    return %c0_i32, %arg0 : i32, i32
  }
  func.func @transform_2(%arg0: i32) -> (i32, i32) {
    %c0_i32 = arith.constant 0 : i32
    %c0_i32_0 = arith.constant 0 : i32
    %c0_i32_1 = arith.constant 0 : i32
    return %c0_i32, %c0_i32_0 : i32, i32
  }
}

</mosaic_0001>

<sc_bundles>
// kernel: kernel.4.cloned.1.call-start
scs
__scs_entry_jumppad:
0x0: {  	(pc) =	sbr.rel $0x88, $3  }
0x1: {  	(tag) =	ssettag $0x0;
	lr =	simm.s32 $0x1  }
0x2: {  	[smem:$0x3F9E] =	sst lr;
	_ =	strace $0xD0000000  }
0x3: {  	_ = 	snop  }
0x4: {  	_ = 	snop  }
0x5: {  	_ = 	snop  }
0x6: {  	_ = 	snop  }
0x7: {  	_ = 	snop  }
__scs_overlays_trampoline_lowered:
0x8: {  	[smem:$0x3FAD] =	sst s0  }
0x9: {  	[smem:$0x3FAE] =	sst s1  }
0xa: {  	[smem:$0x3FAF] =	sst s2  }
0xb: {  	[smem:$0x3FB0] =	sst s3  }
0xc: {  	[smem:$0x3FB1] =	sst s4  }
0xd: {  	[smem:$0x3FB2] =	sst s5  }
0xe: {  	[smem:$0x3FB3] =	sst s6  }
0xf: {  	[smem:$0x3FB4] =	sst s7  }
0x10: {  	[smem:$0x3FB5] =	sst s8  }
0x11: {  	[smem:$0x3FB6] =	sst s9;
	s0 =	simm.s32 @!p0 $0x0  }
0x12: {  	s1 =	sld [smem:$0x3F9C];
	s0 =	simm.s32 @p0 $0x1  }
0x13: {  	[smem:$0x3FB7] =	sst s0;
	s0 =	simm.s32 @!p1 $0x0  }
0x14: {  	s2 =	sld [smem:$0x3F9B];
	s0 =	simm.s32 @p1 $0x1  }
0x15: {  	[smem:$0x3FB8] =	sst s0;
	s0 =	simm.s32 @!p2 $0x0  }
0x16: {  	s3 =	sld [smem:$0x3FDB];
	s0 =	simm.s32 @p2 $0x1  }
0x17: {  	s4 =	simm.s32 $0x1BF5;
	[smem:$0x3FBA] =	sst s0  }
0x18: {  	s0 =	sld [smem:$0x3F9D];
	_ =	swait.ge [sflag:s4], $0x0  }
0x19: {  	s7 =	sld [smem:$0x3F9E]  }
0x1a: {  	s8 =	sadd.s32 $0xFFFFE003, lr  }
0x1b: {  	s9 =	sadd.s32 $0xFFFFFEF7, lr;
	s5 =	simm.s32 $0xFFFFFFFF;
	p2 =	slt.u32 s8, $0xFFFFF086  }
0x1c: {  	p1 =	slt.u32 s9, $0xF7A;
	s5 =	simm.s32 @!p2 $0x0  }
0x1d: {  	s5 =	simm.s32 @p1 $0x1;
	p0 =	seq.s32 s7, s2  }
0x1e: {  	s7 =	smul.u32 @!p0 $0xF7A, s2;
	p2 =	seq.s32 @!p0 s5, $0x0  }
0x1f: {  	s9 =	smul.u32 $0xF7A, s1;
	s8 =	simm.s32 @!p0 $0x1BF5;
	p2 =	por !p2, p0  }
0x20: {  	[sflag:s8] =	ssyncset.s32 @!p0 $0xFFFFF086;
	s6 =	sadd.s32 @!p0 s3, s7;
	s7 =	simm.s32 @!p0 $0x108  }
0x21: {  	s3 =	sadd.s32 s3, s9;
	s6 =	sadd.s32 @!p0 $0x88, s6;
	s7 =	simm.s32 @p2 $0x1082  }
0x22: {  	[simem:s7], [sflag:s8] =	dma.local @!p0 [hbm:s6], $0xF7A  }
0x23: {  	s9 =	sor.u32 $0xD0000000, s2;
	s6 =	simm.s32 $0x108;
	_ =	swait.ge @!p0 [sflag:s8], $0x0  }
0x24: {  	s3 =	sadd.s32 $0x88, s3;
	s6 =	simm.s32 @!p1 $0x1082;
	[sflag:s4] =	ssyncset.s32 $0xFFFFF086  }
0x25: {  	[simem:s6], [sflag:s4] =	dma.local [hbm:s3], $0xF7A  }
0x26: {  	[smem:$0x3F9E] =	sst s1;
	(tag) =	ssettag s2;
	_ =	strace s9  }
0x27: {  	s1 =	sld [smem:$0x3FAE]  }
0x28: {  	s2 =	sld [smem:$0x3FAF]  }
0x29: {  	s4 =	sld [smem:$0x3FB1]  }
0x2a: {  	p0 =	seq.s32 s5, $0x0;
	s5 =	sld [smem:$0x3FB2]  }
0x2b: {  	s6 =	sld [smem:$0x3FB3]  }
0x2c: {  	s7 =	sld [smem:$0x3FB4]  }
0x2d: {  	s3 =	simm.s32 $0x108;
	s8 =	sld [smem:$0x3FB5]  }
0x2e: {  	s3 =	simm.s32 @!p0 $0x1082;
	s9 =	sld [smem:$0x3FB6]  }
0x2f: {  	lr =	sadd.s32 s0, s3;
	s0 =	sld [smem:$0x3FAD]  }
0x30: {  	s3 =	sld [smem:$0x3FB0]  }
0x31: {  	[smem:$0x3FB9] =	sst s10  }
0x32: {  	s10 =	sld [smem:$0x3FB7];
	_ =	sdelay $0x3  }
0x33: {  	p0 =	seq.s32 s10, $0x1;
	s10 =	sld [smem:$0x3FB9];
	_ =	sdelay $0x3  }
0x34: {  	[smem:$0x3FB9] =	sst s10  }
0x35: {  	s10 =	sld [smem:$0x3FB8];
	_ =	sdelay $0x3  }
0x36: {  	p1 =	seq.s32 s10, $0x1;
	s10 =	sld [smem:$0x3FB9];
	_ =	sdelay $0x3  }
0x37: {  	[smem:$0x3FB9] =	sst s10  }
0x38: {  	s10 =	sld [smem:$0x3FBA]  }
0x39: {  	_ = 	snop;
	(pc) =	sbr.ind lr, $3  }
0x3a: {  	_ = 	snop  }
0x3b: {  	_ = 	snop  }
0x3c: {  	p2 =	seq.s32 s10, $0x1;
	s10 =	sld [smem:$0x3FB9]  }
0x3d: {  	_ =	shalt  }
0x3e: {  	_ =	shalt  }
0x3f: {  	_ =	shalt  }
0x40: {  	_ =	shalt  }
0x41: {  	_ =	shalt  }
0x42: {  	_ =	shalt  }
0x43: {  	_ =	shalt  }
0x44: {  	_ =	shalt  }
0x45: {  	_ =	shalt  }
0x46: {  	_ =	shalt  }
0x47: {  	_ =	shalt  }
0x48: {  	_ =	shalt  }
0x49: {  	_ =	shalt  }
0x4a: {  	_ =	shalt  }
0x4b: {  	_ =	shalt  }
0x4c: {  	_ =	shalt  }
0x4d: {  	_ =	shalt  }
0x4e: {  	_ =	shalt  }
0x4f: {  	_ =	shalt  }
0x50: {  	_ =	shalt  }
0x51: {  	_ =	shalt  }
0x52: {  	_ =	shalt  }
0x53: {  	_ =	shalt  }
0x54: {  	_ =	shalt  }
0x55: {  	_ =	shalt  }
0x56: {  	_ =	shalt  }
0x57: {  	_ =	shalt  }
0x58: {  	_ =	shalt  }
0x59: {  	_ =	shalt  }
0x5a: {  	_ =	shalt  }
0x5b: {  	_ =	shalt  }
0x5c: {  	_ =	shalt  }
0x5d: {  	_ =	shalt  }
0x5e: {  	_ =	shalt  }
0x5f: {  	_ =	shalt  }
0x60: {  	_ =	shalt  }
0x61: {  	_ =	shalt  }
0x62: {  	_ =	shalt  }
0x63: {  	_ =	shalt  }
0x64: {  	_ =	shalt  }
0x65: {  	_ =	shalt  }
0x66: {  	_ =	shalt  }
0x67: {  	_ =	shalt  }
0x68: {  	_ =	shalt  }
0x69: {  	_ =	shalt  }
0x6a: {  	_ =	shalt  }
0x6b: {  	_ =	shalt  }
0x6c: {  	_ =	shalt  }
0x6d: {  	_ =	shalt  }
0x6e: {  	_ =	shalt  }
0x6f: {  	_ =	shalt  }
0x70: {  	_ =	shalt  }
0x71: {  	_ =	shalt  }
0x72: {  	_ =	shalt  }
0x73: {  	_ =	shalt  }
0x74: {  	_ =	shalt  }
0x75: {  	_ =	shalt  }
0x76: {  	_ =	shalt  }
0x77: {  	_ =	shalt  }
0x78: {  	_ =	shalt  }
0x79: {  	_ =	shalt  }
0x7a: {  	_ =	shalt  }
0x7b: {  	_ =	shalt  }
0x7c: {  	_ =	shalt  }
0x7d: {  	_ =	shalt  }
0x7e: {  	_ =	shalt  }
0x7f: {  	_ =	shalt  }
0x80: {  	_ =	shalt  }
0x81: {  	_ =	shalt  }
0x82: {  	_ =	shalt  }
0x83: {  	_ =	shalt  }
0x84: {  	_ =	shalt  }
0x85: {  	_ =	shalt  }
0x86: {  	_ =	shalt  }
0x87: {  	_ =	shalt  }
.Lfunc_end0:
.L_simem_size_0:
called_computation_lowered:
.L_overlay_start_0:
0x88: {  	s2 =	sld [smem:$0x3FD9]  }
0x89: {  	s3 =	sld [smem:$0x3FFE];
	_ =	sdelay $0x1  }
0x8a: {  	s1 =	srdreg.scid  }
0x8b: {  	s0 =	sand.u32 $0x1, s1  }
0x8c: {  	s17 =	sshll.u32 s0, $0xA;
	s2 =	sadd.s32 s3, s2  }
0x8d: {  	s2 =	sadd.s32 s2, s17  }
0x8e: {  	[smem:$0x3FC5] =	sst s2  }
0x8f: {  	_ = 	snop  }
0x90: {  	s2 =	sld [smem:$0x3FC8]  }
0x91: {  	s18 =	sld [smem:$0x3FC7];
	(tm) =	ssettm $0x1  }
0x92: {  	s4 =	sld [smem:$0x3FFB];
	_ =	sdelay $0x3  }
0x93: {  	_ =	strace s4  }
0x94: {  	s4 =	sld [smem:$0x3FFC];
	_ =	sdelay $0x3  }
0x95: {  	_ =	strace s4  }
0x96: {  	s4 =	sld [smem:$0x3FFD];
	_ =	sdelay $0x3  }
0x97: {  	_ =	strace s4  }
0x98: {  	_ =	strace $0x8FFFFFFF  }
0x99: {  	s19 =	sld [smem:$0x3FDB];
	_ =	sdelay $0x1  }
0x9a: {  	s5 =	simm.s32 $_scs_section_size  }
0x9b: {  	s6 =	simm.s32 $_size__tile_overlayer_lowered;
	s7 =	simm.s32 $_tile_overlayer_lowered  }
0x9c: {  	s22 =	simm.s32 $0x1BFF;
	s21 =	sshll.u32 s7, $0x1;
	s4 =	sadd.s32 s5, s19  }
0x9d: {  	s8 =	simm.s32 $0x0;
	s20 =	sshll.u32 s6, $0x1;
	s6 =	sadd.s32 s21, s4  }
0x9e: {  	[timem:s8], [sflag:s22] =	dma.local [hbm:s6], s20  }
0x9f: {  	_ =	swait.ge [sflag:s22], s20  }
0xa0: {  	s5 =	ssub.s32 $0x0, s20;
	[sflag:s22] =	ssyncset.done $0x0  }
0xa1: {  	[sflag:s22] =	ssyncadd.s32 s5;
	_ =	sdelay $0x1  }
0xa2: {  	s23 =	simm.s32 $0x1B8B  }
0xa3: {  	_ =	swait.ge [sflag:s23], $0x1  }
0xa4: {  	[sflag:s23] =	ssyncset.done $0x0  }
0xa5: {  	s25 =	simm.s32 $0x1B8E;
	s24 =	sld [smem:$0x3FFE];
	[sflag:s23] =	ssyncadd.s32 $0xFFFFFFFF  }
0xa6: {  	s26 =	simm.s32 $execute0_lowered;
	[smem:$0x3FD2] =	sst s25  }
0xa7: {  	s6 =	sshll.u32 s26, $0x1;
	_ =	strace $0x80000046;
	[dreg:$0x1] =	wrdreg $0xFFFFFFFF  }
0xa8: {  	s28 =	simm.s32 $_size_execute0_lowered;
	s4 =	sadd.s32 s4, s6;
	[dreg:$0x0] =	wrdreg $0x0  }
0xa9: {  	s6 =	sshll.u32 s28, $0x1;
	[dreg:$0x2] =	wrdreg s4  }
0xaa: {  	[dreg:$0x3] =	wrdreg s6  }
0xab: {  	[dreg:$0x4] =	wrdreg $0xC0  }
0xac: {  	_ =	task [dreg:s8], $0x5FFFF  }
0xad: {  	[dreg:$0x1] =	wrdreg $0xFFFFFFFF  }
0xae: {  	[dreg:$0x0] =	wrdreg $0x60  }
0xaf: {  	[dreg:$0x2] =	wrdreg s18  }
0xb0: {  	[dreg:$0x3] =	wrdreg s2  }
0xb1: {  	[dreg:$0x4] =	wrdreg s24  }
0xb2: {  	[dreg:$0x5] =	wrdreg $0x9  }
0xb3: {  	_ =	task.clear_ibuf [dreg:s8], $0x6FFFF;
	_ =	strace $0x90000046  }
0xb4: {  	s29 =	simm.s32 $0x9;
	_ =	strace $0x80000048  }
0xb5: {  	_ =	swait.ge [sflag:s29], $0x1  }
0xb6: {  	[sflag:s29] =	ssyncadd.s32 $0xFFFFFFFF  }
0xb7: {  	_ =	strace $0x90000048  }
0xb8: {  	_ =	sfence  }
0xb9: {  	s30 =	sld [smem:$0x0];
	_ =	sdelay $0x2  }
0xba: {  	s31 =	sshll.u32 s1, $0xD;
	s1 =	sshrl.u32 s1, $0x2  }
0xbb: {  	s3 =	sand.u32 $0x4000, s31;
	s1 =	sadd.s32 s1, s30  }
0xbc: {  	s0 =	sor.u32 s3, s0;
	s1 =	sshll.u32 s1, $0x11  }
0xbd: {  	s0 =	sor.u32 s1, s0  }
0xbe: {  	s0 =	sadd.s32 $0x8F2B, s0  }
0xbf: {  	[sflag:s0] =	ssyncadd.remote.s32 $0x1  }
0xc0: {  	_ =	sfence.sel $0xFFFF  }
0xc1: {  	[dreg:$0x0] =	wrdreg $0xFFFFFFFF;
	(pc) =	sbr.abs _section_cstart, $3  }
0xc2: {  	[dreg:$0x1] =	wrdreg $0xFFFFFFFF  }
0xc3: {  	_ =	task.clear_ibuf [dreg:s8], $0x2FFFF;
	_ =	strace $0x9FFFFFFF  }
0xc4: {  	(tm) =	ssettm $0x7FFFFFFF  }
0xc5: {  	_ =	shalt  }
tec
execute0_lowered:
.L_overlay_start_1:
0x0: {  	(tag) =	ssettag $0x1  }
0x1: {  	s8 =	rddreg [dreg:$0x0]  }
0x2: {  	s1 =	rddreg [dreg:$0x1]  }
0x3: {  	s9 =	rddreg [dreg:$0x2]  }
0x4: {  	s0 =	rddreg [dreg:$0x3];
	s3 =	simm.s32 $0x0  }
0x5: {  	s4 =	srdreg.scid;
	s2 =	stileid.u32;
	s19 =	simm.s32 $0x2  }
0x6: {  	s20 =	simm.s32 $0x1C700;
	s21 =	simm.s32 $0x1D700;
	s22 =	simm.s32 $0x3  }
0x7: {  	s23 =	simm.s32 $0x0;
	[smem:$0x7FF] =	sst s3;
	s4 =	sand.u32 $0x1, s4  }
0x8: {  	s5 =	sshll.u32 s2, $0x9;
	s6 =	sshrl.u32 s2, $0x1;
	s11 =	sadd.s32 $0x800, s9  }
0x9: {  	s15 =	sadd.s32 $0x1800, s9;
	s17 =	sadd.s32 $0x2800, s9;
	s31 =	sadd.s32 $0x3800, s9  }
0xa: {  	s7 =	sshll.u32 s4, $0x8;
	s5 =	sand.u32 $0x200, s5;
	s10 =	smul.u32 $0xC3800, s6  }
0xb: {  	_ =	strace $0x80000047;
	s4 =	ssub.s32 $0x2, s4;
	s7 =	sor.u32 s7, s5  }
0xc: {  	s12 =	sshll.u32 s6, $0x11;
	s30 =	sshrl.u32 s4, $0x1;
	s5 =	sor.u32 s10, s7  }
0xd: {  	s13 =	sor.u32 s12, s7;
	s14 =	ssub.s32 s4, s30;
	s16 =	sor.u32 $0x80, s7  }
0xe: {  	s5 =	sshrl.u32 s5, $0x3;
	s13 =	sshrl.u32 s13, $0x3;
	s10 =	sor.u32 s10, s16  }
0xf: {  	s12 =	sor.u32 s12, s16;
	s14 =	smax.u32 s14, $0x1;
	s16 =	simm.s32 $0x400  }
0x10: {  	s4 =	sadd.s32 s8, s5;
	s5 =	sadd.s32 s11, s13;
	s6 =	sadd.s32 s13, s15  }
0x11: {  	s7 =	sadd.s32 s13, s17;
	s10 =	sshrl.u32 s10, $0x3;
	s18 =	sshrl.u32 s12, $0x3  }
0x12: {  	s9 =	sadd.s32 s13, s31;
	s8 =	sadd.s32 s8, s10;
	s10 =	sadd.s32 s11, s18  }
0x13: {  	s11 =	sadd.s32 s18, s15;
	s12 =	sadd.s32 s18, s17;
	s13 =	sadd.s32 s18, s31  }
0x14: {  	s15 =	simm.s32 $0x80;
	s17 =	simm.s32 $0x18700;
	s18 =	simm.s32 $0x1  }
.LBB2_1:
0x15: {  	[tilespmem:s3], [sflag:$0x1] =	stream.strided.gather [hbm4b:s4+s15], $0x18700, s16, s15, $0x38;
	[tilespmem:$0x1E700] =	vst v63  }
0x16: {  	_ = 	snop  }
0x17: {  	[tilespmem:s17], [sflag:$0x2] =	stream.linear.gather [hbm4b:s1+s3], $0x4000, $0x38;
	[tilespmem:$0x1E700] =	vst v63  }
0x18: {  	_ =	swait.ge [sflag:s18], $0x18700  }
0x19: {  	[sflag:s18] =	ssyncset.done $0x0  }
0x1a: {  	[sflag:s18] =	ssyncadd.s32 $0xFFFE7900  }
0x1b: {  	_ =	swait.ge [sflag:s19], $0x4000  }
0x1c: {  	[sflag:s19] =	ssyncset.done $0x0  }
0x1d: {  	s24 =	simm.s32 $0x0;
	[sflag:s19] =	ssyncadd.s32 $0xFFFFC000  }
0x1e: {  	v14 =	vld [tilespmem:s24+$0x18700]  }
0x1f: {  	v0 =	vld [tilespmem:s24+$0x18710]  }
0x20: {  	v1 =	vld [tilespmem:s24+$0x18720]  }
0x21: {  	v2 =	vld [tilespmem:s24+$0x18730]  }
0x22: {  	v3 =	vld [tilespmem:s24+$0x18740]  }
0x23: {  	v4 =	vld [tilespmem:s24+$0x18750]  }
0x24: {  	v5 =	vld [tilespmem:s24+$0x18760]  }
0x25: {  	v7 =	vld [tilespmem:s24+$0x18770]  }
0x26: {  	v9 =	vld [tilespmem:s24+$0x18780]  }
0x27: {  	v6 =	vld [tilespmem:s24+$0x18790]  }
0x28: {  	v8 =	vld [tilespmem:s24+$0x187A0]  }
0x29: {  	v10 =	vld [tilespmem:s24+$0x187B0]  }
0x2a: {  	v11 =	vld [tilespmem:s24+$0x187C0]  }
0x2b: {  	v12 =	vld [tilespmem:s24+$0x187D0]  }
0x2c: {  	v13 =	vld [tilespmem:s24+$0x187E0]  }
0x2d: {  	v15 =	vld [tilespmem:s24+$0x187F0]  }
0x2e: {  	s25 =	simm.s32 $0x400;
	v14 =	vld.idx.msk [tilespmem:v14+s3+$0x0], $0xffff  }
.LBB2_2:
0x2f: {  	p0 =	sne.s32 s25, $0x3C00;
	v16 =	vld.idx.msk [tilespmem:v0+s3+$0x0], $0xffff  }
0x30: {  	v17 =	vld.idx.msk [tilespmem:v1+s3+$0x0], $0xffff  }
0x31: {  	v18 =	vld.idx.msk [tilespmem:v2+s3+$0x0], $0xffff  }
0x32: {  	v19 =	vld.idx.msk [tilespmem:v3+s3+$0x0], $0xffff  }
0x33: {  	v20 =	vld.idx.msk [tilespmem:v4+s3+$0x0], $0xffff  }
0x34: {  	v21 =	vld.idx.msk [tilespmem:v5+s3+$0x0], $0xffff  }
0x35: {  	v22 =	vld.idx.msk [tilespmem:v7+s3+$0x0], $0xffff  }
0x36: {  	v23 =	vld.idx.msk [tilespmem:v9+s3+$0x0], $0xffff  }
0x37: {  	v0 =	vld.idx.msk [tilespmem:v15+s3+$0x0], $0xffff  }
0x38: {  	v15 =	vld.idx.msk [tilespmem:v6+s3+$0x0], $0xffff  }
0x39: {  	v24 =	vld.idx.msk [tilespmem:v8+s3+$0x0], $0xffff  }
0x3a: {  	v25 =	vld.idx.msk [tilespmem:v10+s3+$0x0], $0xffff  }
0x3b: {  	v26 =	vld.idx.msk [tilespmem:v11+s3+$0x0], $0xffff  }
0x3c: {  	v27 =	vld.idx.msk [tilespmem:v12+s3+$0x0], $0xffff  }
0x3d: {  	s26 =	sshra.s32 s25, $0x2;
	v28 =	vld.idx.msk [tilespmem:v13+s3+$0x0], $0xffff;
	[tilespmem:s24+$0x1C7F0] =	vst v0  }
0x3e: {  	v29 =	vld [tilespmem:s26+$0x18700];
	[tilespmem:s24+$0x1C700] =	vst v14  }
0x3f: {  	v0 =	vld [tilespmem:s26+$0x18710];
	[tilespmem:s24+$0x1C710] =	vst v16  }
0x40: {  	v1 =	vld [tilespmem:s26+$0x18720];
	[tilespmem:s24+$0x1C720] =	vst v17  }
0x41: {  	v2 =	vld [tilespmem:s26+$0x18730];
	[tilespmem:s24+$0x1C730] =	vst v18  }
0x42: {  	v3 =	vld [tilespmem:s26+$0x18740];
	[tilespmem:s24+$0x1C740] =	vst v19  }
0x43: {  	v4 =	vld [tilespmem:s26+$0x18750];
	[tilespmem:s24+$0x1C750] =	vst v20  }
0x44: {  	v5 =	vld [tilespmem:s26+$0x18760];
	[tilespmem:s24+$0x1C760] =	vst v21  }
0x45: {  	v7 =	vld [tilespmem:s26+$0x18770];
	[tilespmem:s24+$0x1C770] =	vst v22  }
0x46: {  	v9 =	vld [tilespmem:s26+$0x18780];
	[tilespmem:s24+$0x1C780] =	vst v23  }
0x47: {  	v6 =	vld [tilespmem:s26+$0x18790];
	[tilespmem:s24+$0x1C790] =	vst v15  }
0x48: {  	v8 =	vld [tilespmem:s26+$0x187A0];
	[tilespmem:s24+$0x1C7A0] =	vst v24  }
0x49: {  	v10 =	vld [tilespmem:s26+$0x187B0];
	[tilespmem:s24+$0x1C7B0] =	vst v25  }
.Ltmp0:
0x4a: {  	v11 =	vld [tilespmem:s26+$0x187C0];
	[tilespmem:s24+$0x1C7C0] =	vst v26;
	(pc) =	sbr.rel @p0 .LBB2_2-.Ltmp0, $4  }
0x4b: {  	v12 =	vld [tilespmem:s26+$0x187D0];
	[tilespmem:s24+$0x1C7D0] =	vst v27  }
0x4c: {  	v13 =	vld [tilespmem:s26+$0x187E0];
	[tilespmem:s24+$0x1C7E0] =	vst v28;
	s24 =	smov.u32 s26  }
0x4d: {  	v15 =	vld [tilespmem:s24+$0x187F0]  }
0x4e: {  	s25 =	sadd.s32 $0x400, s25;
	v14 =	vld.idx.msk [tilespmem:v29+s3+$0x0], $0xffff  }
0x4f: {  	_ =	sdelay $0x3  }
0x50: {  	v0 =	vld.idx.msk [tilespmem:v0+s3+$0x0], $0xffff  }
0x51: {  	v1 =	vld.idx.msk [tilespmem:v1+s3+$0x0], $0xffff  }
0x52: {  	v2 =	vld.idx.msk [tilespmem:v2+s3+$0x0], $0xffff  }
0x53: {  	v3 =	vld.idx.msk [tilespmem:v3+s3+$0x0], $0xffff  }
0x54: {  	v4 =	vld.idx.msk [tilespmem:v4+s3+$0x0], $0xffff  }
0x55: {  	v5 =	vld.idx.msk [tilespmem:v5+s3+$0x0], $0xffff  }
0x56: {  	v7 =	vld.idx.msk [tilespmem:v7+s3+$0x0], $0xffff  }
0x57: {  	v9 =	vld.idx.msk [tilespmem:v9+s3+$0x0], $0xffff  }
0x58: {  	v6 =	vld.idx.msk [tilespmem:v6+s3+$0x0], $0xffff  }
0x59: {  	v8 =	vld.idx.msk [tilespmem:v8+s3+$0x0], $0xffff  }
0x5a: {  	v10 =	vld.idx.msk [tilespmem:v10+s3+$0x0], $0xffff  }
0x5b: {  	v11 =	vld.idx.msk [tilespmem:v11+s3+$0x0], $0xffff  }
0x5c: {  	v12 =	vld.idx.msk [tilespmem:v12+s3+$0x0], $0xffff  }
0x5d: {  	v13 =	vld.idx.msk [tilespmem:v13+s3+$0x0], $0xffff  }
0x5e: {  	v15 =	vld.idx.msk [tilespmem:v15+s3+$0x0], $0xffff;
	[tilespmem:s24+$0x1C700] =	vst v14  }
0x5f: {  	[tilespmem:s24+$0x1C710] =	vst v0  }
0x60: {  	[tilespmem:s24+$0x1C720] =	vst v1  }
0x61: {  	[tilespmem:s24+$0x1C730] =	vst v2  }
0x62: {  	[tilespmem:s24+$0x1C740] =	vst v3  }
0x63: {  	[tilespmem:s24+$0x1C750] =	vst v4  }
0x64: {  	[tilespmem:s24+$0x1C760] =	vst v5  }
0x65: {  	[tilespmem:s24+$0x1C770] =	vst v7  }
0x66: {  	[tilespmem:s24+$0x1C780] =	vst v9  }
0x67: {  	[tilespmem:s24+$0x1C790] =	vst v6  }
0x68: {  	[tilespmem:s24+$0x1C7A0] =	vst v8  }
0x69: {  	[tilespmem:s24+$0x1C7B0] =	vst v10  }
0x6a: {  	[tilespmem:s24+$0x1C7C0] =	vst v11  }
0x6b: {  	[tilespmem:s24+$0x1C7D0] =	vst v12  }
0x6c: {  	[tilespmem:s24+$0x1C7E0] =	vst v13  }
0x6d: {  	[tilespmem:s24+$0x1C7F0] =	vst v15;
	s24 =	simm.s32 $0x0  }
0x6e: {  	[hbm4b:s5+s15] =	stream.strided.scatter [tilespmem:s20], [sflag:$0x3], $0x1000, s16, s15, $0x38;
	[tilespmem:$0x1E700] =	vst v63  }
0x6f: {  	v14 =	vld [tilespmem:s24+$0x19700]  }
0x70: {  	v0 =	vld [tilespmem:s24+$0x19710]  }
0x71: {  	v1 =	vld [tilespmem:s24+$0x19720]  }
0x72: {  	v2 =	vld [tilespmem:s24+$0x19730]  }
0x73: {  	v3 =	vld [tilespmem:s24+$0x19740]  }
0x74: {  	v4 =	vld [tilespmem:s24+$0x19750]  }
0x75: {  	v5 =	vld [tilespmem:s24+$0x19760]  }
0x76: {  	v7 =	vld [tilespmem:s24+$0x19770]  }
0x77: {  	v9 =	vld [tilespmem:s24+$0x19780]  }
0x78: {  	v6 =	vld [tilespmem:s24+$0x19790]  }
0x79: {  	v8 =	vld [tilespmem:s24+$0x197A0]  }
0x7a: {  	v10 =	vld [tilespmem:s24+$0x197B0]  }
0x7b: {  	v11 =	vld [tilespmem:s24+$0x197C0]  }
0x7c: {  	v12 =	vld [tilespmem:s24+$0x197D0]  }
0x7d: {  	v13 =	vld [tilespmem:s24+$0x197E0]  }
0x7e: {  	v15 =	vld [tilespmem:s24+$0x197F0]  }
0x7f: {  	s25 =	simm.s32 $0x400;
	v14 =	vld.idx.msk [tilespmem:v14+s3+$0x0], $0xffff  }
.LBB2_4:
0x80: {  	p0 =	sne.s32 s25, $0x3C00;
	v16 =	vld.idx.msk [tilespmem:v0+s3+$0x0], $0xffff  }
0x81: {  	v17 =	vld.idx.msk [tilespmem:v1+s3+$0x0], $0xffff  }
0x82: {  	v18 =	vld.idx.msk [tilespmem:v2+s3+$0x0], $0xffff  }
0x83: {  	v19 =	vld.idx.msk [tilespmem:v3+s3+$0x0], $0xffff  }
0x84: {  	v20 =	vld.idx.msk [tilespmem:v4+s3+$0x0], $0xffff  }
0x85: {  	v21 =	vld.idx.msk [tilespmem:v5+s3+$0x0], $0xffff  }
0x86: {  	v22 =	vld.idx.msk [tilespmem:v7+s3+$0x0], $0xffff  }
0x87: {  	v23 =	vld.idx.msk [tilespmem:v9+s3+$0x0], $0xffff  }
0x88: {  	v0 =	vld.idx.msk [tilespmem:v15+s3+$0x0], $0xffff  }
0x89: {  	v15 =	vld.idx.msk [tilespmem:v6+s3+$0x0], $0xffff  }
0x8a: {  	v24 =	vld.idx.msk [tilespmem:v8+s3+$0x0], $0xffff  }
0x8b: {  	v25 =	vld.idx.msk [tilespmem:v10+s3+$0x0], $0xffff  }
0x8c: {  	v26 =	vld.idx.msk [tilespmem:v11+s3+$0x0], $0xffff  }
0x8d: {  	v27 =	vld.idx.msk [tilespmem:v12+s3+$0x0], $0xffff  }
0x8e: {  	s26 =	sshra.s32 s25, $0x2;
	v28 =	vld.idx.msk [tilespmem:v13+s3+$0x0], $0xffff;
	[tilespmem:s24+$0x1D7F0] =	vst v0  }
0x8f: {  	v29 =	vld [tilespmem:s26+$0x19700];
	[tilespmem:s24+$0x1D700] =	vst v14  }
0x90: {  	v0 =	vld [tilespmem:s26+$0x19710];
	[tilespmem:s24+$0x1D710] =	vst v16  }
0x91: {  	v1 =	vld [tilespmem:s26+$0x19720];
	[tilespmem:s24+$0x1D720] =	vst v17  }
0x92: {  	v2 =	vld [tilespmem:s26+$0x19730];
	[tilespmem:s24+$0x1D730] =	vst v18  }
0x93: {  	v3 =	vld [tilespmem:s26+$0x19740];
	[tilespmem:s24+$0x1D740] =	vst v19  }
0x94: {  	v4 =	vld [tilespmem:s26+$0x19750];
	[tilespmem:s24+$0x1D750] =	vst v20  }
0x95: {  	v5 =	vld [tilespmem:s26+$0x19760];
	[tilespmem:s24+$0x1D760] =	vst v21  }
0x96: {  	v7 =	vld [tilespmem:s26+$0x19770];
	[tilespmem:s24+$0x1D770] =	vst v22  }
0x97: {  	v9 =	vld [tilespmem:s26+$0x19780];
	[tilespmem:s24+$0x1D780] =	vst v23  }
0x98: {  	v6 =	vld [tilespmem:s26+$0x19790];
	[tilespmem:s24+$0x1D790] =	vst v15  }
0x99: {  	v8 =	vld [tilespmem:s26+$0x197A0];
	[tilespmem:s24+$0x1D7A0] =	vst v24  }
0x9a: {  	v10 =	vld [tilespmem:s26+$0x197B0];
	[tilespmem:s24+$0x1D7B0] =	vst v25  }
.Ltmp1:
0x9b: {  	v11 =	vld [tilespmem:s26+$0x197C0];
	[tilespmem:s24+$0x1D7C0] =	vst v26;
	(pc) =	sbr.rel @p0 .LBB2_4-.Ltmp1, $4  }
0x9c: {  	v12 =	vld [tilespmem:s26+$0x197D0];
	[tilespmem:s24+$0x1D7D0] =	vst v27  }
0x9d: {  	v13 =	vld [tilespmem:s26+$0x197E0];
	[tilespmem:s24+$0x1D7E0] =	vst v28;
	s24 =	smov.u32 s26  }
0x9e: {  	v15 =	vld [tilespmem:s24+$0x197F0]  }
0x9f: {  	s25 =	sadd.s32 $0x400, s25;
	v14 =	vld.idx.msk [tilespmem:v29+s3+$0x0], $0xffff  }
0xa0: {  	_ =	sdelay $0x3  }
0xa1: {  	v0 =	vld.idx.msk [tilespmem:v0+s3+$0x0], $0xffff  }
0xa2: {  	v1 =	vld.idx.msk [tilespmem:v1+s3+$0x0], $0xffff  }
0xa3: {  	v2 =	vld.idx.msk [tilespmem:v2+s3+$0x0], $0xffff  }
0xa4: {  	v3 =	vld.idx.msk [tilespmem:v3+s3+$0x0], $0xffff  }
0xa5: {  	v4 =	vld.idx.msk [tilespmem:v4+s3+$0x0], $0xffff  }
0xa6: {  	v5 =	vld.idx.msk [tilespmem:v5+s3+$0x0], $0xffff  }
0xa7: {  	v7 =	vld.idx.msk [tilespmem:v7+s3+$0x0], $0xffff  }
0xa8: {  	v9 =	vld.idx.msk [tilespmem:v9+s3+$0x0], $0xffff  }
0xa9: {  	v6 =	vld.idx.msk [tilespmem:v6+s3+$0x0], $0xffff  }
0xaa: {  	v8 =	vld.idx.msk [tilespmem:v8+s3+$0x0], $0xffff  }
0xab: {  	v10 =	vld.idx.msk [tilespmem:v10+s3+$0x0], $0xffff  }
0xac: {  	v11 =	vld.idx.msk [tilespmem:v11+s3+$0x0], $0xffff  }
0xad: {  	v12 =	vld.idx.msk [tilespmem:v12+s3+$0x0], $0xffff  }
0xae: {  	v13 =	vld.idx.msk [tilespmem:v13+s3+$0x0], $0xffff  }
0xaf: {  	v15 =	vld.idx.msk [tilespmem:v15+s3+$0x0], $0xffff;
	[tilespmem:s24+$0x1D700] =	vst v14  }
0xb0: {  	[tilespmem:s24+$0x1D710] =	vst v0  }
0xb1: {  	[tilespmem:s24+$0x1D720] =	vst v1  }
0xb2: {  	[tilespmem:s24+$0x1D730] =	vst v2  }
0xb3: {  	[tilespmem:s24+$0x1D740] =	vst v3  }
0xb4: {  	[tilespmem:s24+$0x1D750] =	vst v4  }
0xb5: {  	[tilespmem:s24+$0x1D760] =	vst v5  }
0xb6: {  	[tilespmem:s24+$0x1D770] =	vst v7  }
0xb7: {  	[tilespmem:s24+$0x1D780] =	vst v9  }
0xb8: {  	[tilespmem:s24+$0x1D790] =	vst v6  }
0xb9: {  	[tilespmem:s24+$0x1D7A0] =	vst v8  }
0xba: {  	[tilespmem:s24+$0x1D7B0] =	vst v10  }
0xbb: {  	[tilespmem:s24+$0x1D7C0] =	vst v11  }
0xbc: {  	[tilespmem:s24+$0x1D7D0] =	vst v12  }
0xbd: {  	[tilespmem:s24+$0x1D7E0] =	vst v13  }
0xbe: {  	[tilespmem:s24+$0x1D7F0] =	vst v15  }
0xbf: {  	[hbm4b:s6+s15] =	stream.strided.scatter [tilespmem:s21], [sflag:$0x3], $0x1000, s16, s15, $0x38;
	[tilespmem:$0x1E700] =	vst v63  }
0xc0: {  	_ =	swait.ge [sflag:s22], $0x1000  }
0xc1: {  	[sflag:s22] =	ssyncset.done $0x0  }
0xc2: {  	s24 =	simm.s32 $0x0;
	[sflag:s22] =	ssyncadd.s32 $0xFFFFF000  }
0xc3: {  	v14 =	vld [tilespmem:s24+$0x1A700]  }
0xc4: {  	v0 =	vld [tilespmem:s24+$0x1A710]  }
0xc5: {  	v1 =	vld [tilespmem:s24+$0x1A720]  }
0xc6: {  	v2 =	vld [tilespmem:s24+$0x1A730]  }
0xc7: {  	v3 =	vld [tilespmem:s24+$0x1A740]  }
0xc8: {  	v4 =	vld [tilespmem:s24+$0x1A750]  }
0xc9: {  	v5 =	vld [tilespmem:s24+$0x1A760]  }
0xca: {  	v7 =	vld [tilespmem:s24+$0x1A770]  }
0xcb: {  	v9 =	vld [tilespmem:s24+$0x1A780]  }
0xcc: {  	v6 =	vld [tilespmem:s24+$0x1A790]  }
0xcd: {  	v8 =	vld [tilespmem:s24+$0x1A7A0]  }
0xce: {  	v10 =	vld [tilespmem:s24+$0x1A7B0]  }
0xcf: {  	v11 =	vld [tilespmem:s24+$0x1A7C0]  }
0xd0: {  	v12 =	vld [tilespmem:s24+$0x1A7D0]  }
0xd1: {  	v13 =	vld [tilespmem:s24+$0x1A7E0]  }
0xd2: {  	v15 =	vld [tilespmem:s24+$0x1A7F0]  }
0xd3: {  	s25 =	simm.s32 $0x400;
	v14 =	vld.idx.msk [tilespmem:v14+s3+$0x0], $0xffff  }
.LBB2_6:
0xd4: {  	p0 =	sne.s32 s25, $0x3C00;
	v16 =	vld.idx.msk [tilespmem:v0+s3+$0x0], $0xffff  }
0xd5: {  	v17 =	vld.idx.msk [tilespmem:v1+s3+$0x0], $0xffff  }
0xd6: {  	v18 =	vld.idx.msk [tilespmem:v2+s3+$0x0], $0xffff  }
0xd7: {  	v19 =	vld.idx.msk [tilespmem:v3+s3+$0x0], $0xffff  }
0xd8: {  	v20 =	vld.idx.msk [tilespmem:v4+s3+$0x0], $0xffff  }
0xd9: {  	v21 =	vld.idx.msk [tilespmem:v5+s3+$0x0], $0xffff  }
0xda: {  	v22 =	vld.idx.msk [tilespmem:v7+s3+$0x0], $0xffff  }
0xdb: {  	v23 =	vld.idx.msk [tilespmem:v9+s3+$0x0], $0xffff  }
0xdc: {  	v0 =	vld.idx.msk [tilespmem:v15+s3+$0x0], $0xffff  }
0xdd: {  	v15 =	vld.idx.msk [tilespmem:v6+s3+$0x0], $0xffff  }
0xde: {  	v24 =	vld.idx.msk [tilespmem:v8+s3+$0x0], $0xffff  }
0xdf: {  	v25 =	vld.idx.msk [tilespmem:v10+s3+$0x0], $0xffff  }
0xe0: {  	v26 =	vld.idx.msk [tilespmem:v11+s3+$0x0], $0xffff  }
0xe1: {  	v27 =	vld.idx.msk [tilespmem:v12+s3+$0x0], $0xffff  }
0xe2: {  	s26 =	sshra.s32 s25, $0x2;
	v28 =	vld.idx.msk [tilespmem:v13+s3+$0x0], $0xffff;
	[tilespmem:s24+$0x1C7F0] =	vst v0  }
0xe3: {  	v29 =	vld [tilespmem:s26+$0x1A700];
	[tilespmem:s24+$0x1C700] =	vst v14  }
0xe4: {  	v0 =	vld [tilespmem:s26+$0x1A710];
	[tilespmem:s24+$0x1C710] =	vst v16  }
0xe5: {  	v1 =	vld [tilespmem:s26+$0x1A720];
	[tilespmem:s24+$0x1C720] =	vst v17  }
0xe6: {  	v2 =	vld [tilespmem:s26+$0x1A730];
	[tilespmem:s24+$0x1C730] =	vst v18  }
0xe7: {  	v3 =	vld [tilespmem:s26+$0x1A740];
	[tilespmem:s24+$0x1C740] =	vst v19  }
0xe8: {  	v4 =	vld [tilespmem:s26+$0x1A750];
	[tilespmem:s24+$0x1C750] =	vst v20  }
0xe9: {  	v5 =	vld [tilespmem:s26+$0x1A760];
	[tilespmem:s24+$0x1C760] =	vst v21  }
0xea: {  	v7 =	vld [tilespmem:s26+$0x1A770];
	[tilespmem:s24+$0x1C770] =	vst v22  }
0xeb: {  	v9 =	vld [tilespmem:s26+$0x1A780];
	[tilespmem:s24+$0x1C780] =	vst v23  }
0xec: {  	v6 =	vld [tilespmem:s26+$0x1A790];
	[tilespmem:s24+$0x1C790] =	vst v15  }
0xed: {  	v8 =	vld [tilespmem:s26+$0x1A7A0];
	[tilespmem:s24+$0x1C7A0] =	vst v24  }
0xee: {  	v10 =	vld [tilespmem:s26+$0x1A7B0];
	[tilespmem:s24+$0x1C7B0] =	vst v25  }
.Ltmp2:
0xef: {  	v11 =	vld [tilespmem:s26+$0x1A7C0];
	[tilespmem:s24+$0x1C7C0] =	vst v26;
	(pc) =	sbr.rel @p0 .LBB2_6-.Ltmp2, $4  }
0xf0: {  	v12 =	vld [tilespmem:s26+$0x1A7D0];
	[tilespmem:s24+$0x1C7D0] =	vst v27  }
0xf1: {  	v13 =	vld [tilespmem:s26+$0x1A7E0];
	[tilespmem:s24+$0x1C7E0] =	vst v28;
	s24 =	smov.u32 s26  }
0xf2: {  	v15 =	vld [tilespmem:s24+$0x1A7F0]  }
0xf3: {  	s25 =	sadd.s32 $0x400, s25;
	v14 =	vld.idx.msk [tilespmem:v29+s3+$0x0], $0xffff  }
0xf4: {  	_ =	sdelay $0x3  }
0xf5: {  	v0 =	vld.idx.msk [tilespmem:v0+s3+$0x0], $0xffff  }
0xf6: {  	v1 =	vld.idx.msk [tilespmem:v1+s3+$0x0], $0xffff  }
0xf7: {  	v2 =	vld.idx.msk [tilespmem:v2+s3+$0x0], $0xffff  }
0xf8: {  	v3 =	vld.idx.msk [tilespmem:v3+s3+$0x0], $0xffff  }
0xf9: {  	v4 =	vld.idx.msk [tilespmem:v4+s3+$0x0], $0xffff  }
0xfa: {  	v5 =	vld.idx.msk [tilespmem:v5+s3+$0x0], $0xffff  }
0xfb: {  	v7 =	vld.idx.msk [tilespmem:v7+s3+$0x0], $0xffff  }
0xfc: {  	v9 =	vld.idx.msk [tilespmem:v9+s3+$0x0], $0xffff  }
0xfd: {  	v6 =	vld.idx.msk [tilespmem:v6+s3+$0x0], $0xffff  }
0xfe: {  	v8 =	vld.idx.msk [tilespmem:v8+s3+$0x0], $0xffff  }
0xff: {  	v10 =	vld.idx.msk [tilespmem:v10+s3+$0x0], $0xffff  }
0x100: {  	v11 =	vld.idx.msk [tilespmem:v11+s3+$0x0], $0xffff  }
0x101: {  	v12 =	vld.idx.msk [tilespmem:v12+s3+$0x0], $0xffff  }
0x102: {  	v13 =	vld.idx.msk [tilespmem:v13+s3+$0x0], $0xffff  }
0x103: {  	v15 =	vld.idx.msk [tilespmem:v15+s3+$0x0], $0xffff;
	[tilespmem:s24+$0x1C700] =	vst v14  }
0x104: {  	[tilespmem:s24+$0x1C710] =	vst v0  }
0x105: {  	[tilespmem:s24+$0x1C720] =	vst v1  }
0x106: {  	[tilespmem:s24+$0x1C730] =	vst v2  }
0x107: {  	[tilespmem:s24+$0x1C740] =	vst v3  }
0x108: {  	[tilespmem:s24+$0x1C750] =	vst v4  }
0x109: {  	[tilespmem:s24+$0x1C760] =	vst v5  }
0x10a: {  	[tilespmem:s24+$0x1C770] =	vst v7  }
0x10b: {  	[tilespmem:s24+$0x1C780] =	vst v9  }
0x10c: {  	[tilespmem:s24+$0x1C790] =	vst v6  }
0x10d: {  	[tilespmem:s24+$0x1C7A0] =	vst v8  }
0x10e: {  	[tilespmem:s24+$0x1C7B0] =	vst v10  }
0x10f: {  	[tilespmem:s24+$0x1C7C0] =	vst v11  }
0x110: {  	[tilespmem:s24+$0x1C7D0] =	vst v12  }
0x111: {  	[tilespmem:s24+$0x1C7E0] =	vst v13  }
0x112: {  	[tilespmem:s24+$0x1C7F0] =	vst v15  }
0x113: {  	[hbm4b:s7+s15] =	stream.strided.scatter [tilespmem:s20], [sflag:$0x3], $0x1000, s16, s15, $0x38;
	[tilespmem:$0x1E700] =	vst v63  }
0x114: {  	_ =	swait.ge [sflag:s22], $0x1000  }
0x115: {  	[sflag:s22] =	ssyncset.done $0x0  }
0x116: {  	s24 =	simm.s32 $0x0;
	[sflag:s22] =	ssyncadd.s32 $0xFFFFF000  }
0x117: {  	v14 =	vld [tilespmem:s24+$0x1B700]  }
0x118: {  	v0 =	vld [tilespmem:s24+$0x1B710]  }
0x119: {  	v1 =	vld [tilespmem:s24+$0x1B720]  }
0x11a: {  	v2 =	vld [tilespmem:s24+$0x1B730]  }
0x11b: {  	v3 =	vld [tilespmem:s24+$0x1B740]  }
0x11c: {  	v4 =	vld [tilespmem:s24+$0x1B750]  }
0x11d: {  	v5 =	vld [tilespmem:s24+$0x1B760]  }
0x11e: {  	v7 =	vld [tilespmem:s24+$0x1B770]  }
0x11f: {  	v9 =	vld [tilespmem:s24+$0x1B780]  }
0x120: {  	v6 =	vld [tilespmem:s24+$0x1B790]  }
0x121: {  	v8 =	vld [tilespmem:s24+$0x1B7A0]  }
0x122: {  	v10 =	vld [tilespmem:s24+$0x1B7B0]  }
0x123: {  	v11 =	vld [tilespmem:s24+$0x1B7C0]  }
0x124: {  	v12 =	vld [tilespmem:s24+$0x1B7D0]  }
0x125: {  	v13 =	vld [tilespmem:s24+$0x1B7E0]  }
0x126: {  	v15 =	vld [tilespmem:s24+$0x1B7F0]  }
0x127: {  	s25 =	simm.s32 $0x400;
	v14 =	vld.idx.msk [tilespmem:v14+s3+$0x0], $0xffff  }
.LBB2_8:
0x128: {  	p0 =	sne.s32 s25, $0x3C00;
	v16 =	vld.idx.msk [tilespmem:v0+s3+$0x0], $0xffff  }
0x129: {  	v17 =	vld.idx.msk [tilespmem:v1+s3+$0x0], $0xffff  }
0x12a: {  	v18 =	vld.idx.msk [tilespmem:v2+s3+$0x0], $0xffff  }
0x12b: {  	v19 =	vld.idx.msk [tilespmem:v3+s3+$0x0], $0xffff  }
0x12c: {  	v20 =	vld.idx.msk [tilespmem:v4+s3+$0x0], $0xffff  }
0x12d: {  	v21 =	vld.idx.msk [tilespmem:v5+s3+$0x0], $0xffff  }
0x12e: {  	v22 =	vld.idx.msk [tilespmem:v7+s3+$0x0], $0xffff  }
0x12f: {  	v23 =	vld.idx.msk [tilespmem:v9+s3+$0x0], $0xffff  }
0x130: {  	v0 =	vld.idx.msk [tilespmem:v15+s3+$0x0], $0xffff  }
0x131: {  	v15 =	vld.idx.msk [tilespmem:v6+s3+$0x0], $0xffff  }
0x132: {  	v24 =	vld.idx.msk [tilespmem:v8+s3+$0x0], $0xffff  }
0x133: {  	v25 =	vld.idx.msk [tilespmem:v10+s3+$0x0], $0xffff  }
0x134: {  	v26 =	vld.idx.msk [tilespmem:v11+s3+$0x0], $0xffff  }
0x135: {  	v27 =	vld.idx.msk [tilespmem:v12+s3+$0x0], $0xffff  }
0x136: {  	s26 =	sshra.s32 s25, $0x2;
	v28 =	vld.idx.msk [tilespmem:v13+s3+$0x0], $0xffff;
	[tilespmem:s24+$0x1D7F0] =	vst v0  }
0x137: {  	v29 =	vld [tilespmem:s26+$0x1B700];
	[tilespmem:s24+$0x1D700] =	vst v14  }
0x138: {  	v0 =	vld [tilespmem:s26+$0x1B710];
	[tilespmem:s24+$0x1D710] =	vst v16  }
0x139: {  	v1 =	vld [tilespmem:s26+$0x1B720];
	[tilespmem:s24+$0x1D720] =	vst v17  }
0x13a: {  	v2 =	vld [tilespmem:s26+$0x1B730];
	[tilespmem:s24+$0x1D730] =	vst v18  }
0x13b: {  	v3 =	vld [tilespmem:s26+$0x1B740];
	[tilespmem:s24+$0x1D740] =	vst v19  }
0x13c: {  	v4 =	vld [tilespmem:s26+$0x1B750];
	[tilespmem:s24+$0x1D750] =	vst v20  }
0x13d: {  	v5 =	vld [tilespmem:s26+$0x1B760];
	[tilespmem:s24+$0x1D760] =	vst v21  }
0x13e: {  	v7 =	vld [tilespmem:s26+$0x1B770];
	[tilespmem:s24+$0x1D770] =	vst v22  }
0x13f: {  	v9 =	vld [tilespmem:s26+$0x1B780];
	[tilespmem:s24+$0x1D780] =	vst v23  }
0x140: {  	v6 =	vld [tilespmem:s26+$0x1B790];
	[tilespmem:s24+$0x1D790] =	vst v15  }
0x141: {  	v8 =	vld [tilespmem:s26+$0x1B7A0];
	[tilespmem:s24+$0x1D7A0] =	vst v24  }
0x142: {  	v10 =	vld [tilespmem:s26+$0x1B7B0];
	[tilespmem:s24+$0x1D7B0] =	vst v25  }
.Ltmp3:
0x143: {  	v11 =	vld [tilespmem:s26+$0x1B7C0];
	[tilespmem:s24+$0x1D7C0] =	vst v26;
	(pc) =	sbr.rel @p0 .LBB2_8-.Ltmp3, $4  }
0x144: {  	v12 =	vld [tilespmem:s26+$0x1B7D0];
	[tilespmem:s24+$0x1D7D0] =	vst v27  }
0x145: {  	v13 =	vld [tilespmem:s26+$0x1B7E0];
	[tilespmem:s24+$0x1D7E0] =	vst v28;
	s24 =	smov.u32 s26  }
0x146: {  	v15 =	vld [tilespmem:s24+$0x1B7F0]  }
0x147: {  	s25 =	sadd.s32 $0x400, s25;
	v14 =	vld.idx.msk [tilespmem:v29+s3+$0x0], $0xffff  }
0x148: {  	_ =	sdelay $0x3  }
0x149: {  	v0 =	vld.idx.msk [tilespmem:v0+s3+$0x0], $0xffff  }
0x14a: {  	v1 =	vld.idx.msk [tilespmem:v1+s3+$0x0], $0xffff  }
0x14b: {  	v2 =	vld.idx.msk [tilespmem:v2+s3+$0x0], $0xffff  }
0x14c: {  	v3 =	vld.idx.msk [tilespmem:v3+s3+$0x0], $0xffff  }
0x14d: {  	v4 =	vld.idx.msk [tilespmem:v4+s3+$0x0], $0xffff  }
0x14e: {  	v5 =	vld.idx.msk [tilespmem:v5+s3+$0x0], $0xffff  }
0x14f: {  	v7 =	vld.idx.msk [tilespmem:v7+s3+$0x0], $0xffff  }
0x150: {  	v9 =	vld.idx.msk [tilespmem:v9+s3+$0x0], $0xffff  }
0x151: {  	v6 =	vld.idx.msk [tilespmem:v6+s3+$0x0], $0xffff  }
0x152: {  	v8 =	vld.idx.msk [tilespmem:v8+s3+$0x0], $0xffff  }
0x153: {  	v10 =	vld.idx.msk [tilespmem:v10+s3+$0x0], $0xffff  }
0x154: {  	v11 =	vld.idx.msk [tilespmem:v11+s3+$0x0], $0xffff  }
0x155: {  	v12 =	vld.idx.msk [tilespmem:v12+s3+$0x0], $0xffff  }
0x156: {  	v13 =	vld.idx.msk [tilespmem:v13+s3+$0x0], $0xffff  }
0x157: {  	v15 =	vld.idx.msk [tilespmem:v15+s3+$0x0], $0xffff;
	[tilespmem:s24+$0x1D700] =	vst v14  }
0x158: {  	[tilespmem:s24+$0x1D710] =	vst v0  }
0x159: {  	[tilespmem:s24+$0x1D720] =	vst v1  }
0x15a: {  	[tilespmem:s24+$0x1D730] =	vst v2  }
0x15b: {  	[tilespmem:s24+$0x1D740] =	vst v3  }
0x15c: {  	[tilespmem:s24+$0x1D750] =	vst v4  }
0x15d: {  	[tilespmem:s24+$0x1D760] =	vst v5  }
0x15e: {  	[tilespmem:s24+$0x1D770] =	vst v7  }
0x15f: {  	[tilespmem:s24+$0x1D780] =	vst v9  }
0x160: {  	[tilespmem:s24+$0x1D790] =	vst v6  }
0x161: {  	[tilespmem:s24+$0x1D7A0] =	vst v8  }
0x162: {  	[tilespmem:s24+$0x1D7B0] =	vst v10  }
0x163: {  	[tilespmem:s24+$0x1D7C0] =	vst v11  }
0x164: {  	[tilespmem:s24+$0x1D7D0] =	vst v12  }
0x165: {  	[tilespmem:s24+$0x1D7E0] =	vst v13  }
0x166: {  	s31 =	simm.s32 $0x0;
	[tilespmem:s24+$0x1D7F0] =	vst v15  }
0x167: {  	[tilespmem:s31], [sflag:$0x1] =	stream.strided.gather [hbm4b:s8+s15], $0x18700, s16, s15, $0x38;
	[tilespmem:$0x1E700] =	vst v63  }
0x168: {  	_ = 	snop  }
0x169: {  	[hbm4b:s9+s15] =	stream.strided.scatter [tilespmem:s21], [sflag:$0x3], $0x1000, s16, s15, $0x38;
	[tilespmem:$0x1E700] =	vst v63  }
0x16a: {  	_ =	swait.ge [sflag:s18], $0x18700  }
0x16b: {  	[sflag:s18] =	ssyncset.done $0x0  }
0x16c: {  	[sflag:s18] =	ssyncadd.s32 $0xFFFE7900  }
0x16d: {  	_ =	swait.ge [sflag:s22], $0x1000  }
0x16e: {  	[sflag:s22] =	ssyncset.done $0x0  }
0x16f: {  	s24 =	simm.s32 $0x0;
	[sflag:s22] =	ssyncadd.s32 $0xFFFFF000  }
0x170: {  	v14 =	vld [tilespmem:s24+$0x18700]  }
0x171: {  	v0 =	vld [tilespmem:s24+$0x18710]  }
0x172: {  	v1 =	vld [tilespmem:s24+$0x18720]  }
0x173: {  	v2 =	vld [tilespmem:s24+$0x18730]  }
0x174: {  	v3 =	vld [tilespmem:s24+$0x18740]  }
0x175: {  	v4 =	vld [tilespmem:s24+$0x18750]  }
0x176: {  	v5 =	vld [tilespmem:s24+$0x18760]  }
0x177: {  	v7 =	vld [tilespmem:s24+$0x18770]  }
0x178: {  	v9 =	vld [tilespmem:s24+$0x18780]  }
0x179: {  	v6 =	vld [tilespmem:s24+$0x18790]  }
0x17a: {  	v8 =	vld [tilespmem:s24+$0x187A0]  }
0x17b: {  	v10 =	vld [tilespmem:s24+$0x187B0]  }
0x17c: {  	v11 =	vld [tilespmem:s24+$0x187C0]  }
0x17d: {  	v12 =	vld [tilespmem:s24+$0x187D0]  }
0x17e: {  	v13 =	vld [tilespmem:s24+$0x187E0]  }
0x17f: {  	v15 =	vld [tilespmem:s24+$0x187F0]  }
0x180: {  	s25 =	simm.s32 $0x400;
	v14 =	vld.idx.msk [tilespmem:v14+s3+$0x0], $0xffff  }
.LBB2_10:
0x181: {  	p0 =	sne.s32 s25, $0x3C00;
	v16 =	vld.idx.msk [tilespmem:v0+s3+$0x0], $0xffff  }
0x182: {  	v17 =	vld.idx.msk [tilespmem:v1+s3+$0x0], $0xffff  }
0x183: {  	v18 =	vld.idx.msk [tilespmem:v2+s3+$0x0], $0xffff  }
0x184: {  	v19 =	vld.idx.msk [tilespmem:v3+s3+$0x0], $0xffff  }
0x185: {  	v20 =	vld.idx.msk [tilespmem:v4+s3+$0x0], $0xffff  }
0x186: {  	v21 =	vld.idx.msk [tilespmem:v5+s3+$0x0], $0xffff  }
0x187: {  	v22 =	vld.idx.msk [tilespmem:v7+s3+$0x0], $0xffff  }
0x188: {  	v23 =	vld.idx.msk [tilespmem:v9+s3+$0x0], $0xffff  }
0x189: {  	v0 =	vld.idx.msk [tilespmem:v15+s3+$0x0], $0xffff  }
0x18a: {  	v15 =	vld.idx.msk [tilespmem:v6+s3+$0x0], $0xffff  }
0x18b: {  	v24 =	vld.idx.msk [tilespmem:v8+s3+$0x0], $0xffff  }
0x18c: {  	v25 =	vld.idx.msk [tilespmem:v10+s3+$0x0], $0xffff  }
0x18d: {  	v26 =	vld.idx.msk [tilespmem:v11+s3+$0x0], $0xffff  }
0x18e: {  	v27 =	vld.idx.msk [tilespmem:v12+s3+$0x0], $0xffff  }
0x18f: {  	s26 =	sshra.s32 s25, $0x2;
	v28 =	vld.idx.msk [tilespmem:v13+s3+$0x0], $0xffff;
	[tilespmem:s24+$0x1C7F0] =	vst v0  }
0x190: {  	v29 =	vld [tilespmem:s26+$0x18700];
	[tilespmem:s24+$0x1C700] =	vst v14  }
0x191: {  	v0 =	vld [tilespmem:s26+$0x18710];
	[tilespmem:s24+$0x1C710] =	vst v16  }
0x192: {  	v1 =	vld [tilespmem:s26+$0x18720];
	[tilespmem:s24+$0x1C720] =	vst v17  }
0x193: {  	v2 =	vld [tilespmem:s26+$0x18730];
	[tilespmem:s24+$0x1C730] =	vst v18  }
0x194: {  	v3 =	vld [tilespmem:s26+$0x18740];
	[tilespmem:s24+$0x1C740] =	vst v19  }
0x195: {  	v4 =	vld [tilespmem:s26+$0x18750];
	[tilespmem:s24+$0x1C750] =	vst v20  }
0x196: {  	v5 =	vld [tilespmem:s26+$0x18760];
	[tilespmem:s24+$0x1C760] =	vst v21  }
0x197: {  	v7 =	vld [tilespmem:s26+$0x18770];
	[tilespmem:s24+$0x1C770] =	vst v22  }
0x198: {  	v9 =	vld [tilespmem:s26+$0x18780];
	[tilespmem:s24+$0x1C780] =	vst v23  }
0x199: {  	v6 =	vld [tilespmem:s26+$0x18790];
	[tilespmem:s24+$0x1C790] =	vst v15  }
0x19a: {  	v8 =	vld [tilespmem:s26+$0x187A0];
	[tilespmem:s24+$0x1C7A0] =	vst v24  }
0x19b: {  	v10 =	vld [tilespmem:s26+$0x187B0];
	[tilespmem:s24+$0x1C7B0] =	vst v25  }
.Ltmp4:
0x19c: {  	v11 =	vld [tilespmem:s26+$0x187C0];
	[tilespmem:s24+$0x1C7C0] =	vst v26;
	(pc) =	sbr.rel @p0 .LBB2_10-.Ltmp4, $4  }
0x19d: {  	v12 =	vld [tilespmem:s26+$0x187D0];
	[tilespmem:s24+$0x1C7D0] =	vst v27  }
0x19e: {  	v13 =	vld [tilespmem:s26+$0x187E0];
	[tilespmem:s24+$0x1C7E0] =	vst v28;
	s24 =	smov.u32 s26  }
0x19f: {  	v15 =	vld [tilespmem:s24+$0x187F0]  }
0x1a0: {  	s25 =	sadd.s32 $0x400, s25;
	v14 =	vld.idx.msk [tilespmem:v29+s3+$0x0], $0xffff  }
0x1a1: {  	_ =	sdelay $0x3  }
0x1a2: {  	v0 =	vld.idx.msk [tilespmem:v0+s3+$0x0], $0xffff  }
0x1a3: {  	v1 =	vld.idx.msk [tilespmem:v1+s3+$0x0], $0xffff  }
0x1a4: {  	v2 =	vld.idx.msk [tilespmem:v2+s3+$0x0], $0xffff  }
0x1a5: {  	v3 =	vld.idx.msk [tilespmem:v3+s3+$0x0], $0xffff  }
0x1a6: {  	v4 =	vld.idx.msk [tilespmem:v4+s3+$0x0], $0xffff  }
0x1a7: {  	v5 =	vld.idx.msk [tilespmem:v5+s3+$0x0], $0xffff  }
0x1a8: {  	v7 =	vld.idx.msk [tilespmem:v7+s3+$0x0], $0xffff  }
0x1a9: {  	v9 =	vld.idx.msk [tilespmem:v9+s3+$0x0], $0xffff  }
0x1aa: {  	v6 =	vld.idx.msk [tilespmem:v6+s3+$0x0], $0xffff  }
0x1ab: {  	v8 =	vld.idx.msk [tilespmem:v8+s3+$0x0], $0xffff  }
0x1ac: {  	v10 =	vld.idx.msk [tilespmem:v10+s3+$0x0], $0xffff  }
0x1ad: {  	v11 =	vld.idx.msk [tilespmem:v11+s3+$0x0], $0xffff  }
0x1ae: {  	v12 =	vld.idx.msk [tilespmem:v12+s3+$0x0], $0xffff  }
0x1af: {  	v13 =	vld.idx.msk [tilespmem:v13+s3+$0x0], $0xffff  }
0x1b0: {  	v15 =	vld.idx.msk [tilespmem:v15+s3+$0x0], $0xffff;
	[tilespmem:s24+$0x1C700] =	vst v14  }
0x1b1: {  	[tilespmem:s24+$0x1C710] =	vst v0  }
0x1b2: {  	[tilespmem:s24+$0x1C720] =	vst v1  }
0x1b3: {  	[tilespmem:s24+$0x1C730] =	vst v2  }
0x1b4: {  	[tilespmem:s24+$0x1C740] =	vst v3  }
0x1b5: {  	[tilespmem:s24+$0x1C750] =	vst v4  }
0x1b6: {  	[tilespmem:s24+$0x1C760] =	vst v5  }
0x1b7: {  	[tilespmem:s24+$0x1C770] =	vst v7  }
0x1b8: {  	[tilespmem:s24+$0x1C780] =	vst v9  }
0x1b9: {  	[tilespmem:s24+$0x1C790] =	vst v6  }
0x1ba: {  	[tilespmem:s24+$0x1C7A0] =	vst v8  }
0x1bb: {  	[tilespmem:s24+$0x1C7B0] =	vst v10  }
0x1bc: {  	[tilespmem:s24+$0x1C7C0] =	vst v11  }
0x1bd: {  	[tilespmem:s24+$0x1C7D0] =	vst v12  }
0x1be: {  	[tilespmem:s24+$0x1C7E0] =	vst v13  }
0x1bf: {  	[tilespmem:s24+$0x1C7F0] =	vst v15  }
0x1c0: {  	[hbm4b:s10+s15] =	stream.strided.scatter [tilespmem:s20], [sflag:$0x3], $0x1000, s16, s15, $0x38;
	[tilespmem:$0x1E700] =	vst v63  }
0x1c1: {  	_ =	swait.ge [sflag:s22], $0x1000  }
0x1c2: {  	[sflag:s22] =	ssyncset.done $0x0  }
0x1c3: {  	s24 =	simm.s32 $0x0;
	[sflag:s22] =	ssyncadd.s32 $0xFFFFF000  }
0x1c4: {  	v14 =	vld [tilespmem:s24+$0x19700]  }
0x1c5: {  	v0 =	vld [tilespmem:s24+$0x19710]  }
0x1c6: {  	v1 =	vld [tilespmem:s24+$0x19720]  }
0x1c7: {  	v2 =	vld [tilespmem:s24+$0x19730]  }
0x1c8: {  	v3 =	vld [tilespmem:s24+$0x19740]  }
0x1c9: {  	v4 =	vld [tilespmem:s24+$0x19750]  }
0x1ca: {  	v5 =	vld [tilespmem:s24+$0x19760]  }
0x1cb: {  	v7 =	vld [tilespmem:s24+$0x19770]  }
0x1cc: {  	v9 =	vld [tilespmem:s24+$0x19780]  }
0x1cd: {  	v6 =	vld [tilespmem:s24+$0x19790]  }
0x1ce: {  	v8 =	vld [tilespmem:s24+$0x197A0]  }
0x1cf: {  	v10 =	vld [tilespmem:s24+$0x197B0]  }
0x1d0: {  	v11 =	vld [tilespmem:s24+$0x197C0]  }
0x1d1: {  	v12 =	vld [tilespmem:s24+$0x197D0]  }
0x1d2: {  	v13 =	vld [tilespmem:s24+$0x197E0]  }
0x1d3: {  	v15 =	vld [tilespmem:s24+$0x197F0]  }
0x1d4: {  	s25 =	simm.s32 $0x400;
	v14 =	vld.idx.msk [tilespmem:v14+s3+$0x0], $0xffff  }
.LBB2_12:
0x1d5: {  	p0 =	sne.s32 s25, $0x3C00;
	v16 =	vld.idx.msk [tilespmem:v0+s3+$0x0], $0xffff  }
0x1d6: {  	v17 =	vld.idx.msk [tilespmem:v1+s3+$0x0], $0xffff  }
0x1d7: {  	v18 =	vld.idx.msk [tilespmem:v2+s3+$0x0], $0xffff  }
0x1d8: {  	v19 =	vld.idx.msk [tilespmem:v3+s3+$0x0], $0xffff  }
0x1d9: {  	v20 =	vld.idx.msk [tilespmem:v4+s3+$0x0], $0xffff  }
0x1da: {  	v21 =	vld.idx.msk [tilespmem:v5+s3+$0x0], $0xffff  }
0x1db: {  	v22 =	vld.idx.msk [tilespmem:v7+s3+$0x0], $0xffff  }
0x1dc: {  	v23 =	vld.idx.msk [tilespmem:v9+s3+$0x0], $0xffff  }
0x1dd: {  	v0 =	vld.idx.msk [tilespmem:v15+s3+$0x0], $0xffff  }
0x1de: {  	v15 =	vld.idx.msk [tilespmem:v6+s3+$0x0], $0xffff  }
0x1df: {  	v24 =	vld.idx.msk [tilespmem:v8+s3+$0x0], $0xffff  }
0x1e0: {  	v25 =	vld.idx.msk [tilespmem:v10+s3+$0x0], $0xffff  }
0x1e1: {  	v26 =	vld.idx.msk [tilespmem:v11+s3+$0x0], $0xffff  }
0x1e2: {  	v27 =	vld.idx.msk [tilespmem:v12+s3+$0x0], $0xffff  }
0x1e3: {  	s26 =	sshra.s32 s25, $0x2;
	v28 =	vld.idx.msk [tilespmem:v13+s3+$0x0], $0xffff;
	[tilespmem:s24+$0x1D7F0] =	vst v0  }
0x1e4: {  	v29 =	vld [tilespmem:s26+$0x19700];
	[tilespmem:s24+$0x1D700] =	vst v14  }
0x1e5: {  	v0 =	vld [tilespmem:s26+$0x19710];
	[tilespmem:s24+$0x1D710] =	vst v16  }
0x1e6: {  	v1 =	vld [tilespmem:s26+$0x19720];
	[tilespmem:s24+$0x1D720] =	vst v17  }
0x1e7: {  	v2 =	vld [tilespmem:s26+$0x19730];
	[tilespmem:s24+$0x1D730] =	vst v18  }
0x1e8: {  	v3 =	vld [tilespmem:s26+$0x19740];
	[tilespmem:s24+$0x1D740] =	vst v19  }
0x1e9: {  	v4 =	vld [tilespmem:s26+$0x19750];
	[tilespmem:s24+$0x1D750] =	vst v20  }
0x1ea: {  	v5 =	vld [tilespmem:s26+$0x19760];
	[tilespmem:s24+$0x1D760] =	vst v21  }
0x1eb: {  	v7 =	vld [tilespmem:s26+$0x19770];
	[tilespmem:s24+$0x1D770] =	vst v22  }
0x1ec: {  	v9 =	vld [tilespmem:s26+$0x19780];
	[tilespmem:s24+$0x1D780] =	vst v23  }
0x1ed: {  	v6 =	vld [tilespmem:s26+$0x19790];
	[tilespmem:s24+$0x1D790] =	vst v15  }
0x1ee: {  	v8 =	vld [tilespmem:s26+$0x197A0];
	[tilespmem:s24+$0x1D7A0] =	vst v24  }
0x1ef: {  	v10 =	vld [tilespmem:s26+$0x197B0];
	[tilespmem:s24+$0x1D7B0] =	vst v25  }
.Ltmp5:
0x1f0: {  	v11 =	vld [tilespmem:s26+$0x197C0];
	[tilespmem:s24+$0x1D7C0] =	vst v26;
	(pc) =	sbr.rel @p0 .LBB2_12-.Ltmp5, $4  }
0x1f1: {  	v12 =	vld [tilespmem:s26+$0x197D0];
	[tilespmem:s24+$0x1D7D0] =	vst v27  }
0x1f2: {  	v13 =	vld [tilespmem:s26+$0x197E0];
	[tilespmem:s24+$0x1D7E0] =	vst v28;
	s24 =	smov.u32 s26  }
0x1f3: {  	v15 =	vld [tilespmem:s24+$0x197F0]  }
0x1f4: {  	s25 =	sadd.s32 $0x400, s25;
	v14 =	vld.idx.msk [tilespmem:v29+s3+$0x0], $0xffff  }
0x1f5: {  	_ =	sdelay $0x3  }
0x1f6: {  	v0 =	vld.idx.msk [tilespmem:v0+s3+$0x0], $0xffff  }
0x1f7: {  	v1 =	vld.idx.msk [tilespmem:v1+s3+$0x0], $0xffff  }
0x1f8: {  	v2 =	vld.idx.msk [tilespmem:v2+s3+$0x0], $0xffff  }
0x1f9: {  	v3 =	vld.idx.msk [tilespmem:v3+s3+$0x0], $0xffff  }
0x1fa: {  	v4 =	vld.idx.msk [tilespmem:v4+s3+$0x0], $0xffff  }
0x1fb: {  	v5 =	vld.idx.msk [tilespmem:v5+s3+$0x0], $0xffff  }
0x1fc: {  	v7 =	vld.idx.msk [tilespmem:v7+s3+$0x0], $0xffff  }
0x1fd: {  	v9 =	vld.idx.msk [tilespmem:v9+s3+$0x0], $0xffff  }
0x1fe: {  	v6 =	vld.idx.msk [tilespmem:v6+s3+$0x0], $0xffff  }
0x1ff: {  	v8 =	vld.idx.msk [tilespmem:v8+s3+$0x0], $0xffff  }
0x200: {  	v10 =	vld.idx.msk [tilespmem:v10+s3+$0x0], $0xffff  }
0x201: {  	v11 =	vld.idx.msk [tilespmem:v11+s3+$0x0], $0xffff  }
0x202: {  	v12 =	vld.idx.msk [tilespmem:v12+s3+$0x0], $0xffff  }
0x203: {  	v13 =	vld.idx.msk [tilespmem:v13+s3+$0x0], $0xffff  }
0x204: {  	v15 =	vld.idx.msk [tilespmem:v15+s3+$0x0], $0xffff;
	[tilespmem:s24+$0x1D700] =	vst v14  }
0x205: {  	[tilespmem:s24+$0x1D710] =	vst v0  }
0x206: {  	[tilespmem:s24+$0x1D720] =	vst v1  }
0x207: {  	[tilespmem:s24+$0x1D730] =	vst v2  }
0x208: {  	[tilespmem:s24+$0x1D740] =	vst v3  }
0x209: {  	[tilespmem:s24+$0x1D750] =	vst v4  }
0x20a: {  	[tilespmem:s24+$0x1D760] =	vst v5  }
0x20b: {  	[tilespmem:s24+$0x1D770] =	vst v7  }
0x20c: {  	[tilespmem:s24+$0x1D780] =	vst v9  }
0x20d: {  	[tilespmem:s24+$0x1D790] =	vst v6  }
0x20e: {  	[tilespmem:s24+$0x1D7A0] =	vst v8  }
0x20f: {  	[tilespmem:s24+$0x1D7B0] =	vst v10  }
0x210: {  	[tilespmem:s24+$0x1D7C0] =	vst v11  }
0x211: {  	[tilespmem:s24+$0x1D7D0] =	vst v12  }
0x212: {  	[tilespmem:s24+$0x1D7E0] =	vst v13  }
0x213: {  	[tilespmem:s24+$0x1D7F0] =	vst v15  }
0x214: {  	[hbm4b:s11+s15] =	stream.strided.scatter [tilespmem:s21], [sflag:$0x3], $0x1000, s16, s15, $0x38;
	[tilespmem:$0x1E700] =	vst v63  }
0x215: {  	_ =	swait.ge [sflag:s22], $0x1000  }
0x216: {  	[sflag:s22] =	ssyncset.done $0x0  }
0x217: {  	s24 =	simm.s32 $0x0;
	[sflag:s22] =	ssyncadd.s32 $0xFFFFF000  }
0x218: {  	v14 =	vld [tilespmem:s24+$0x1A700]  }
0x219: {  	v0 =	vld [tilespmem:s24+$0x1A710]  }
0x21a: {  	v1 =	vld [tilespmem:s24+$0x1A720]  }
0x21b: {  	v2 =	vld [tilespmem:s24+$0x1A730]  }
0x21c: {  	v3 =	vld [tilespmem:s24+$0x1A740]  }
0x21d: {  	v4 =	vld [tilespmem:s24+$0x1A750]  }
0x21e: {  	v5 =	vld [tilespmem:s24+$0x1A760]  }
0x21f: {  	v7 =	vld [tilespmem:s24+$0x1A770]  }
0x220: {  	v9 =	vld [tilespmem:s24+$0x1A780]  }
0x221: {  	v6 =	vld [tilespmem:s24+$0x1A790]  }
0x222: {  	v8 =	vld [tilespmem:s24+$0x1A7A0]  }
0x223: {  	v10 =	vld [tilespmem:s24+$0x1A7B0]  }
0x224: {  	v11 =	vld [tilespmem:s24+$0x1A7C0]  }
0x225: {  	v12 =	vld [tilespmem:s24+$0x1A7D0]  }
0x226: {  	v13 =	vld [tilespmem:s24+$0x1A7E0]  }
0x227: {  	v15 =	vld [tilespmem:s24+$0x1A7F0]  }
0x228: {  	s25 =	simm.s32 $0x400;
	v14 =	vld.idx.msk [tilespmem:v14+s3+$0x0], $0xffff  }
.LBB2_14:
0x229: {  	p0 =	sne.s32 s25, $0x3C00;
	v16 =	vld.idx.msk [tilespmem:v0+s3+$0x0], $0xffff  }
0x22a: {  	v17 =	vld.idx.msk [tilespmem:v1+s3+$0x0], $0xffff  }
0x22b: {  	v18 =	vld.idx.msk [tilespmem:v2+s3+$0x0], $0xffff  }
0x22c: {  	v19 =	vld.idx.msk [tilespmem:v3+s3+$0x0], $0xffff  }
0x22d: {  	v20 =	vld.idx.msk [tilespmem:v4+s3+$0x0], $0xffff  }
0x22e: {  	v21 =	vld.idx.msk [tilespmem:v5+s3+$0x0], $0xffff  }
0x22f: {  	v22 =	vld.idx.msk [tilespmem:v7+s3+$0x0], $0xffff  }
0x230: {  	v23 =	vld.idx.msk [tilespmem:v9+s3+$0x0], $0xffff  }
0x231: {  	v0 =	vld.idx.msk [tilespmem:v15+s3+$0x0], $0xffff  }
0x232: {  	v15 =	vld.idx.msk [tilespmem:v6+s3+$0x0], $0xffff  }
0x233: {  	v24 =	vld.idx.msk [tilespmem:v8+s3+$0x0], $0xffff  }
0x234: {  	v25 =	vld.idx.msk [tilespmem:v10+s3+$0x0], $0xffff  }
0x235: {  	v26 =	vld.idx.msk [tilespmem:v11+s3+$0x0], $0xffff  }
0x236: {  	v27 =	vld.idx.msk [tilespmem:v12+s3+$0x0], $0xffff  }
0x237: {  	s26 =	sshra.s32 s25, $0x2;
	v28 =	vld.idx.msk [tilespmem:v13+s3+$0x0], $0xffff;
	[tilespmem:s24+$0x1C7F0] =	vst v0  }
0x238: {  	v29 =	vld [tilespmem:s26+$0x1A700];
	[tilespmem:s24+$0x1C700] =	vst v14  }
0x239: {  	v0 =	vld [tilespmem:s26+$0x1A710];
	[tilespmem:s24+$0x1C710] =	vst v16  }
0x23a: {  	v1 =	vld [tilespmem:s26+$0x1A720];
	[tilespmem:s24+$0x1C720] =	vst v17  }
0x23b: {  	v2 =	vld [tilespmem:s26+$0x1A730];
	[tilespmem:s24+$0x1C730] =	vst v18  }
0x23c: {  	v3 =	vld [tilespmem:s26+$0x1A740];
	[tilespmem:s24+$0x1C740] =	vst v19  }
0x23d: {  	v4 =	vld [tilespmem:s26+$0x1A750];
	[tilespmem:s24+$0x1C750] =	vst v20  }
0x23e: {  	v5 =	vld [tilespmem:s26+$0x1A760];
	[tilespmem:s24+$0x1C760] =	vst v21  }
0x23f: {  	v7 =	vld [tilespmem:s26+$0x1A770];
	[tilespmem:s24+$0x1C770] =	vst v22  }
0x240: {  	v9 =	vld [tilespmem:s26+$0x1A780];
	[tilespmem:s24+$0x1C780] =	vst v23  }
0x241: {  	v6 =	vld [tilespmem:s26+$0x1A790];
	[tilespmem:s24+$0x1C790] =	vst v15  }
0x242: {  	v8 =	vld [tilespmem:s26+$0x1A7A0];
	[tilespmem:s24+$0x1C7A0] =	vst v24  }
0x243: {  	v10 =	vld [tilespmem:s26+$0x1A7B0];
	[tilespmem:s24+$0x1C7B0] =	vst v25  }
.Ltmp6:
0x244: {  	v11 =	vld [tilespmem:s26+$0x1A7C0];
	[tilespmem:s24+$0x1C7C0] =	vst v26;
	(pc) =	sbr.rel @p0 .LBB2_14-.Ltmp6, $4  }
0x245: {  	v12 =	vld [tilespmem:s26+$0x1A7D0];
	[tilespmem:s24+$0x1C7D0] =	vst v27  }
0x246: {  	v13 =	vld [tilespmem:s26+$0x1A7E0];
	[tilespmem:s24+$0x1C7E0] =	vst v28;
	s24 =	smov.u32 s26  }
0x247: {  	v15 =	vld [tilespmem:s24+$0x1A7F0]  }
0x248: {  	s25 =	sadd.s32 $0x400, s25;
	v14 =	vld.idx.msk [tilespmem:v29+s3+$0x0], $0xffff  }
0x249: {  	_ =	sdelay $0x3  }
0x24a: {  	v0 =	vld.idx.msk [tilespmem:v0+s3+$0x0], $0xffff  }
0x24b: {  	v1 =	vld.idx.msk [tilespmem:v1+s3+$0x0], $0xffff  }
0x24c: {  	v2 =	vld.idx.msk [tilespmem:v2+s3+$0x0], $0xffff  }
0x24d: {  	v3 =	vld.idx.msk [tilespmem:v3+s3+$0x0], $0xffff  }
0x24e: {  	v4 =	vld.idx.msk [tilespmem:v4+s3+$0x0], $0xffff  }
0x24f: {  	v5 =	vld.idx.msk [tilespmem:v5+s3+$0x0], $0xffff  }
0x250: {  	v7 =	vld.idx.msk [tilespmem:v7+s3+$0x0], $0xffff  }
0x251: {  	v9 =	vld.idx.msk [tilespmem:v9+s3+$0x0], $0xffff  }
0x252: {  	v6 =	vld.idx.msk [tilespmem:v6+s3+$0x0], $0xffff  }
0x253: {  	v8 =	vld.idx.msk [tilespmem:v8+s3+$0x0], $0xffff  }
0x254: {  	v10 =	vld.idx.msk [tilespmem:v10+s3+$0x0], $0xffff  }
0x255: {  	v11 =	vld.idx.msk [tilespmem:v11+s3+$0x0], $0xffff  }
0x256: {  	v12 =	vld.idx.msk [tilespmem:v12+s3+$0x0], $0xffff  }
0x257: {  	v13 =	vld.idx.msk [tilespmem:v13+s3+$0x0], $0xffff  }
0x258: {  	v15 =	vld.idx.msk [tilespmem:v15+s3+$0x0], $0xffff;
	[tilespmem:s24+$0x1C700] =	vst v14  }
0x259: {  	[tilespmem:s24+$0x1C710] =	vst v0  }
0x25a: {  	[tilespmem:s24+$0x1C720] =	vst v1  }
0x25b: {  	[tilespmem:s24+$0x1C730] =	vst v2  }
0x25c: {  	[tilespmem:s24+$0x1C740] =	vst v3  }
0x25d: {  	[tilespmem:s24+$0x1C750] =	vst v4  }
0x25e: {  	[tilespmem:s24+$0x1C760] =	vst v5  }
0x25f: {  	[tilespmem:s24+$0x1C770] =	vst v7  }
0x260: {  	[tilespmem:s24+$0x1C780] =	vst v9  }
0x261: {  	[tilespmem:s24+$0x1C790] =	vst v6  }
0x262: {  	[tilespmem:s24+$0x1C7A0] =	vst v8  }
0x263: {  	[tilespmem:s24+$0x1C7B0] =	vst v10  }
0x264: {  	[tilespmem:s24+$0x1C7C0] =	vst v11  }
0x265: {  	[tilespmem:s24+$0x1C7D0] =	vst v12  }
0x266: {  	[tilespmem:s24+$0x1C7E0] =	vst v13  }
0x267: {  	[tilespmem:s24+$0x1C7F0] =	vst v15  }
0x268: {  	[hbm4b:s12+s15] =	stream.strided.scatter [tilespmem:s20], [sflag:$0x3], $0x1000, s16, s15, $0x38;
	[tilespmem:$0x1E700] =	vst v63  }
0x269: {  	_ =	swait.ge [sflag:s22], $0x1000  }
0x26a: {  	[sflag:s22] =	ssyncset.done $0x0  }
0x26b: {  	s24 =	simm.s32 $0x0;
	[sflag:s22] =	ssyncadd.s32 $0xFFFFF000  }
0x26c: {  	v14 =	vld [tilespmem:s24+$0x1B700]  }
0x26d: {  	v0 =	vld [tilespmem:s24+$0x1B710]  }
0x26e: {  	v1 =	vld [tilespmem:s24+$0x1B720]  }
0x26f: {  	v2 =	vld [tilespmem:s24+$0x1B730]  }
0x270: {  	v3 =	vld [tilespmem:s24+$0x1B740]  }
0x271: {  	v4 =	vld [tilespmem:s24+$0x1B750]  }
0x272: {  	v5 =	vld [tilespmem:s24+$0x1B760]  }
0x273: {  	v7 =	vld [tilespmem:s24+$0x1B770]  }
0x274: {  	v9 =	vld [tilespmem:s24+$0x1B780]  }
0x275: {  	v6 =	vld [tilespmem:s24+$0x1B790]  }
0x276: {  	v8 =	vld [tilespmem:s24+$0x1B7A0]  }
0x277: {  	v10 =	vld [tilespmem:s24+$0x1B7B0]  }
0x278: {  	v11 =	vld [tilespmem:s24+$0x1B7C0]  }
0x279: {  	v12 =	vld [tilespmem:s24+$0x1B7D0]  }
0x27a: {  	v13 =	vld [tilespmem:s24+$0x1B7E0]  }
0x27b: {  	v15 =	vld [tilespmem:s24+$0x1B7F0]  }
0x27c: {  	s25 =	simm.s32 $0x400;
	v14 =	vld.idx.msk [tilespmem:v14+s3+$0x0], $0xffff  }
.LBB2_16:
0x27d: {  	p0 =	sne.s32 s25, $0x3C00;
	v16 =	vld.idx.msk [tilespmem:v0+s3+$0x0], $0xffff  }
0x27e: {  	v17 =	vld.idx.msk [tilespmem:v1+s3+$0x0], $0xffff  }
0x27f: {  	v18 =	vld.idx.msk [tilespmem:v2+s3+$0x0], $0xffff  }
0x280: {  	v19 =	vld.idx.msk [tilespmem:v3+s3+$0x0], $0xffff  }
0x281: {  	v20 =	vld.idx.msk [tilespmem:v4+s3+$0x0], $0xffff  }
0x282: {  	v21 =	vld.idx.msk [tilespmem:v5+s3+$0x0], $0xffff  }
0x283: {  	v22 =	vld.idx.msk [tilespmem:v7+s3+$0x0], $0xffff  }
0x284: {  	v23 =	vld.idx.msk [tilespmem:v9+s3+$0x0], $0xffff  }
0x285: {  	v0 =	vld.idx.msk [tilespmem:v15+s3+$0x0], $0xffff  }
0x286: {  	v15 =	vld.idx.msk [tilespmem:v6+s3+$0x0], $0xffff  }
0x287: {  	v24 =	vld.idx.msk [tilespmem:v8+s3+$0x0], $0xffff  }
0x288: {  	v25 =	vld.idx.msk [tilespmem:v10+s3+$0x0], $0xffff  }
0x289: {  	v26 =	vld.idx.msk [tilespmem:v11+s3+$0x0], $0xffff  }
0x28a: {  	v27 =	vld.idx.msk [tilespmem:v12+s3+$0x0], $0xffff  }
0x28b: {  	s26 =	sshra.s32 s25, $0x2;
	v28 =	vld.idx.msk [tilespmem:v13+s3+$0x0], $0xffff;
	[tilespmem:s24+$0x1D7F0] =	vst v0  }
0x28c: {  	v29 =	vld [tilespmem:s26+$0x1B700];
	[tilespmem:s24+$0x1D700] =	vst v14  }
0x28d: {  	v0 =	vld [tilespmem:s26+$0x1B710];
	[tilespmem:s24+$0x1D710] =	vst v16  }
0x28e: {  	v1 =	vld [tilespmem:s26+$0x1B720];
	[tilespmem:s24+$0x1D720] =	vst v17  }
0x28f: {  	v2 =	vld [tilespmem:s26+$0x1B730];
	[tilespmem:s24+$0x1D730] =	vst v18  }
0x290: {  	v3 =	vld [tilespmem:s26+$0x1B740];
	[tilespmem:s24+$0x1D740] =	vst v19  }
0x291: {  	v4 =	vld [tilespmem:s26+$0x1B750];
	[tilespmem:s24+$0x1D750] =	vst v20  }
0x292: {  	v5 =	vld [tilespmem:s26+$0x1B760];
	[tilespmem:s24+$0x1D760] =	vst v21  }
0x293: {  	v7 =	vld [tilespmem:s26+$0x1B770];
	[tilespmem:s24+$0x1D770] =	vst v22  }
0x294: {  	v9 =	vld [tilespmem:s26+$0x1B780];
	[tilespmem:s24+$0x1D780] =	vst v23  }
0x295: {  	v6 =	vld [tilespmem:s26+$0x1B790];
	[tilespmem:s24+$0x1D790] =	vst v15  }
0x296: {  	v8 =	vld [tilespmem:s26+$0x1B7A0];
	[tilespmem:s24+$0x1D7A0] =	vst v24  }
0x297: {  	v10 =	vld [tilespmem:s26+$0x1B7B0];
	[tilespmem:s24+$0x1D7B0] =	vst v25  }
.Ltmp7:
0x298: {  	v11 =	vld [tilespmem:s26+$0x1B7C0];
	[tilespmem:s24+$0x1D7C0] =	vst v26;
	(pc) =	sbr.rel @p0 .LBB2_16-.Ltmp7, $4  }
0x299: {  	v12 =	vld [tilespmem:s26+$0x1B7D0];
	[tilespmem:s24+$0x1D7D0] =	vst v27  }
0x29a: {  	v13 =	vld [tilespmem:s26+$0x1B7E0];
	[tilespmem:s24+$0x1D7E0] =	vst v28;
	s24 =	smov.u32 s26  }
0x29b: {  	v15 =	vld [tilespmem:s24+$0x1B7F0]  }
0x29c: {  	s25 =	sadd.s32 $0x400, s25;
	v14 =	vld.idx.msk [tilespmem:v29+s3+$0x0], $0xffff  }
0x29d: {  	_ =	sdelay $0x3  }
0x29e: {  	v0 =	vld.idx.msk [tilespmem:v0+s3+$0x0], $0xffff  }
0x29f: {  	v1 =	vld.idx.msk [tilespmem:v1+s3+$0x0], $0xffff  }
0x2a0: {  	v2 =	vld.idx.msk [tilespmem:v2+s3+$0x0], $0xffff  }
0x2a1: {  	v3 =	vld.idx.msk [tilespmem:v3+s3+$0x0], $0xffff  }
0x2a2: {  	v4 =	vld.idx.msk [tilespmem:v4+s3+$0x0], $0xffff  }
0x2a3: {  	v5 =	vld.idx.msk [tilespmem:v5+s3+$0x0], $0xffff  }
0x2a4: {  	v7 =	vld.idx.msk [tilespmem:v7+s3+$0x0], $0xffff  }
0x2a5: {  	v9 =	vld.idx.msk [tilespmem:v9+s3+$0x0], $0xffff  }
0x2a6: {  	v6 =	vld.idx.msk [tilespmem:v6+s3+$0x0], $0xffff  }
0x2a7: {  	v8 =	vld.idx.msk [tilespmem:v8+s3+$0x0], $0xffff  }
0x2a8: {  	v10 =	vld.idx.msk [tilespmem:v10+s3+$0x0], $0xffff  }
0x2a9: {  	v11 =	vld.idx.msk [tilespmem:v11+s3+$0x0], $0xffff  }
0x2aa: {  	v12 =	vld.idx.msk [tilespmem:v12+s3+$0x0], $0xffff  }
0x2ab: {  	v13 =	vld.idx.msk [tilespmem:v13+s3+$0x0], $0xffff  }
0x2ac: {  	v15 =	vld.idx.msk [tilespmem:v15+s3+$0x0], $0xffff;
	[tilespmem:s24+$0x1D700] =	vst v14  }
0x2ad: {  	[tilespmem:s24+$0x1D710] =	vst v0  }
0x2ae: {  	[tilespmem:s24+$0x1D720] =	vst v1  }
0x2af: {  	[tilespmem:s24+$0x1D730] =	vst v2  }
0x2b0: {  	[tilespmem:s24+$0x1D740] =	vst v3  }
0x2b1: {  	[tilespmem:s24+$0x1D750] =	vst v4  }
0x2b2: {  	[tilespmem:s24+$0x1D760] =	vst v5  }
0x2b3: {  	[tilespmem:s24+$0x1D770] =	vst v7  }
0x2b4: {  	[tilespmem:s24+$0x1D780] =	vst v9  }
0x2b5: {  	[tilespmem:s24+$0x1D790] =	vst v6  }
0x2b6: {  	[tilespmem:s24+$0x1D7A0] =	vst v8  }
0x2b7: {  	[tilespmem:s24+$0x1D7B0] =	vst v10  }
0x2b8: {  	[tilespmem:s24+$0x1D7C0] =	vst v11  }
0x2b9: {  	[tilespmem:s24+$0x1D7D0] =	vst v12  }
0x2ba: {  	[tilespmem:s24+$0x1D7E0] =	vst v13  }
0x2bb: {  	s23 =	sadd.s32 $0x1, s23;
	[tilespmem:s24+$0x1D7F0] =	vst v15  }
0x2bc: {  	[hbm4b:s13+s15] =	stream.strided.scatter [tilespmem:s21], [sflag:$0x3], $0x1000, s16, s15, $0x38;
	[tilespmem:$0x1E700] =	vst v63  }
0x2bd: {  	p0 =	sne.s32 s23, s14;
	_ =	swait.ge [sflag:s22], $0x1000  }
.Ltmp8:
0x2be: {  	[sflag:s22] =	ssyncset.done $0x0;
	(pc) =	sbr.rel @p0 .LBB2_1-.Ltmp8, $4  }
0x2bf: {  	[sflag:s22] =	ssyncadd.s32 $0xFFFFF000  }
0x2c0: {  	_ =	swait.ge [sflag:s22], $0x1000  }
0x2c1: {  	[sflag:s22] =	ssyncset.done $0x0  }
0x2c2: {  	[sflag:s22] =	ssyncadd.s32 $0xFFFFF000  }
0x2c3: {  	_ =	sfence.sel $0x180000  }
0x2c4: {  	[bflag:$0x0] =	sbarrier.arrive $0xFFFF  }
0x2c5: {  	p0 =	sne.s32 s2, $0x0;
	_ =	strace $0x90000047  }
0x2c6: {  	s0 =	sadd.s32 @!p0 $0x100000, s0;
	[bflag:$0x2] =	sbarrier.arrive $0xFFFF  }
0x2c7: {  	[sflag:s0] =	ssyncadd.tile.s32 @!p0 $0x1;
	_ =	shalt  }
.Lfunc_end2:
_tile_overlayer_lowered:
.L_overlay_start_2:
0x2c8: {  	(tag) =	ssettag $0x2  }
0x2c9: {  	s0 =	rddreg [dreg:$0x0];
	s2 =	stileid.u32  }
0x2ca: {  	s1 =	rddreg [dreg:$0x1];
	p0 =	sne.s32 s2, $0x0  }
0x2cb: {  	s3 =	rddreg [dreg:$0x2];
	[bflag:$0x3] =	sbarrier.arrive $0xFFFF;
	s2 =	simm.s32 @!p0 $0x1C04  }
0x2cc: {  	[timem:s3], [sflag:s2] =	dma.local @!p0 [hbm:s0], s1  }
0x2cd: {  	s0 =	simm.s32 @!p0 $0x4  }
0x2ce: {  	_ =	swait.ge @!p0 [sflag:s0], s1  }
0x2cf: {  	s1 =	ssub.s32 @!p0 $0x0, s1;
	[sflag:s0] =	ssyncset.done @!p0 $0x0  }
0x2d0: {  	[sflag:s0] =	ssyncadd.s32 @!p0 s1  }
0x2d1: {  	[bflag:$0x3] =	sbarrier.arrive $0xFFFF  }
0x2d2: {  	_ =	shalt  }

</sc_bundles>
